<compile_context>
chip_gen: v7x
topology: tpu7x:2x2x1
jax: 0.10.2.dev20260603
libtpu: 0.0.44.dev20260713+nightly
codegen_flags: <defaults>
</compile_context>

<pallas_src>
import functools
import math

import jax
import jax.numpy as jnp
from jax import lax
from jax.experimental import pallas as pl
from jax.experimental.pallas import tpu as pltpu
from jax.experimental.pallas import tpu_sc as plsc

K_TOP = 8
H = 8


def _qk_body(q_ref, kT_ref, wqT_ref, wk_ref, wqiT_ref, bqi_ref, st_ref,
             pos_ref, wkiT_ref, wviT_ref, bki_ref, bvi_ref,
             logits_ref, q8T_ref, posk_ref, posv_ref,
             *, inv_sqrt_d, inv_sqrt_dh):
    q = q_ref[0]
    qh = jnp.dot(q, wqT_ref[...], preferred_element_type=jnp.float32)
    khT = jnp.dot(wk_ref[...], kT_ref[0], preferred_element_type=jnp.float32)
    logits_ref[0] = jnp.dot(qh, khT, preferred_element_type=jnp.float32) * inv_sqrt_d
    q2 = jnp.dot(qh, wqiT_ref[...], preferred_element_type=jnp.float32) + bqi_ref[...]
    T = q2.shape[0]
    q8 = st_ref[...][:, None, :] * (q2 * inv_sqrt_dh)[None, :, :]
    q8T_ref[0] = jnp.transpose(q8.reshape(H * T, q2.shape[1]))
    posk_ref[...] = jnp.dot(pos_ref[...], wkiT_ref[...],
                            preferred_element_type=jnp.float32) + bki_ref[...]
    posv_ref[...] = jnp.dot(pos_ref[...], wviT_ref[...],
                            preferred_element_type=jnp.float32) + bvi_ref[...]


def _fused_body(c_ref, wkiT_ref, wviT_ref, posk_ref, posv_ref,
                q8T_ref, swT_ref, woT_ref, bo_ref,
                out_ref, ctx_scr, *, mt, t_len, n_mt):
    m = pl.program_id(1)
    CH, C, D = c_ref.shape[1], c_ref.shape[2], c_ref.shape[3]
    T = t_len
    dh = D // H
    x = c_ref[0].reshape(CH * C, D)
    k2 = (jnp.dot(x, wkiT_ref[...], preferred_element_type=jnp.float32)
          .reshape(CH, C, D) + posk_ref[...][None, :, :])
    v2 = (jnp.dot(x, wviT_ref[...], preferred_element_type=jnp.float32)
          .reshape(CH, C, D) + posv_ref[...][None, :, :])
    sc = jnp.dot(k2.reshape(CH * C, D), q8T_ref[0],
                 preferred_element_type=jnp.float32)
    scr = sc.reshape(CH, C, H * T)
    mx = jnp.max(scr, axis=1, keepdims=True)
    e = jnp.exp(scr - mx)
    attn = e / jnp.sum(e, axis=1, keepdims=True)
    swexp = jnp.tile(swT_ref[0], (1, H))
    attn_w = attn * swexp[:, None, :]
    part = lax.dot_general(attn_w.reshape(CH * C, H * T),
                           v2.reshape(CH * C, D),
                           (((0,), (0,)), ((), ())),
                           preferred_element_type=jnp.float32)

    @pl.when(m == 0)
    def _():
        ctx_scr[...] = jnp.zeros_like(ctx_scr)

    ctx_scr[...] += part

    @pl.when(m == n_mt - 1)
    def _():
        ctx = jnp.concatenate(
            [ctx_scr[h * T:(h + 1) * T, h * dh:(h + 1) * dh]
             for h in range(H)], axis=1)
        out_ref[0] = jnp.dot(ctx, woT_ref[...],
                             preferred_element_type=jnp.float32) + bo_ref[...]


def _lane_shuffle(x, perm):
    return lax.gather(
        x, perm[:, None],
        dimension_numbers=lax.GatherDimensionNumbers(
            offset_dims=(), collapsed_slice_dims=(0,), start_index_map=(0,)),
        slice_sizes=(1,),
        mode=lax.GatherScatterMode.PROMISE_IN_BOUNDS)


def _lane_reduce(x, op, lane):
    for shift in (1, 2, 4, 8):
        perm = jnp.bitwise_and(lane + shift, 15)
        x = op(x, _lane_shuffle(x, perm))
    return x


def _sc_topk(logits2d, n_rows, n_mem, k_top):
    NC, NS = 2, 16
    NW = NC * NS
    rpw = n_rows // NW
    nv = n_mem // 16
    mesh = plsc.VectorSubcoreMesh(core_axis_name="c", subcore_axis_name="s")

    @functools.partial(
        pl.kernel,
        mesh=mesh,
        out_type=jax.ShapeDtypeStruct((n_rows, n_mem), jnp.float32),
        scratch_types=[pltpu.VMEM((n_mem,), jnp.float32),
                       pltpu.VMEM((n_mem,), jnp.float32)],
    )
    def sc_body(logits_hbm, selw_hbm, lrow_v, sel_v):
        wid = lax.axis_index("s") * NC + lax.axis_index("c")
        lane = lax.broadcasted_iota(jnp.int32, (16,), 0)
        zero16 = jnp.zeros((16,), jnp.float32)
        NEG = jnp.float32(-3.0e38)
        for r in range(rpw):
            row = wid * rpw + r
            pltpu.sync_copy(logits_hbm.at[row], lrow_v)
            vals = [lrow_v[pl.ds(j * 16, 16)] for j in range(nv)]
            idxs = [lane + j * 16 for j in range(nv)]
            topv = jnp.full((16,), NEG, jnp.float32)
            topi = jnp.zeros((16,), jnp.int32)
            for kk in range(k_top):
                m = vals[0]
                for j in range(1, nv):
                    m = jnp.maximum(m, vals[j])
                mx = _lane_reduce(m, jnp.maximum, lane)
                cand = jnp.full((16,), jnp.int32(n_mem * 2), jnp.int32)
                for j in range(nv):
                    cand = jnp.minimum(
                        cand, jnp.where(vals[j] == mx, idxs[j],
                                        jnp.int32(n_mem * 2)))
                ami = _lane_reduce(cand, jnp.minimum, lane)
                topv = jnp.where(lane == kk, mx, topv)
                topi = jnp.where(lane == kk, ami, topi)
                for j in range(nv):
                    vals[j] = jnp.where(idxs[j] == ami, NEG, vals[j])
            mall = _lane_reduce(topv, jnp.maximum, lane)
            e = jnp.exp(topv - mall)
            e = jnp.where(lane < k_top, e, jnp.float32(0.0))
            wrow = e / _lane_reduce(e, jnp.add, lane)
            sel = [zero16] * nv
            for kk in range(k_top):
                pk = jnp.full((16,), kk, jnp.int32)
                tb = _lane_shuffle(topi, pk)
                wb = _lane_shuffle(wrow, pk)
                for j in range(nv):
                    sel[j] = jnp.where(idxs[j] == tb, wb, sel[j])
            for j in range(nv):
                sel_v[pl.ds(j * 16, 16)] = sel[j]
            pltpu.sync_copy(sel_v, selw_hbm.at[row])

    return sc_body(logits2d)


def kernel(queries, keys, contents, steps_since_last_write, accumulator,
           Wq, Wk, Wv, in_proj_w, in_proj_b, out_w, out_b):
    B, T, D = queries.shape
    _, M, C, _ = contents.shape
    dh = D // H
    BT = B * T
    f32 = jnp.float32

    Wqi, Wki, Wvi = jnp.split(in_proj_w, 3, axis=0)
    bqi, bki, bvi = jnp.split(in_proj_b, 3)
    WqT, WqiT = Wq.T, Wqi.T
    WkiT, WviT = Wki.T, Wvi.T
    woT = out_w.T
    keysT = keys.transpose(0, 2, 1)

    freqs = jnp.arange(0.0, D, 2.0)
    inv_freq = 10000.0 ** (-freqs / D)
    pos_seq = jnp.arange(C - 1.0, -1.0, -1.0)
    sinusoid = pos_seq[:, None] * inv_freq[None, :]
    pos = jnp.concatenate([jnp.sin(sinusoid), jnp.cos(sinusoid)], axis=-1)

    MT = 64
    n_mt = M // MT

    S = (jnp.arange(D)[:, None] // dh == jnp.arange(H)[None, :]).astype(f32)
    ST = S.T

    logits, q8T, posk, posv = pl.pallas_call(
        functools.partial(_qk_body, inv_sqrt_d=1.0 / math.sqrt(D),
                          inv_sqrt_dh=1.0 / math.sqrt(dh)),
        grid=(B,),
        in_specs=[
            pl.BlockSpec((1, T, D), lambda b: (b, 0, 0)),
            pl.BlockSpec((1, D, M), lambda b: (b, 0, 0)),
            pl.BlockSpec((D, D), lambda b: (0, 0)),
            pl.BlockSpec((D, D), lambda b: (0, 0)),
            pl.BlockSpec((D, D), lambda b: (0, 0)),
            pl.BlockSpec((1, D), lambda b: (0, 0)),
            pl.BlockSpec((H, D), lambda b: (0, 0)),
            pl.BlockSpec((C, D), lambda b: (0, 0)),
            pl.BlockSpec((D, D), lambda b: (0, 0)),
            pl.BlockSpec((D, D), lambda b: (0, 0)),
            pl.BlockSpec((1, D), lambda b: (0, 0)),
            pl.BlockSpec((1, D), lambda b: (0, 0)),
        ],
        out_specs=[
            pl.BlockSpec((1, T, M), lambda b: (b, 0, 0)),
            pl.BlockSpec((1, D, T * H), lambda b: (b, 0, 0)),
            pl.BlockSpec((C, D), lambda b: (0, 0)),
            pl.BlockSpec((C, D), lambda b: (0, 0)),
        ],
        out_shape=[
            jax.ShapeDtypeStruct((B, T, M), f32),
            jax.ShapeDtypeStruct((B, D, T * H), f32),
            jax.ShapeDtypeStruct((C, D), f32),
            jax.ShapeDtypeStruct((C, D), f32),
        ],
        compiler_params=pltpu.CompilerParams(
            dimension_semantics=("arbitrary",)),
    )(queries, keysT, WqT, Wk, WqiT, bqi.reshape(1, D), ST, pos,
      WkiT, WviT, bki.reshape(1, D), bvi.reshape(1, D))

    selw = _sc_topk(logits.reshape(BT, M), BT, M, K_TOP)
    swT = selw.reshape(B, T, M).transpose(0, 2, 1)

    out = pl.pallas_call(
        functools.partial(_fused_body, mt=MT, t_len=T, n_mt=n_mt),
        grid=(B, n_mt),
        in_specs=[
            pl.BlockSpec((1, MT, C, D), lambda b, m: (b, m, 0, 0)),
            pl.BlockSpec((D, D), lambda b, m: (0, 0)),
            pl.BlockSpec((D, D), lambda b, m: (0, 0)),
            pl.BlockSpec((C, D), lambda b, m: (0, 0)),
            pl.BlockSpec((C, D), lambda b, m: (0, 0)),
            pl.BlockSpec((1, D, T * H), lambda b, m: (b, 0, 0)),
            pl.BlockSpec((1, MT, T), lambda b, m: (b, m, 0)),
            pl.BlockSpec((D, D), lambda b, m: (0, 0)),
            pl.BlockSpec((1, D), lambda b, m: (0, 0)),
        ],
        out_specs=pl.BlockSpec((1, T, D), lambda b, m: (b, 0, 0)),
        out_shape=jax.ShapeDtypeStruct((B, T, D), f32),
        scratch_shapes=[pltpu.VMEM((H * T, D), f32)],
        compiler_params=pltpu.CompilerParams(
            dimension_semantics=("arbitrary", "arbitrary")),
    )(contents, WkiT, WviT, posk, posv,
      q8T, swT, woT, out_b.reshape(1, D))

    return out

# --- scband reference (transcript-rebuilt; emitter-appended) ---
"""Pipeline reference for scband-hierarchical-memory-attention-final-10969346474716 (READ-ONLY COPY).

The authoritative reference and input builder live on the scoring server;
editing this copy changes nothing except your own understanding.
"""

import jax, jax.numpy as jnp
import numpy as np
import math

def sinusoid_position_encoding(seq_len, hidden):
    freqs = jnp.arange(0.0, hidden, 2.0)
    inv_freq = 10000.0 ** (-freqs / hidden)
    pos_seq = jnp.arange(seq_len - 1.0, -1.0, -1.0)
    sinusoid_inp = pos_seq[:, None] * inv_freq[None, :]
    return jnp.concatenate([jnp.sin(sinusoid_inp), jnp.cos(sinusoid_inp)], axis=-1)

def setup_inputs(seed: int = 0):
    key = jax.random.key(seed)
    B, T, M, C, D = 2, 32, 64, 64, 512
    ks = jax.random.split(key, 10)
    xg = 2.0 * np.sqrt(6.0 / (D + D))
    ig = np.sqrt(6.0 / (D + 3 * D))
    og = np.sqrt(1.0 / D)
    return {
        'queries': jax.random.normal(ks[0], (B, T, D), jnp.float32),
        'keys': jax.random.normal(ks[1], (B, M, D), jnp.float32),
        'contents': jax.random.normal(ks[2], (B, M, C, D), jnp.float32),
        'steps_since_last_write': jnp.zeros((B,), jnp.int32),
        'accumulator': jnp.zeros((B, C, D), jnp.float32),
        'Wq': jax.random.uniform(ks[3], (D, D), jnp.float32, -xg, xg),
        'Wk': jax.random.uniform(ks[4], (D, D), jnp.float32, -xg, xg),
        'Wv': jax.random.uniform(ks[5], (D, D), jnp.float32, -xg, xg),
        'in_proj_w': jax.random.uniform(ks[6], (3 * D, D), jnp.float32, -ig, ig),
        'in_proj_b': jnp.zeros((3 * D,), jnp.float32),
        'out_w': jax.random.uniform(ks[7], (D, D), jnp.float32, -og, og),
        'out_b': jnp.zeros((D,), jnp.float32),
    }

def reference(queries, keys, contents, steps_since_last_write, accumulator, Wq, Wk, Wv, in_proj_w, in_proj_b, out_w, out_b):
    K_TOP = 8
    H = 8
    B, T, D = queries.shape
    _, M, C, _ = contents.shape
    dh = D // H
    qh = queries @ Wq.T
    kh = keys @ Wk.T
    vh = contents @ Wv.T  # dead code in original module, kept for faithfulness
    logits = jnp.einsum('btd,bmd->btm', qh, kh) / math.sqrt(D)
    top_v, top_i = jax.lax.top_k(logits, K_TOP)
    w = jax.nn.softmax(top_v, axis=-1)
    bidx = jnp.arange(B)[:, None, None]
    top_c = contents[bidx, top_i]
    pos = sinusoid_position_encoding(C, D)
    top_c = top_c + pos[None, None, None, :, :]
    top_c = top_c.reshape(B * T * K_TOP, C, D)
    q_exp = jnp.broadcast_to(qh[:, :, None, :], (B, T, K_TOP, D)).reshape(B * T * K_TOP, 1, D)
    Wqi, Wki, Wvi = jnp.split(in_proj_w, 3, axis=0)
    bqi, bki, bvi = jnp.split(in_proj_b, 3)
    q2 = (q_exp @ Wqi.T + bqi).reshape(-1, 1, H, dh).transpose(0, 2, 1, 3)
    k2 = (top_c @ Wki.T + bki).reshape(-1, C, H, dh).transpose(0, 2, 1, 3)
    v2 = (top_c @ Wvi.T + bvi).reshape(-1, C, H, dh).transpose(0, 2, 1, 3)
    attn = jax.nn.softmax(jnp.einsum('nhqd,nhkd->nhqk', q2, k2) / math.sqrt(dh), axis=-1)
    o = jnp.einsum('nhqk,nhkd->nhqd', attn, v2).transpose(0, 2, 1, 3).reshape(-1, 1, D)
    o = o @ out_w.T + out_b
    attn_output = o.reshape(B, T, K_TOP, D)
    return (w[..., None] * attn_output).sum(axis=2)

if __name__ == "__main__":
    import jax
    _d = setup_inputs()
    print(jax.jit(kernel)(*tuple(_d.values())))

</pallas_src>

<mosaic_0001>
#map = affine_map<(d0, d1) -> (0, 0)>
module attributes {stable_mosaic.version = 14 : i64} {
  func.func @sc_body(%arg0: i32, %arg1: i32, %arg2: memref<64x64xf32, #tpu.memory_space<hbm>>, %arg3: memref<64x64xf32, #tpu.memory_space<hbm>>, %arg4: memref<64xf32, #tpu.memory_space<vmem>>, %arg5: memref<64xf32, #tpu.memory_space<vmem>>) attributes {dimension_semantics = [#tpu.dimension_semantics<core_parallel>, #tpu.dimension_semantics<subcore_parallel>], iteration_bounds = array<i64: 2, 16>, scalar_prefetch = 0 : i64, scratch_operands = 2 : i64, tpu.core_type = #tpu.core_type<sc_vector_subcore>, window_params = [{transform_indices = #map}, {transform_indices = #map}]} {
    %mul3A = arith.constant 2 : i32
    %mul3A_0 = arith.muli %arg1, %mul3A : i32
    %add3A = arith.addi %mul3A_0, %arg0 : i32
    %iota3A = tpu.iota {dimensions = array<i32: 0>} : vector<16xi32>
    %broadcast_in_dim3A = arith.constant 0.000000e+00 : f32
    %broadcast_in_dim3A_1 = vector.broadcast %broadcast_in_dim3A : f32 to vector<16xf32>
    %mul3A_2 = arith.constant 2 : i32
    %mul3A_3 = arith.muli %add3A, %mul3A_2 : i32
    %add3A_4 = arith.constant 0 : i32
    %add3A_5 = arith.addi %mul3A_3, %add3A_4 : i32
    "tpu.region"() ({
      %run_scoped3A = tpu.sem_alloc : memref<!tpu.dma_semaphore, #tpu.memory_space<semaphore_mem>>
      %dma_start3A = arith.constant 0 : i32
      %dma_start3A_2583 = tpu.memref_slice %arg2[%add3A_5, %dma_start3A] : memref<64x64xf32, #tpu.memory_space<hbm>> -> memref<1x64xf32, #tpu.memory_space<hbm>>
      %dma_start3A_2584 = tpu.memref_squeeze %dma_start3A_2583 : memref<1x64xf32, #tpu.memory_space<hbm>> -> memref<64xf32, #tpu.memory_space<hbm>>
      %dma_start3A_2585 = arith.constant 0 : i32
      %dma_start3A_2586 = tpu.memref_slice %arg2[%add3A_5, %dma_start3A_2585] : memref<64x64xf32, #tpu.memory_space<hbm>> -> memref<1x64xf32, #tpu.memory_space<hbm>>
      %dma_start3A_2587 = tpu.memref_squeeze %dma_start3A_2586 : memref<1x64xf32, #tpu.memory_space<hbm>> -> memref<64xf32, #tpu.memory_space<hbm>>
      tpu.enqueue_dma source(%dma_start3A_2587 : memref<64xf32, #tpu.memory_space<hbm>>) target(%arg4 : memref<64xf32, #tpu.memory_space<vmem>>) target_semaphore(%run_scoped3A : memref<!tpu.dma_semaphore, #tpu.memory_space<semaphore_mem>>)
      %dma_wait3A = arith.constant 0 : i32
      %dma_wait3A_2588 = tpu.memref_slice %arg2[%add3A_5, %dma_wait3A] : memref<64x64xf32, #tpu.memory_space<hbm>> -> memref<1x64xf32, #tpu.memory_space<hbm>>
      %dma_wait3A_2589 = tpu.memref_squeeze %dma_wait3A_2588 : memref<1x64xf32, #tpu.memory_space<hbm>> -> memref<64xf32, #tpu.memory_space<hbm>>
      %dma_wait3A_2590 = arith.constant 0 : i32
      %dma_wait3A_2591 = tpu.memref_slice %arg2[%add3A_5, %dma_wait3A_2590] : memref<64x64xf32, #tpu.memory_space<hbm>> -> memref<1x64xf32, #tpu.memory_space<hbm>>
      %dma_wait3A_2592 = tpu.memref_squeeze %dma_wait3A_2591 : memref<1x64xf32, #tpu.memory_space<hbm>> -> memref<64xf32, #tpu.memory_space<hbm>>
      tpu.wait_dma2 semaphore(%run_scoped3A : memref<!tpu.dma_semaphore, #tpu.memory_space<semaphore_mem>>) src(%dma_wait3A_2592 : memref<64xf32, #tpu.memory_space<hbm>>) dst(%arg4 : memref<64xf32, #tpu.memory_space<vmem>>)
      tpu.yield
    }) : () -> ()
    %get3A = arith.constant 0 : index
    %get3A_6 = tpu.vector_load %arg4[%get3A] {strides = array<i32>} : memref<64xf32, #tpu.memory_space<vmem>>, vector<16xf32>,
    %get3A_7 = vector.shape_cast %get3A_6 : vector<16xf32> to vector<16xf32>
    %get3A_8 = arith.constant 16 : index
    %get3A_9 = tpu.vector_load %arg4[%get3A_8] {strides = array<i32>} : memref<64xf32, #tpu.memory_space<vmem>>, vector<16xf32>,
    %get3A_10 = vector.shape_cast %get3A_9 : vector<16xf32> to vector<16xf32>
    %get3A_11 = arith.constant 32 : index
    %get3A_12 = tpu.vector_load %arg4[%get3A_11] {strides = array<i32>} : memref<64xf32, #tpu.memory_space<vmem>>, vector<16xf32>,
    %get3A_13 = vector.shape_cast %get3A_12 : vector<16xf32> to vector<16xf32>
    %get3A_14 = arith.constant 48 : index
    %get3A_15 = tpu.vector_load %arg4[%get3A_14] {strides = array<i32>} : memref<64xf32, #tpu.memory_space<vmem>>, vector<16xf32>,
    %get3A_16 = vector.shape_cast %get3A_15 : vector<16xf32> to vector<16xf32>
    %add3A_17 = arith.constant 0 : i32
    %add3A_18 = vector.broadcast %add3A_17 : i32 to vector<16xi32>
    %add3A_19 = arith.addi %iota3A, %add3A_18 : vector<16xi32>
    %add3A_20 = arith.constant 16 : i32
    %add3A_21 = vector.broadcast %add3A_20 : i32 to vector<16xi32>
    %add3A_22 = arith.addi %iota3A, %add3A_21 : vector<16xi32>
    %add3A_23 = arith.constant 32 : i32
    %add3A_24 = vector.broadcast %add3A_23 : i32 to vector<16xi32>
    %add3A_25 = arith.addi %iota3A, %add3A_24 : vector<16xi32>
    %add3A_26 = arith.constant 48 : i32
    %add3A_27 = vector.broadcast %add3A_26 : i32 to vector<16xi32>
    %add3A_28 = arith.addi %iota3A, %add3A_27 : vector<16xi32>
    %broadcast_in_dim3A_29 = arith.constant -3.000000e+38 : f32
    %broadcast_in_dim3A_30 = vector.broadcast %broadcast_in_dim3A_29 : f32 to vector<16xf32>
    %broadcast_in_dim3A_31 = arith.constant 0 : i32
    %broadcast_in_dim3A_32 = vector.broadcast %broadcast_in_dim3A_31 : i32 to vector<16xi32>
    %max3A = arith.maximumf %get3A_7, %get3A_10 : vector<16xf32>
    %max3A_33 = arith.maximumf %max3A, %get3A_13 : vector<16xf32>
    %max3A_34 = arith.maximumf %max3A_33, %get3A_16 : vector<16xf32>
    %add3A_35 = arith.constant 1 : i32
    %add3A_36 = vector.broadcast %add3A_35 : i32 to vector<16xi32>
    %add3A_37 = arith.addi %iota3A, %add3A_36 : vector<16xi32>
    %and3A = arith.constant 15 : i32
    %and3A_38 = vector.broadcast %and3A : i32 to vector<16xi32>
    %and3A_39 = arith.andi %add3A_37, %and3A_38 : vector<16xi32>
    %broadcast_in_dim3A_40 = vector.shape_cast %and3A_39 : vector<16xi32> to vector<16x1xi32>
    %gather3A = vector.shape_cast %broadcast_in_dim3A_40 : vector<16x1xi32> to vector<16xi32>
    %gather3A_41 = tpu.dynamic_gather %max3A_34[%gather3A] in [0] : vector<16xf32>, vector<16xi32> -> vector<16xf32>
    %max3A_42 = arith.maximumf %max3A_34, %gather3A_41 : vector<16xf32>
    %add3A_43 = arith.constant 2 : i32
    %add3A_44 = vector.broadcast %add3A_43 : i32 to vector<16xi32>
    %add3A_45 = arith.addi %iota3A, %add3A_44 : vector<16xi32>
    %and3A_46 = arith.constant 15 : i32
    %and3A_47 = vector.broadcast %and3A_46 : i32 to vector<16xi32>
    %and3A_48 = arith.andi %add3A_45, %and3A_47 : vector<16xi32>
    %broadcast_in_dim3A_49 = vector.shape_cast %and3A_48 : vector<16xi32> to vector<16x1xi32>
    %gather3A_50 = vector.shape_cast %broadcast_in_dim3A_49 : vector<16x1xi32> to vector<16xi32>
    %gather3A_51 = tpu.dynamic_gather %max3A_42[%gather3A_50] in [0] : vector<16xf32>, vector<16xi32> -> vector<16xf32>
    %max3A_52 = arith.maximumf %max3A_42, %gather3A_51 : vector<16xf32>
    %add3A_53 = arith.constant 4 : i32
    %add3A_54 = vector.broadcast %add3A_53 : i32 to vector<16xi32>
    %add3A_55 = arith.addi %iota3A, %add3A_54 : vector<16xi32>
    %and3A_56 = arith.constant 15 : i32
    %and3A_57 = vector.broadcast %and3A_56 : i32 to vector<16xi32>
    %and3A_58 = arith.andi %add3A_55, %and3A_57 : vector<16xi32>
    %broadcast_in_dim3A_59 = vector.shape_cast %and3A_58 : vector<16xi32> to vector<16x1xi32>
    %gather3A_60 = vector.shape_cast %broadcast_in_dim3A_59 : vector<16x1xi32> to vector<16xi32>
    %gather3A_61 = tpu.dynamic_gather %max3A_52[%gather3A_60] in [0] : vector<16xf32>, vector<16xi32> -> vector<16xf32>
    %max3A_62 = arith.maximumf %max3A_52, %gather3A_61 : vector<16xf32>
    %add3A_63 = arith.constant 8 : i32
    %add3A_64 = vector.broadcast %add3A_63 : i32 to vector<16xi32>
    %add3A_65 = arith.addi %iota3A, %add3A_64 : vector<16xi32>
    %and3A_66 = arith.constant 15 : i32
    %and3A_67 = vector.broadcast %and3A_66 : i32 to vector<16xi32>
    %and3A_68 = arith.andi %add3A_65, %and3A_67 : vector<16xi32>
    %broadcast_in_dim3A_69 = vector.shape_cast %and3A_68 : vector<16xi32> to vector<16x1xi32>
    %gather3A_70 = vector.shape_cast %broadcast_in_dim3A_69 : vector<16x1xi32> to vector<16xi32>
    %gather3A_71 = tpu.dynamic_gather %max3A_62[%gather3A_70] in [0] : vector<16xf32>, vector<16xi32> -> vector<16xf32>
    %max3A_72 = arith.maximumf %max3A_62, %gather3A_71 : vector<16xf32>
    %broadcast_in_dim3A_73 = arith.constant 128 : i32
    %broadcast_in_dim3A_74 = vector.broadcast %broadcast_in_dim3A_73 : i32 to vector<16xi32>
    %eq3A = arith.cmpf oeq, %get3A_7, %max3A_72 : vector<16xf32>
    %jit3A = arith.constant 128 : i32
    %broadcast_in_dim3A_75 = vector.broadcast %jit3A : i32 to vector<16xi32>
    %select_n3A = arith.select %eq3A, %add3A_19, %broadcast_in_dim3A_75 : vector<16xi1>, vector<16xi32>
    %min3A = arith.minsi %broadcast_in_dim3A_74, %select_n3A : vector<16xi32>
    %eq3A_76 = arith.cmpf oeq, %get3A_10, %max3A_72 : vector<16xf32>
    %jit3A_77 = arith.constant 128 : i32
    %broadcast_in_dim3A_78 = vector.broadcast %jit3A_77 : i32 to vector<16xi32>
    %select_n3A_79 = arith.select %eq3A_76, %add3A_22, %broadcast_in_dim3A_78 : vector<16xi1>, vector<16xi32>
    %min3A_80 = arith.minsi %min3A, %select_n3A_79 : vector<16xi32>
    %eq3A_81 = arith.cmpf oeq, %get3A_13, %max3A_72 : vector<16xf32>
    %jit3A_82 = arith.constant 128 : i32
    %broadcast_in_dim3A_83 = vector.broadcast %jit3A_82 : i32 to vector<16xi32>
    %select_n3A_84 = arith.select %eq3A_81, %add3A_25, %broadcast_in_dim3A_83 : vector<16xi1>, vector<16xi32>
    %min3A_85 = arith.minsi %min3A_80, %select_n3A_84 : vector<16xi32>
    %eq3A_86 = arith.cmpf oeq, %get3A_16, %max3A_72 : vector<16xf32>
    %jit3A_87 = arith.constant 128 : i32
    %broadcast_in_dim3A_88 = vector.broadcast %jit3A_87 : i32 to vector<16xi32>
    %select_n3A_89 = arith.select %eq3A_86, %add3A_28, %broadcast_in_dim3A_88 : vector<16xi1>, vector<16xi32>
    %min3A_90 = arith.minsi %min3A_85, %select_n3A_89 : vector<16xi32>
    %add3A_91 = arith.constant 1 : i32
    %add3A_92 = vector.broadcast %add3A_91 : i32 to vector<16xi32>
    %add3A_93 = arith.addi %iota3A, %add3A_92 : vector<16xi32>
    %and3A_94 = arith.constant 15 : i32
    %and3A_95 = vector.broadcast %and3A_94 : i32 to vector<16xi32>
    %and3A_96 = arith.andi %add3A_93, %and3A_95 : vector<16xi32>
    %broadcast_in_dim3A_97 = vector.shape_cast %and3A_96 : vector<16xi32> to vector<16x1xi32>
    %gather3A_98 = vector.shape_cast %broadcast_in_dim3A_97 : vector<16x1xi32> to vector<16xi32>
    %gather3A_99 = tpu.dynamic_gather %min3A_90[%gather3A_98] in [0] : vector<16xi32>, vector<16xi32> -> vector<16xi32>
    %min3A_100 = arith.minsi %min3A_90, %gather3A_99 : vector<16xi32>
    %add3A_101 = arith.constant 2 : i32
    %add3A_102 = vector.broadcast %add3A_101 : i32 to vector<16xi32>
    %add3A_103 = arith.addi %iota3A, %add3A_102 : vector<16xi32>
    %and3A_104 = arith.constant 15 : i32
    %and3A_105 = vector.broadcast %and3A_104 : i32 to vector<16xi32>
    %and3A_106 = arith.andi %add3A_103, %and3A_105 : vector<16xi32>
    %broadcast_in_dim3A_107 = vector.shape_cast %and3A_106 : vector<16xi32> to vector<16x1xi32>
    %gather3A_108 = vector.shape_cast %broadcast_in_dim3A_107 : vector<16x1xi32> to vector<16xi32>
    %gather3A_109 = tpu.dynamic_gather %min3A_100[%gather3A_108] in [0] : vector<16xi32>, vector<16xi32> -> vector<16xi32>
    %min3A_110 = arith.minsi %min3A_100, %gather3A_109 : vector<16xi32>
    %add3A_111 = arith.constant 4 : i32
    %add3A_112 = vector.broadcast %add3A_111 : i32 to vector<16xi32>
    %add3A_113 = arith.addi %iota3A, %add3A_112 : vector<16xi32>
    %and3A_114 = arith.constant 15 : i32
    %and3A_115 = vector.broadcast %and3A_114 : i32 to vector<16xi32>
    %and3A_116 = arith.andi %add3A_113, %and3A_115 : vector<16xi32>
    %broadcast_in_dim3A_117 = vector.shape_cast %and3A_116 : vector<16xi32> to vector<16x1xi32>
    %gather3A_118 = vector.shape_cast %broadcast_in_dim3A_117 : vector<16x1xi32> to vector<16xi32>
    %gather3A_119 = tpu.dynamic_gather %min3A_110[%gather3A_118] in [0] : vector<16xi32>, vector<16xi32> -> vector<16xi32>
    %min3A_120 = arith.minsi %min3A_110, %gather3A_119 : vector<16xi32>
    %add3A_121 = arith.constant 8 : i32
    %add3A_122 = vector.broadcast %add3A_121 : i32 to vector<16xi32>
    %add3A_123 = arith.addi %iota3A, %add3A_122 : vector<16xi32>
    %and3A_124 = arith.constant 15 : i32
    %and3A_125 = vector.broadcast %and3A_124 : i32 to vector<16xi32>
    %and3A_126 = arith.andi %add3A_123, %and3A_125 : vector<16xi32>
    %broadcast_in_dim3A_127 = vector.shape_cast %and3A_126 : vector<16xi32> to vector<16x1xi32>
    %gather3A_128 = vector.shape_cast %broadcast_in_dim3A_127 : vector<16x1xi32> to vector<16xi32>
    %gather3A_129 = tpu.dynamic_gather %min3A_120[%gather3A_128] in [0] : vector<16xi32>, vector<16xi32> -> vector<16xi32>
    %min3A_130 = arith.minsi %min3A_120, %gather3A_129 : vector<16xi32>
    %eq3A_131 = arith.constant 0 : i32
    %eq3A_132 = vector.broadcast %eq3A_131 : i32 to vector<16xi32>
    %eq3A_133 = arith.cmpi eq, %iota3A, %eq3A_132 : vector<16xi32>
    %select_n3A_134 = arith.select %eq3A_133, %max3A_72, %broadcast_in_dim3A_30 : vector<16xi1>, vector<16xf32>
    %eq3A_135 = arith.constant 0 : i32
    %eq3A_136 = vector.broadcast %eq3A_135 : i32 to vector<16xi32>
    %eq3A_137 = arith.cmpi eq, %iota3A, %eq3A_136 : vector<16xi32>
    %select_n3A_138 = arith.select %eq3A_137, %min3A_130, %broadcast_in_dim3A_32 : vector<16xi1>, vector<16xi32>
    %eq3A_139 = arith.cmpi eq, %add3A_19, %min3A_130 : vector<16xi32>
    %jit3A_140 = arith.constant -3.000000e+38 : f32
    %broadcast_in_dim3A_141 = vector.broadcast %jit3A_140 : f32 to vector<16xf32>
    %select_n3A_142 = arith.select %eq3A_139, %broadcast_in_dim3A_141, %get3A_7 : vector<16xi1>, vector<16xf32>
    %eq3A_143 = arith.cmpi eq, %add3A_22, %min3A_130 : vector<16xi32>
    %jit3A_144 = arith.constant -3.000000e+38 : f32
    %broadcast_in_dim3A_145 = vector.broadcast %jit3A_144 : f32 to vector<16xf32>
    %select_n3A_146 = arith.select %eq3A_143, %broadcast_in_dim3A_145, %get3A_10 : vector<16xi1>, vector<16xf32>
    %eq3A_147 = arith.cmpi eq, %add3A_25, %min3A_130 : vector<16xi32>
    %jit3A_148 = arith.constant -3.000000e+38 : f32
    %broadcast_in_dim3A_149 = vector.broadcast %jit3A_148 : f32 to vector<16xf32>
    %select_n3A_150 = arith.select %eq3A_147, %broadcast_in_dim3A_149, %get3A_13 : vector<16xi1>, vector<16xf32>
    %eq3A_151 = arith.cmpi eq, %add3A_28, %min3A_130 : vector<16xi32>
    %jit3A_152 = arith.constant -3.000000e+38 : f32
    %broadcast_in_dim3A_153 = vector.broadcast %jit3A_152 : f32 to vector<16xf32>
    %select_n3A_154 = arith.select %eq3A_151, %broadcast_in_dim3A_153, %get3A_16 : vector<16xi1>, vector<16xf32>
    %max3A_155 = arith.maximumf %select_n3A_142, %select_n3A_146 : vector<16xf32>
    %max3A_156 = arith.maximumf %max3A_155, %select_n3A_150 : vector<16xf32>
    %max3A_157 = arith.maximumf %max3A_156, %select_n3A_154 : vector<16xf32>
    %add3A_158 = arith.constant 1 : i32
    %add3A_159 = vector.broadcast %add3A_158 : i32 to vector<16xi32>
    %add3A_160 = arith.addi %iota3A, %add3A_159 : vector<16xi32>
    %and3A_161 = arith.constant 15 : i32
    %and3A_162 = vector.broadcast %and3A_161 : i32 to vector<16xi32>
    %and3A_163 = arith.andi %add3A_160, %and3A_162 : vector<16xi32>
    %broadcast_in_dim3A_164 = vector.shape_cast %and3A_163 : vector<16xi32> to vector<16x1xi32>
    %gather3A_165 = vector.shape_cast %broadcast_in_dim3A_164 : vector<16x1xi32> to vector<16xi32>
    %gather3A_166 = tpu.dynamic_gather %max3A_157[%gather3A_165] in [0] : vector<16xf32>, vector<16xi32> -> vector<16xf32>
    %max3A_167 = arith.maximumf %max3A_157, %gather3A_166 : vector<16xf32>
    %add3A_168 = arith.constant 2 : i32
    %add3A_169 = vector.broadcast %add3A_168 : i32 to vector<16xi32>
    %add3A_170 = arith.addi %iota3A, %add3A_169 : vector<16xi32>
    %and3A_171 = arith.constant 15 : i32
    %and3A_172 = vector.broadcast %and3A_171 : i32 to vector<16xi32>
    %and3A_173 = arith.andi %add3A_170, %and3A_172 : vector<16xi32>
    %broadcast_in_dim3A_174 = vector.shape_cast %and3A_173 : vector<16xi32> to vector<16x1xi32>
    %gather3A_175 = vector.shape_cast %broadcast_in_dim3A_174 : vector<16x1xi32> to vector<16xi32>
    %gather3A_176 = tpu.dynamic_gather %max3A_167[%gather3A_175] in [0] : vector<16xf32>, vector<16xi32> -> vector<16xf32>
    %max3A_177 = arith.maximumf %max3A_167, %gather3A_176 : vector<16xf32>
    %add3A_178 = arith.constant 4 : i32
    %add3A_179 = vector.broadcast %add3A_178 : i32 to vector<16xi32>
    %add3A_180 = arith.addi %iota3A, %add3A_179 : vector<16xi32>
    %and3A_181 = arith.constant 15 : i32
    %and3A_182 = vector.broadcast %and3A_181 : i32 to vector<16xi32>
    %and3A_183 = arith.andi %add3A_180, %and3A_182 : vector<16xi32>
    %broadcast_in_dim3A_184 = vector.shape_cast %and3A_183 : vector<16xi32> to vector<16x1xi32>
    %gather3A_185 = vector.shape_cast %broadcast_in_dim3A_184 : vector<16x1xi32> to vector<16xi32>
    %gather3A_186 = tpu.dynamic_gather %max3A_177[%gather3A_185] in [0] : vector<16xf32>, vector<16xi32> -> vector<16xf32>
    %max3A_187 = arith.maximumf %max3A_177, %gather3A_186 : vector<16xf32>
    %add3A_188 = arith.constant 8 : i32
    %add3A_189 = vector.broadcast %add3A_188 : i32 to vector<16xi32>
    %add3A_190 = arith.addi %iota3A, %add3A_189 : vector<16xi32>
    %and3A_191 = arith.constant 15 : i32
    %and3A_192 = vector.broadcast %and3A_191 : i32 to vector<16xi32>
    %and3A_193 = arith.andi %add3A_190, %and3A_192 : vector<16xi32>
    %broadcast_in_dim3A_194 = vector.shape_cast %and3A_193 : vector<16xi32> to vector<16x1xi32>
    %gather3A_195 = vector.shape_cast %broadcast_in_dim3A_194 : vector<16x1xi32> to vector<16xi32>
    %gather3A_196 = tpu.dynamic_gather %max3A_187[%gather3A_195] in [0] : vector<16xf32>, vector<16xi32> -> vector<16xf32>
    %max3A_197 = arith.maximumf %max3A_187, %gather3A_196 : vector<16xf32>
    %broadcast_in_dim3A_198 = arith.constant 128 : i32
    %broadcast_in_dim3A_199 = vector.broadcast %broadcast_in_dim3A_198 : i32 to vector<16xi32>
    %eq3A_200 = arith.cmpf oeq, %select_n3A_142, %max3A_197 : vector<16xf32>
    %jit3A_201 = arith.constant 128 : i32
    %broadcast_in_dim3A_202 = vector.broadcast %jit3A_201 : i32 to vector<16xi32>
    %select_n3A_203 = arith.select %eq3A_200, %add3A_19, %broadcast_in_dim3A_202 : vector<16xi1>, vector<16xi32>
    %min3A_204 = arith.minsi %broadcast_in_dim3A_199, %select_n3A_203 : vector<16xi32>
    %eq3A_205 = arith.cmpf oeq, %select_n3A_146, %max3A_197 : vector<16xf32>
    %jit3A_206 = arith.constant 128 : i32
    %broadcast_in_dim3A_207 = vector.broadcast %jit3A_206 : i32 to vector<16xi32>
    %select_n3A_208 = arith.select %eq3A_205, %add3A_22, %broadcast_in_dim3A_207 : vector<16xi1>, vector<16xi32>
    %min3A_209 = arith.minsi %min3A_204, %select_n3A_208 : vector<16xi32>
    %eq3A_210 = arith.cmpf oeq, %select_n3A_150, %max3A_197 : vector<16xf32>
    %jit3A_211 = arith.constant 128 : i32
    %broadcast_in_dim3A_212 = vector.broadcast %jit3A_211 : i32 to vector<16xi32>
    %select_n3A_213 = arith.select %eq3A_210, %add3A_25, %broadcast_in_dim3A_212 : vector<16xi1>, vector<16xi32>
    %min3A_214 = arith.minsi %min3A_209, %select_n3A_213 : vector<16xi32>
    %eq3A_215 = arith.cmpf oeq, %select_n3A_154, %max3A_197 : vector<16xf32>
    %jit3A_216 = arith.constant 128 : i32
    %broadcast_in_dim3A_217 = vector.broadcast %jit3A_216 : i32 to vector<16xi32>
    %select_n3A_218 = arith.select %eq3A_215, %add3A_28, %broadcast_in_dim3A_217 : vector<16xi1>, vector<16xi32>
    %min3A_219 = arith.minsi %min3A_214, %select_n3A_218 : vector<16xi32>
    %add3A_220 = arith.constant 1 : i32
    %add3A_221 = vector.broadcast %add3A_220 : i32 to vector<16xi32>
    %add3A_222 = arith.addi %iota3A, %add3A_221 : vector<16xi32>
    %and3A_223 = arith.constant 15 : i32
    %and3A_224 = vector.broadcast %and3A_223 : i32 to vector<16xi32>
    %and3A_225 = arith.andi %add3A_222, %and3A_224 : vector<16xi32>
    %broadcast_in_dim3A_226 = vector.shape_cast %and3A_225 : vector<16xi32> to vector<16x1xi32>
    %gather3A_227 = vector.shape_cast %broadcast_in_dim3A_226 : vector<16x1xi32> to vector<16xi32>
    %gather3A_228 = tpu.dynamic_gather %min3A_219[%gather3A_227] in [0] : vector<16xi32>, vector<16xi32> -> vector<16xi32>
    %min3A_229 = arith.minsi %min3A_219, %gather3A_228 : vector<16xi32>
    %add3A_230 = arith.constant 2 : i32
    %add3A_231 = vector.broadcast %add3A_230 : i32 to vector<16xi32>
    %add3A_232 = arith.addi %iota3A, %add3A_231 : vector<16xi32>
    %and3A_233 = arith.constant 15 : i32
    %and3A_234 = vector.broadcast %and3A_233 : i32 to vector<16xi32>
    %and3A_235 = arith.andi %add3A_232, %and3A_234 : vector<16xi32>
    %broadcast_in_dim3A_236 = vector.shape_cast %and3A_235 : vector<16xi32> to vector<16x1xi32>
    %gather3A_237 = vector.shape_cast %broadcast_in_dim3A_236 : vector<16x1xi32> to vector<16xi32>
    %gather3A_238 = tpu.dynamic_gather %min3A_229[%gather3A_237] in [0] : vector<16xi32>, vector<16xi32> -> vector<16xi32>
    %min3A_239 = arith.minsi %min3A_229, %gather3A_238 : vector<16xi32>
    %add3A_240 = arith.constant 4 : i32
    %add3A_241 = vector.broadcast %add3A_240 : i32 to vector<16xi32>
    %add3A_242 = arith.addi %iota3A, %add3A_241 : vector<16xi32>
    %and3A_243 = arith.constant 15 : i32
    %and3A_244 = vector.broadcast %and3A_243 : i32 to vector<16xi32>
    %and3A_245 = arith.andi %add3A_242, %and3A_244 : vector<16xi32>
    %broadcast_in_dim3A_246 = vector.shape_cast %and3A_245 : vector<16xi32> to vector<16x1xi32>
    %gather3A_247 = vector.shape_cast %broadcast_in_dim3A_246 : vector<16x1xi32> to vector<16xi32>
    %gather3A_248 = tpu.dynamic_gather %min3A_239[%gather3A_247] in [0] : vector<16xi32>, vector<16xi32> -> vector<16xi32>
    %min3A_249 = arith.minsi %min3A_239, %gather3A_248 : vector<16xi32>
    %add3A_250 = arith.constant 8 : i32
    %add3A_251 = vector.broadcast %add3A_250 : i32 to vector<16xi32>
    %add3A_252 = arith.addi %iota3A, %add3A_251 : vector<16xi32>
    %and3A_253 = arith.constant 15 : i32
    %and3A_254 = vector.broadcast %and3A_253 : i32 to vector<16xi32>
    %and3A_255 = arith.andi %add3A_252, %and3A_254 : vector<16xi32>
    %broadcast_in_dim3A_256 = vector.shape_cast %and3A_255 : vector<16xi32> to vector<16x1xi32>
    %gather3A_257 = vector.shape_cast %broadcast_in_dim3A_256 : vector<16x1xi32> to vector<16xi32>
    %gather3A_258 = tpu.dynamic_gather %min3A_249[%gather3A_257] in [0] : vector<16xi32>, vector<16xi32> -> vector<16xi32>
    %min3A_259 = arith.minsi %min3A_249, %gather3A_258 : vector<16xi32>
    %eq3A_260 = arith.constant 1 : i32
    %eq3A_261 = vector.broadcast %eq3A_260 : i32 to vector<16xi32>
    %eq3A_262 = arith.cmpi eq, %iota3A, %eq3A_261 : vector<16xi32>
    %select_n3A_263 = arith.select %eq3A_262, %max3A_197, %select_n3A_134 : vector<16xi1>, vector<16xf32>
    %eq3A_264 = arith.constant 1 : i32
    %eq3A_265 = vector.broadcast %eq3A_264 : i32 to vector<16xi32>
    %eq3A_266 = arith.cmpi eq, %iota3A, %eq3A_265 : vector<16xi32>
    %select_n3A_267 = arith.select %eq3A_266, %min3A_259, %select_n3A_138 : vector<16xi1>, vector<16xi32>
    %eq3A_268 = arith.cmpi eq, %add3A_19, %min3A_259 : vector<16xi32>
    %jit3A_269 = arith.constant -3.000000e+38 : f32
    %broadcast_in_dim3A_270 = vector.broadcast %jit3A_269 : f32 to vector<16xf32>
    %select_n3A_271 = arith.select %eq3A_268, %broadcast_in_dim3A_270, %select_n3A_142 : vector<16xi1>, vector<16xf32>
    %eq3A_272 = arith.cmpi eq, %add3A_22, %min3A_259 : vector<16xi32>
    %jit3A_273 = arith.constant -3.000000e+38 : f32
    %broadcast_in_dim3A_274 = vector.broadcast %jit3A_273 : f32 to vector<16xf32>
    %select_n3A_275 = arith.select %eq3A_272, %broadcast_in_dim3A_274, %select_n3A_146 : vector<16xi1>, vector<16xf32>
    %eq3A_276 = arith.cmpi eq, %add3A_25, %min3A_259 : vector<16xi32>
    %jit3A_277 = arith.constant -3.000000e+38 : f32
    %broadcast_in_dim3A_278 = vector.broadcast %jit3A_277 : f32 to vector<16xf32>
    %select_n3A_279 = arith.select %eq3A_276, %broadcast_in_dim3A_278, %select_n3A_150 : vector<16xi1>, vector<16xf32>
    %eq3A_280 = arith.cmpi eq, %add3A_28, %min3A_259 : vector<16xi32>
    %jit3A_281 = arith.constant -3.000000e+38 : f32
    %broadcast_in_dim3A_282 = vector.broadcast %jit3A_281 : f32 to vector<16xf32>
    %select_n3A_283 = arith.select %eq3A_280, %broadcast_in_dim3A_282, %select_n3A_154 : vector<16xi1>, vector<16xf32>
    %max3A_284 = arith.maximumf %select_n3A_271, %select_n3A_275 : vector<16xf32>
    %max3A_285 = arith.maximumf %max3A_284, %select_n3A_279 : vector<16xf32>
    %max3A_286 = arith.maximumf %max3A_285, %select_n3A_283 : vector<16xf32>
    %add3A_287 = arith.constant 1 : i32
    %add3A_288 = vector.broadcast %add3A_287 : i32 to vector<16xi32>
    %add3A_289 = arith.addi %iota3A, %add3A_288 : vector<16xi32>
    %and3A_290 = arith.constant 15 : i32
    %and3A_291 = vector.broadcast %and3A_290 : i32 to vector<16xi32>
    %and3A_292 = arith.andi %add3A_289, %and3A_291 : vector<16xi32>
    %broadcast_in_dim3A_293 = vector.shape_cast %and3A_292 : vector<16xi32> to vector<16x1xi32>
    %gather3A_294 = vector.shape_cast %broadcast_in_dim3A_293 : vector<16x1xi32> to vector<16xi32>
    %gather3A_295 = tpu.dynamic_gather %max3A_286[%gather3A_294] in [0] : vector<16xf32>, vector<16xi32> -> vector<16xf32>
    %max3A_296 = arith.maximumf %max3A_286, %gather3A_295 : vector<16xf32>
    %add3A_297 = arith.constant 2 : i32
    %add3A_298 = vector.broadcast %add3A_297 : i32 to vector<16xi32>
    %add3A_299 = arith.addi %iota3A, %add3A_298 : vector<16xi32>
    %and3A_300 = arith.constant 15 : i32
    %and3A_301 = vector.broadcast %and3A_300 : i32 to vector<16xi32>
    %and3A_302 = arith.andi %add3A_299, %and3A_301 : vector<16xi32>
    %broadcast_in_dim3A_303 = vector.shape_cast %and3A_302 : vector<16xi32> to vector<16x1xi32>
    %gather3A_304 = vector.shape_cast %broadcast_in_dim3A_303 : vector<16x1xi32> to vector<16xi32>
    %gather3A_305 = tpu.dynamic_gather %max3A_296[%gather3A_304] in [0] : vector<16xf32>, vector<16xi32> -> vector<16xf32>
    %max3A_306 = arith.maximumf %max3A_296, %gather3A_305 : vector<16xf32>
    %add3A_307 = arith.constant 4 : i32
    %add3A_308 = vector.broadcast %add3A_307 : i32 to vector<16xi32>
    %add3A_309 = arith.addi %iota3A, %add3A_308 : vector<16xi32>
    %and3A_310 = arith.constant 15 : i32
    %and3A_311 = vector.broadcast %and3A_310 : i32 to vector<16xi32>
    %and3A_312 = arith.andi %add3A_309, %and3A_311 : vector<16xi32>
    %broadcast_in_dim3A_313 = vector.shape_cast %and3A_312 : vector<16xi32> to vector<16x1xi32>
    %gather3A_314 = vector.shape_cast %broadcast_in_dim3A_313 : vector<16x1xi32> to vector<16xi32>
    %gather3A_315 = tpu.dynamic_gather %max3A_306[%gather3A_314] in [0] : vector<16xf32>, vector<16xi32> -> vector<16xf32>
    %max3A_316 = arith.maximumf %max3A_306, %gather3A_315 : vector<16xf32>
    %add3A_317 = arith.constant 8 : i32
    %add3A_318 = vector.broadcast %add3A_317 : i32 to vector<16xi32>
    %add3A_319 = arith.addi %iota3A, %add3A_318 : vector<16xi32>
    %and3A_320 = arith.constant 15 : i32
    %and3A_321 = vector.broadcast %and3A_320 : i32 to vector<16xi32>
    %and3A_322 = arith.andi %add3A_319, %and3A_321 : vector<16xi32>
    %broadcast_in_dim3A_323 = vector.shape_cast %and3A_322 : vector<16xi32> to vector<16x1xi32>
    %gather3A_324 = vector.shape_cast %broadcast_in_dim3A_323 : vector<16x1xi32> to vector<16xi32>
    %gather3A_325 = tpu.dynamic_gather %max3A_316[%gather3A_324] in [0] : vector<16xf32>, vector<16xi32> -> vector<16xf32>
    %max3A_326 = arith.maximumf %max3A_316, %gather3A_325 : vector<16xf32>
    %broadcast_in_dim3A_327 = arith.constant 128 : i32
    %broadcast_in_dim3A_328 = vector.broadcast %broadcast_in_dim3A_327 : i32 to vector<16xi32>
    %eq3A_329 = arith.cmpf oeq, %select_n3A_271, %max3A_326 : vector<16xf32>
    %jit3A_330 = arith.constant 128 : i32
    %broadcast_in_dim3A_331 = vector.broadcast %jit3A_330 : i32 to vector<16xi32>
    %select_n3A_332 = arith.select %eq3A_329, %add3A_19, %broadcast_in_dim3A_331 : vector<16xi1>, vector<16xi32>
    %min3A_333 = arith.minsi %broadcast_in_dim3A_328, %select_n3A_332 : vector<16xi32>
    %eq3A_334 = arith.cmpf oeq, %select_n3A_275, %max3A_326 : vector<16xf32>
    %jit3A_335 = arith.constant 128 : i32
    %broadcast_in_dim3A_336 = vector.broadcast %jit3A_335 : i32 to vector<16xi32>
    %select_n3A_337 = arith.select %eq3A_334, %add3A_22, %broadcast_in_dim3A_336 : vector<16xi1>, vector<16xi32>
    %min3A_338 = arith.minsi %min3A_333, %select_n3A_337 : vector<16xi32>
    %eq3A_339 = arith.cmpf oeq, %select_n3A_279, %max3A_326 : vector<16xf32>
    %jit3A_340 = arith.constant 128 : i32
    %broadcast_in_dim3A_341 = vector.broadcast %jit3A_340 : i32 to vector<16xi32>
    %select_n3A_342 = arith.select %eq3A_339, %add3A_25, %broadcast_in_dim3A_341 : vector<16xi1>, vector<16xi32>
    %min3A_343 = arith.minsi %min3A_338, %select_n3A_342 : vector<16xi32>
    %eq3A_344 = arith.cmpf oeq, %select_n3A_283, %max3A_326 : vector<16xf32>
    %jit3A_345 = arith.constant 128 : i32
    %broadcast_in_dim3A_346 = vector.broadcast %jit3A_345 : i32 to vector<16xi32>
    %select_n3A_347 = arith.select %eq3A_344, %add3A_28, %broadcast_in_dim3A_346 : vector<16xi1>, vector<16xi32>
    %min3A_348 = arith.minsi %min3A_343, %select_n3A_347 : vector<16xi32>
    %add3A_349 = arith.constant 1 : i32
    %add3A_350 = vector.broadcast %add3A_349 : i32 to vector<16xi32>
    %add3A_351 = arith.addi %iota3A, %add3A_350 : vector<16xi32>
    %and3A_352 = arith.constant 15 : i32
    %and3A_353 = vector.broadcast %and3A_352 : i32 to vector<16xi32>
    %and3A_354 = arith.andi %add3A_351, %and3A_353 : vector<16xi32>
    %broadcast_in_dim3A_355 = vector.shape_cast %and3A_354 : vector<16xi32> to vector<16x1xi32>
    %gather3A_356 = vector.shape_cast %broadcast_in_dim3A_355 : vector<16x1xi32> to vector<16xi32>
    %gather3A_357 = tpu.dynamic_gather %min3A_348[%gather3A_356] in [0] : vector<16xi32>, vector<16xi32> -> vector<16xi32>
    %min3A_358 = arith.minsi %min3A_348, %gather3A_357 : vector<16xi32>
    %add3A_359 = arith.constant 2 : i32
    %add3A_360 = vector.broadcast %add3A_359 : i32 to vector<16xi32>
    %add3A_361 = arith.addi %iota3A, %add3A_360 : vector<16xi32>
    %and3A_362 = arith.constant 15 : i32
    %and3A_363 = vector.broadcast %and3A_362 : i32 to vector<16xi32>
    %and3A_364 = arith.andi %add3A_361, %and3A_363 : vector<16xi32>
    %broadcast_in_dim3A_365 = vector.shape_cast %and3A_364 : vector<16xi32> to vector<16x1xi32>
    %gather3A_366 = vector.shape_cast %broadcast_in_dim3A_365 : vector<16x1xi32> to vector<16xi32>
    %gather3A_367 = tpu.dynamic_gather %min3A_358[%gather3A_366] in [0] : vector<16xi32>, vector<16xi32> -> vector<16xi32>
    %min3A_368 = arith.minsi %min3A_358, %gather3A_367 : vector<16xi32>
    %add3A_369 = arith.constant 4 : i32
    %add3A_370 = vector.broadcast %add3A_369 : i32 to vector<16xi32>
    %add3A_371 = arith.addi %iota3A, %add3A_370 : vector<16xi32>
    %and3A_372 = arith.constant 15 : i32
    %and3A_373 = vector.broadcast %and3A_372 : i32 to vector<16xi32>
    %and3A_374 = arith.andi %add3A_371, %and3A_373 : vector<16xi32>
    %broadcast_in_dim3A_375 = vector.shape_cast %and3A_374 : vector<16xi32> to vector<16x1xi32>
    %gather3A_376 = vector.shape_cast %broadcast_in_dim3A_375 : vector<16x1xi32> to vector<16xi32>
    %gather3A_377 = tpu.dynamic_gather %min3A_368[%gather3A_376] in [0] : vector<16xi32>, vector<16xi32> -> vector<16xi32>
    %min3A_378 = arith.minsi %min3A_368, %gather3A_377 : vector<16xi32>
    %add3A_379 = arith.constant 8 : i32
    %add3A_380 = vector.broadcast %add3A_379 : i32 to vector<16xi32>
    %add3A_381 = arith.addi %iota3A, %add3A_380 : vector<16xi32>
    %and3A_382 = arith.constant 15 : i32
    %and3A_383 = vector.broadcast %and3A_382 : i32 to vector<16xi32>
    %and3A_384 = arith.andi %add3A_381, %and3A_383 : vector<16xi32>
    %broadcast_in_dim3A_385 = vector.shape_cast %and3A_384 : vector<16xi32> to vector<16x1xi32>
    %gather3A_386 = vector.shape_cast %broadcast_in_dim3A_385 : vector<16x1xi32> to vector<16xi32>
    %gather3A_387 = tpu.dynamic_gather %min3A_378[%gather3A_386] in [0] : vector<16xi32>, vector<16xi32> -> vector<16xi32>
    %min3A_388 = arith.minsi %min3A_378, %gather3A_387 : vector<16xi32>
    %eq3A_389 = arith.constant 2 : i32
    %eq3A_390 = vector.broadcast %eq3A_389 : i32 to vector<16xi32>
    %eq3A_391 = arith.cmpi eq, %iota3A, %eq3A_390 : vector<16xi32>
    %select_n3A_392 = arith.select %eq3A_391, %max3A_326, %select_n3A_263 : vector<16xi1>, vector<16xf32>
    %eq3A_393 = arith.constant 2 : i32
    %eq3A_394 = vector.broadcast %eq3A_393 : i32 to vector<16xi32>
    %eq3A_395 = arith.cmpi eq, %iota3A, %eq3A_394 : vector<16xi32>
    %select_n3A_396 = arith.select %eq3A_395, %min3A_388, %select_n3A_267 : vector<16xi1>, vector<16xi32>
    %eq3A_397 = arith.cmpi eq, %add3A_19, %min3A_388 : vector<16xi32>
    %jit3A_398 = arith.constant -3.000000e+38 : f32
    %broadcast_in_dim3A_399 = vector.broadcast %jit3A_398 : f32 to vector<16xf32>
    %select_n3A_400 = arith.select %eq3A_397, %broadcast_in_dim3A_399, %select_n3A_271 : vector<16xi1>, vector<16xf32>
    %eq3A_401 = arith.cmpi eq, %add3A_22, %min3A_388 : vector<16xi32>
    %jit3A_402 = arith.constant -3.000000e+38 : f32
    %broadcast_in_dim3A_403 = vector.broadcast %jit3A_402 : f32 to vector<16xf32>
    %select_n3A_404 = arith.select %eq3A_401, %broadcast_in_dim3A_403, %select_n3A_275 : vector<16xi1>, vector<16xf32>
    %eq3A_405 = arith.cmpi eq, %add3A_25, %min3A_388 : vector<16xi32>
    %jit3A_406 = arith.constant -3.000000e+38 : f32
    %broadcast_in_dim3A_407 = vector.broadcast %jit3A_406 : f32 to vector<16xf32>
    %select_n3A_408 = arith.select %eq3A_405, %broadcast_in_dim3A_407, %select_n3A_279 : vector<16xi1>, vector<16xf32>
    %eq3A_409 = arith.cmpi eq, %add3A_28, %min3A_388 : vector<16xi32>
    %jit3A_410 = arith.constant -3.000000e+38 : f32
    %broadcast_in_dim3A_411 = vector.broadcast %jit3A_410 : f32 to vector<16xf32>
    %select_n3A_412 = arith.select %eq3A_409, %broadcast_in_dim3A_411, %select_n3A_283 : vector<16xi1>, vector<16xf32>
    %max3A_413 = arith.maximumf %select_n3A_400, %select_n3A_404 : vector<16xf32>
    %max3A_414 = arith.maximumf %max3A_413, %select_n3A_408 : vector<16xf32>
    %max3A_415 = arith.maximumf %max3A_414, %select_n3A_412 : vector<16xf32>
    %add3A_416 = arith.constant 1 : i32
    %add3A_417 = vector.broadcast %add3A_416 : i32 to vector<16xi32>
    %add3A_418 = arith.addi %iota3A, %add3A_417 : vector<16xi32>
    %and3A_419 = arith.constant 15 : i32
    %and3A_420 = vector.broadcast %and3A_419 : i32 to vector<16xi32>
    %and3A_421 = arith.andi %add3A_418, %and3A_420 : vector<16xi32>
    %broadcast_in_dim3A_422 = vector.shape_cast %and3A_421 : vector<16xi32> to vector<16x1xi32>
    %gather3A_423 = vector.shape_cast %broadcast_in_dim3A_422 : vector<16x1xi32> to vector<16xi32>
    %gather3A_424 = tpu.dynamic_gather %max3A_415[%gather3A_423] in [0] : vector<16xf32>, vector<16xi32> -> vector<16xf32>
    %max3A_425 = arith.maximumf %max3A_415, %gather3A_424 : vector<16xf32>
    %add3A_426 = arith.constant 2 : i32
    %add3A_427 = vector.broadcast %add3A_426 : i32 to vector<16xi32>
    %add3A_428 = arith.addi %iota3A, %add3A_427 : vector<16xi32>
    %and3A_429 = arith.constant 15 : i32
    %and3A_430 = vector.broadcast %and3A_429 : i32 to vector<16xi32>
    %and3A_431 = arith.andi %add3A_428, %and3A_430 : vector<16xi32>
    %broadcast_in_dim3A_432 = vector.shape_cast %and3A_431 : vector<16xi32> to vector<16x1xi32>
    %gather3A_433 = vector.shape_cast %broadcast_in_dim3A_432 : vector<16x1xi32> to vector<16xi32>
    %gather3A_434 = tpu.dynamic_gather %max3A_425[%gather3A_433] in [0] : vector<16xf32>, vector<16xi32> -> vector<16xf32>
    %max3A_435 = arith.maximumf %max3A_425, %gather3A_434 : vector<16xf32>
    %add3A_436 = arith.constant 4 : i32
    %add3A_437 = vector.broadcast %add3A_436 : i32 to vector<16xi32>
    %add3A_438 = arith.addi %iota3A, %add3A_437 : vector<16xi32>
    %and3A_439 = arith.constant 15 : i32
    %and3A_440 = vector.broadcast %and3A_439 : i32 to vector<16xi32>
    %and3A_441 = arith.andi %add3A_438, %and3A_440 : vector<16xi32>
    %broadcast_in_dim3A_442 = vector.shape_cast %and3A_441 : vector<16xi32> to vector<16x1xi32>
    %gather3A_443 = vector.shape_cast %broadcast_in_dim3A_442 : vector<16x1xi32> to vector<16xi32>
    %gather3A_444 = tpu.dynamic_gather %max3A_435[%gather3A_443] in [0] : vector<16xf32>, vector<16xi32> -> vector<16xf32>
    %max3A_445 = arith.maximumf %max3A_435, %gather3A_444 : vector<16xf32>
    %add3A_446 = arith.constant 8 : i32
    %add3A_447 = vector.broadcast %add3A_446 : i32 to vector<16xi32>
    %add3A_448 = arith.addi %iota3A, %add3A_447 : vector<16xi32>
    %and3A_449 = arith.constant 15 : i32
    %and3A_450 = vector.broadcast %and3A_449 : i32 to vector<16xi32>
    %and3A_451 = arith.andi %add3A_448, %and3A_450 : vector<16xi32>
    %broadcast_in_dim3A_452 = vector.shape_cast %and3A_451 : vector<16xi32> to vector<16x1xi32>
    %gather3A_453 = vector.shape_cast %broadcast_in_dim3A_452 : vector<16x1xi32> to vector<16xi32>
    %gather3A_454 = tpu.dynamic_gather %max3A_445[%gather3A_453] in [0] : vector<16xf32>, vector<16xi32> -> vector<16xf32>
    %max3A_455 = arith.maximumf %max3A_445, %gather3A_454 : vector<16xf32>
    %broadcast_in_dim3A_456 = arith.constant 128 : i32
    %broadcast_in_dim3A_457 = vector.broadcast %broadcast_in_dim3A_456 : i32 to vector<16xi32>
    %eq3A_458 = arith.cmpf oeq, %select_n3A_400, %max3A_455 : vector<16xf32>
    %jit3A_459 = arith.constant 128 : i32
    %broadcast_in_dim3A_460 = vector.broadcast %jit3A_459 : i32 to vector<16xi32>
    %select_n3A_461 = arith.select %eq3A_458, %add3A_19, %broadcast_in_dim3A_460 : vector<16xi1>, vector<16xi32>
    %min3A_462 = arith.minsi %broadcast_in_dim3A_457, %select_n3A_461 : vector<16xi32>
    %eq3A_463 = arith.cmpf oeq, %select_n3A_404, %max3A_455 : vector<16xf32>
    %jit3A_464 = arith.constant 128 : i32
    %broadcast_in_dim3A_465 = vector.broadcast %jit3A_464 : i32 to vector<16xi32>
    %select_n3A_466 = arith.select %eq3A_463, %add3A_22, %broadcast_in_dim3A_465 : vector<16xi1>, vector<16xi32>
    %min3A_467 = arith.minsi %min3A_462, %select_n3A_466 : vector<16xi32>
    %eq3A_468 = arith.cmpf oeq, %select_n3A_408, %max3A_455 : vector<16xf32>
    %jit3A_469 = arith.constant 128 : i32
    %broadcast_in_dim3A_470 = vector.broadcast %jit3A_469 : i32 to vector<16xi32>
    %select_n3A_471 = arith.select %eq3A_468, %add3A_25, %broadcast_in_dim3A_470 : vector<16xi1>, vector<16xi32>
    %min3A_472 = arith.minsi %min3A_467, %select_n3A_471 : vector<16xi32>
    %eq3A_473 = arith.cmpf oeq, %select_n3A_412, %max3A_455 : vector<16xf32>
    %jit3A_474 = arith.constant 128 : i32
    %broadcast_in_dim3A_475 = vector.broadcast %jit3A_474 : i32 to vector<16xi32>
    %select_n3A_476 = arith.select %eq3A_473, %add3A_28, %broadcast_in_dim3A_475 : vector<16xi1>, vector<16xi32>
    %min3A_477 = arith.minsi %min3A_472, %select_n3A_476 : vector<16xi32>
    %add3A_478 = arith.constant 1 : i32
    %add3A_479 = vector.broadcast %add3A_478 : i32 to vector<16xi32>
    %add3A_480 = arith.addi %iota3A, %add3A_479 : vector<16xi32>
    %and3A_481 = arith.constant 15 : i32
    %and3A_482 = vector.broadcast %and3A_481 : i32 to vector<16xi32>
    %and3A_483 = arith.andi %add3A_480, %and3A_482 : vector<16xi32>
    %broadcast_in_dim3A_484 = vector.shape_cast %and3A_483 : vector<16xi32> to vector<16x1xi32>
    %gather3A_485 = vector.shape_cast %broadcast_in_dim3A_484 : vector<16x1xi32> to vector<16xi32>
    %gather3A_486 = tpu.dynamic_gather %min3A_477[%gather3A_485] in [0] : vector<16xi32>, vector<16xi32> -> vector<16xi32>
    %min3A_487 = arith.minsi %min3A_477, %gather3A_486 : vector<16xi32>
    %add3A_488 = arith.constant 2 : i32
    %add3A_489 = vector.broadcast %add3A_488 : i32 to vector<16xi32>
    %add3A_490 = arith.addi %iota3A, %add3A_489 : vector<16xi32>
    %and3A_491 = arith.constant 15 : i32
    %and3A_492 = vector.broadcast %and3A_491 : i32 to vector<16xi32>
    %and3A_493 = arith.andi %add3A_490, %and3A_492 : vector<16xi32>
    %broadcast_in_dim3A_494 = vector.shape_cast %and3A_493 : vector<16xi32> to vector<16x1xi32>
    %gather3A_495 = vector.shape_cast %broadcast_in_dim3A_494 : vector<16x1xi32> to vector<16xi32>
    %gather3A_496 = tpu.dynamic_gather %min3A_487[%gather3A_495] in [0] : vector<16xi32>, vector<16xi32> -> vector<16xi32>
    %min3A_497 = arith.minsi %min3A_487, %gather3A_496 : vector<16xi32>
    %add3A_498 = arith.constant 4 : i32
    %add3A_499 = vector.broadcast %add3A_498 : i32 to vector<16xi32>
    %add3A_500 = arith.addi %iota3A, %add3A_499 : vector<16xi32>
    %and3A_501 = arith.constant 15 : i32
    %and3A_502 = vector.broadcast %and3A_501 : i32 to vector<16xi32>
    %and3A_503 = arith.andi %add3A_500, %and3A_502 : vector<16xi32>
    %broadcast_in_dim3A_504 = vector.shape_cast %and3A_503 : vector<16xi32> to vector<16x1xi32>
    %gather3A_505 = vector.shape_cast %broadcast_in_dim3A_504 : vector<16x1xi32> to vector<16xi32>
    %gather3A_506 = tpu.dynamic_gather %min3A_497[%gather3A_505] in [0] : vector<16xi32>, vector<16xi32> -> vector<16xi32>
    %min3A_507 = arith.minsi %min3A_497, %gather3A_506 : vector<16xi32>
    %add3A_508 = arith.constant 8 : i32
    %add3A_509 = vector.broadcast %add3A_508 : i32 to vector<16xi32>
    %add3A_510 = arith.addi %iota3A, %add3A_509 : vector<16xi32>
    %and3A_511 = arith.constant 15 : i32
    %and3A_512 = vector.broadcast %and3A_511 : i32 to vector<16xi32>
    %and3A_513 = arith.andi %add3A_510, %and3A_512 : vector<16xi32>
    %broadcast_in_dim3A_514 = vector.shape_cast %and3A_513 : vector<16xi32> to vector<16x1xi32>
    %gather3A_515 = vector.shape_cast %broadcast_in_dim3A_514 : vector<16x1xi32> to vector<16xi32>
    %gather3A_516 = tpu.dynamic_gather %min3A_507[%gather3A_515] in [0] : vector<16xi32>, vector<16xi32> -> vector<16xi32>
    %min3A_517 = arith.minsi %min3A_507, %gather3A_516 : vector<16xi32>
    %eq3A_518 = arith.constant 3 : i32
    %eq3A_519 = vector.broadcast %eq3A_518 : i32 to vector<16xi32>
    %eq3A_520 = arith.cmpi eq, %iota3A, %eq3A_519 : vector<16xi32>
    %select_n3A_521 = arith.select %eq3A_520, %max3A_455, %select_n3A_392 : vector<16xi1>, vector<16xf32>
    %eq3A_522 = arith.constant 3 : i32
    %eq3A_523 = vector.broadcast %eq3A_522 : i32 to vector<16xi32>
    %eq3A_524 = arith.cmpi eq, %iota3A, %eq3A_523 : vector<16xi32>
    %select_n3A_525 = arith.select %eq3A_524, %min3A_517, %select_n3A_396 : vector<16xi1>, vector<16xi32>
    %eq3A_526 = arith.cmpi eq, %add3A_19, %min3A_517 : vector<16xi32>
    %jit3A_527 = arith.constant -3.000000e+38 : f32
    %broadcast_in_dim3A_528 = vector.broadcast %jit3A_527 : f32 to vector<16xf32>
    %select_n3A_529 = arith.select %eq3A_526, %broadcast_in_dim3A_528, %select_n3A_400 : vector<16xi1>, vector<16xf32>
    %eq3A_530 = arith.cmpi eq, %add3A_22, %min3A_517 : vector<16xi32>
    %jit3A_531 = arith.constant -3.000000e+38 : f32
    %broadcast_in_dim3A_532 = vector.broadcast %jit3A_531 : f32 to vector<16xf32>
    %select_n3A_533 = arith.select %eq3A_530, %broadcast_in_dim3A_532, %select_n3A_404 : vector<16xi1>, vector<16xf32>
    %eq3A_534 = arith.cmpi eq, %add3A_25, %min3A_517 : vector<16xi32>
    %jit3A_535 = arith.constant -3.000000e+38 : f32
    %broadcast_in_dim3A_536 = vector.broadcast %jit3A_535 : f32 to vector<16xf32>
    %select_n3A_537 = arith.select %eq3A_534, %broadcast_in_dim3A_536, %select_n3A_408 : vector<16xi1>, vector<16xf32>
    %eq3A_538 = arith.cmpi eq, %add3A_28, %min3A_517 : vector<16xi32>
    %jit3A_539 = arith.constant -3.000000e+38 : f32
    %broadcast_in_dim3A_540 = vector.broadcast %jit3A_539 : f32 to vector<16xf32>
    %select_n3A_541 = arith.select %eq3A_538, %broadcast_in_dim3A_540, %select_n3A_412 : vector<16xi1>, vector<16xf32>
    %max3A_542 = arith.maximumf %select_n3A_529, %select_n3A_533 : vector<16xf32>
    %max3A_543 = arith.maximumf %max3A_542, %select_n3A_537 : vector<16xf32>
    %max3A_544 = arith.maximumf %max3A_543, %select_n3A_541 : vector<16xf32>
    %add3A_545 = arith.constant 1 : i32
    %add3A_546 = vector.broadcast %add3A_545 : i32 to vector<16xi32>
    %add3A_547 = arith.addi %iota3A, %add3A_546 : vector<16xi32>
    %and3A_548 = arith.constant 15 : i32
    %and3A_549 = vector.broadcast %and3A_548 : i32 to vector<16xi32>
    %and3A_550 = arith.andi %add3A_547, %and3A_549 : vector<16xi32>
    %broadcast_in_dim3A_551 = vector.shape_cast %and3A_550 : vector<16xi32> to vector<16x1xi32>
    %gather3A_552 = vector.shape_cast %broadcast_in_dim3A_551 : vector<16x1xi32> to vector<16xi32>
    %gather3A_553 = tpu.dynamic_gather %max3A_544[%gather3A_552] in [0] : vector<16xf32>, vector<16xi32> -> vector<16xf32>
    %max3A_554 = arith.maximumf %max3A_544, %gather3A_553 : vector<16xf32>
    %add3A_555 = arith.constant 2 : i32
    %add3A_556 = vector.broadcast %add3A_555 : i32 to vector<16xi32>
    %add3A_557 = arith.addi %iota3A, %add3A_556 : vector<16xi32>
    %and3A_558 = arith.constant 15 : i32
    %and3A_559 = vector.broadcast %and3A_558 : i32 to vector<16xi32>
    %and3A_560 = arith.andi %add3A_557, %and3A_559 : vector<16xi32>
    %broadcast_in_dim3A_561 = vector.shape_cast %and3A_560 : vector<16xi32> to vector<16x1xi32>
    %gather3A_562 = vector.shape_cast %broadcast_in_dim3A_561 : vector<16x1xi32> to vector<16xi32>
    %gather3A_563 = tpu.dynamic_gather %max3A_554[%gather3A_562] in [0] : vector<16xf32>, vector<16xi32> -> vector<16xf32>
    %max3A_564 = arith.maximumf %max3A_554, %gather3A_563 : vector<16xf32>
    %add3A_565 = arith.constant 4 : i32
    %add3A_566 = vector.broadcast %add3A_565 : i32 to vector<16xi32>
    %add3A_567 = arith.addi %iota3A, %add3A_566 : vector<16xi32>
    %and3A_568 = arith.constant 15 : i32
    %and3A_569 = vector.broadcast %and3A_568 : i32 to vector<16xi32>
    %and3A_570 = arith.andi %add3A_567, %and3A_569 : vector<16xi32>
    %broadcast_in_dim3A_571 = vector.shape_cast %and3A_570 : vector<16xi32> to vector<16x1xi32>
    %gather3A_572 = vector.shape_cast %broadcast_in_dim3A_571 : vector<16x1xi32> to vector<16xi32>
    %gather3A_573 = tpu.dynamic_gather %max3A_564[%gather3A_572] in [0] : vector<16xf32>, vector<16xi32> -> vector<16xf32>
    %max3A_574 = arith.maximumf %max3A_564, %gather3A_573 : vector<16xf32>
    %add3A_575 = arith.constant 8 : i32
    %add3A_576 = vector.broadcast %add3A_575 : i32 to vector<16xi32>
    %add3A_577 = arith.addi %iota3A, %add3A_576 : vector<16xi32>
    %and3A_578 = arith.constant 15 : i32
    %and3A_579 = vector.broadcast %and3A_578 : i32 to vector<16xi32>
    %and3A_580 = arith.andi %add3A_577, %and3A_579 : vector<16xi32>
    %broadcast_in_dim3A_581 = vector.shape_cast %and3A_580 : vector<16xi32> to vector<16x1xi32>
    %gather3A_582 = vector.shape_cast %broadcast_in_dim3A_581 : vector<16x1xi32> to vector<16xi32>
    %gather3A_583 = tpu.dynamic_gather %max3A_574[%gather3A_582] in [0] : vector<16xf32>, vector<16xi32> -> vector<16xf32>
    %max3A_584 = arith.maximumf %max3A_574, %gather3A_583 : vector<16xf32>
    %broadcast_in_dim3A_585 = arith.constant 128 : i32
    %broadcast_in_dim3A_586 = vector.broadcast %broadcast_in_dim3A_585 : i32 to vector<16xi32>
    %eq3A_587 = arith.cmpf oeq, %select_n3A_529, %max3A_584 : vector<16xf32>
    %jit3A_588 = arith.constant 128 : i32
    %broadcast_in_dim3A_589 = vector.broadcast %jit3A_588 : i32 to vector<16xi32>
    %select_n3A_590 = arith.select %eq3A_587, %add3A_19, %broadcast_in_dim3A_589 : vector<16xi1>, vector<16xi32>
    %min3A_591 = arith.minsi %broadcast_in_dim3A_586, %select_n3A_590 : vector<16xi32>
    %eq3A_592 = arith.cmpf oeq, %select_n3A_533, %max3A_584 : vector<16xf32>
    %jit3A_593 = arith.constant 128 : i32
    %broadcast_in_dim3A_594 = vector.broadcast %jit3A_593 : i32 to vector<16xi32>
    %select_n3A_595 = arith.select %eq3A_592, %add3A_22, %broadcast_in_dim3A_594 : vector<16xi1>, vector<16xi32>
    %min3A_596 = arith.minsi %min3A_591, %select_n3A_595 : vector<16xi32>
    %eq3A_597 = arith.cmpf oeq, %select_n3A_537, %max3A_584 : vector<16xf32>
    %jit3A_598 = arith.constant 128 : i32
    %broadcast_in_dim3A_599 = vector.broadcast %jit3A_598 : i32 to vector<16xi32>
    %select_n3A_600 = arith.select %eq3A_597, %add3A_25, %broadcast_in_dim3A_599 : vector<16xi1>, vector<16xi32>
    %min3A_601 = arith.minsi %min3A_596, %select_n3A_600 : vector<16xi32>
    %eq3A_602 = arith.cmpf oeq, %select_n3A_541, %max3A_584 : vector<16xf32>
    %jit3A_603 = arith.constant 128 : i32
    %broadcast_in_dim3A_604 = vector.broadcast %jit3A_603 : i32 to vector<16xi32>
    %select_n3A_605 = arith.select %eq3A_602, %add3A_28, %broadcast_in_dim3A_604 : vector<16xi1>, vector<16xi32>
    %min3A_606 = arith.minsi %min3A_601, %select_n3A_605 : vector<16xi32>
    %add3A_607 = arith.constant 1 : i32
    %add3A_608 = vector.broadcast %add3A_607 : i32 to vector<16xi32>
    %add3A_609 = arith.addi %iota3A, %add3A_608 : vector<16xi32>
    %and3A_610 = arith.constant 15 : i32
    %and3A_611 = vector.broadcast %and3A_610 : i32 to vector<16xi32>
    %and3A_612 = arith.andi %add3A_609, %and3A_611 : vector<16xi32>
    %broadcast_in_dim3A_613 = vector.shape_cast %and3A_612 : vector<16xi32> to vector<16x1xi32>
    %gather3A_614 = vector.shape_cast %broadcast_in_dim3A_613 : vector<16x1xi32> to vector<16xi32>
    %gather3A_615 = tpu.dynamic_gather %min3A_606[%gather3A_614] in [0] : vector<16xi32>, vector<16xi32> -> vector<16xi32>
    %min3A_616 = arith.minsi %min3A_606, %gather3A_615 : vector<16xi32>
    %add3A_617 = arith.constant 2 : i32
    %add3A_618 = vector.broadcast %add3A_617 : i32 to vector<16xi32>
    %add3A_619 = arith.addi %iota3A, %add3A_618 : vector<16xi32>
    %and3A_620 = arith.constant 15 : i32
    %and3A_621 = vector.broadcast %and3A_620 : i32 to vector<16xi32>
    %and3A_622 = arith.andi %add3A_619, %and3A_621 : vector<16xi32>
    %broadcast_in_dim3A_623 = vector.shape_cast %and3A_622 : vector<16xi32> to vector<16x1xi32>
    %gather3A_624 = vector.shape_cast %broadcast_in_dim3A_623 : vector<16x1xi32> to vector<16xi32>
    %gather3A_625 = tpu.dynamic_gather %min3A_616[%gather3A_624] in [0] : vector<16xi32>, vector<16xi32> -> vector<16xi32>
    %min3A_626 = arith.minsi %min3A_616, %gather3A_625 : vector<16xi32>
    %add3A_627 = arith.constant 4 : i32
    %add3A_628 = vector.broadcast %add3A_627 : i32 to vector<16xi32>
    %add3A_629 = arith.addi %iota3A, %add3A_628 : vector<16xi32>
    %and3A_630 = arith.constant 15 : i32
    %and3A_631 = vector.broadcast %and3A_630 : i32 to vector<16xi32>
    %and3A_632 = arith.andi %add3A_629, %and3A_631 : vector<16xi32>
    %broadcast_in_dim3A_633 = vector.shape_cast %and3A_632 : vector<16xi32> to vector<16x1xi32>
    %gather3A_634 = vector.shape_cast %broadcast_in_dim3A_633 : vector<16x1xi32> to vector<16xi32>
    %gather3A_635 = tpu.dynamic_gather %min3A_626[%gather3A_634] in [0] : vector<16xi32>, vector<16xi32> -> vector<16xi32>
    %min3A_636 = arith.minsi %min3A_626, %gather3A_635 : vector<16xi32>
    %add3A_637 = arith.constant 8 : i32
    %add3A_638 = vector.broadcast %add3A_637 : i32 to vector<16xi32>
    %add3A_639 = arith.addi %iota3A, %add3A_638 : vector<16xi32>
    %and3A_640 = arith.constant 15 : i32
    %and3A_641 = vector.broadcast %and3A_640 : i32 to vector<16xi32>
    %and3A_642 = arith.andi %add3A_639, %and3A_641 : vector<16xi32>
    %broadcast_in_dim3A_643 = vector.shape_cast %and3A_642 : vector<16xi32> to vector<16x1xi32>
    %gather3A_644 = vector.shape_cast %broadcast_in_dim3A_643 : vector<16x1xi32> to vector<16xi32>
    %gather3A_645 = tpu.dynamic_gather %min3A_636[%gather3A_644] in [0] : vector<16xi32>, vector<16xi32> -> vector<16xi32>
    %min3A_646 = arith.minsi %min3A_636, %gather3A_645 : vector<16xi32>
    %eq3A_647 = arith.constant 4 : i32
    %eq3A_648 = vector.broadcast %eq3A_647 : i32 to vector<16xi32>
    %eq3A_649 = arith.cmpi eq, %iota3A, %eq3A_648 : vector<16xi32>
    %select_n3A_650 = arith.select %eq3A_649, %max3A_584, %select_n3A_521 : vector<16xi1>, vector<16xf32>
    %eq3A_651 = arith.constant 4 : i32
    %eq3A_652 = vector.broadcast %eq3A_651 : i32 to vector<16xi32>
    %eq3A_653 = arith.cmpi eq, %iota3A, %eq3A_652 : vector<16xi32>
    %select_n3A_654 = arith.select %eq3A_653, %min3A_646, %select_n3A_525 : vector<16xi1>, vector<16xi32>
    %eq3A_655 = arith.cmpi eq, %add3A_19, %min3A_646 : vector<16xi32>
    %jit3A_656 = arith.constant -3.000000e+38 : f32
    %broadcast_in_dim3A_657 = vector.broadcast %jit3A_656 : f32 to vector<16xf32>
    %select_n3A_658 = arith.select %eq3A_655, %broadcast_in_dim3A_657, %select_n3A_529 : vector<16xi1>, vector<16xf32>
    %eq3A_659 = arith.cmpi eq, %add3A_22, %min3A_646 : vector<16xi32>
    %jit3A_660 = arith.constant -3.000000e+38 : f32
    %broadcast_in_dim3A_661 = vector.broadcast %jit3A_660 : f32 to vector<16xf32>
    %select_n3A_662 = arith.select %eq3A_659, %broadcast_in_dim3A_661, %select_n3A_533 : vector<16xi1>, vector<16xf32>
    %eq3A_663 = arith.cmpi eq, %add3A_25, %min3A_646 : vector<16xi32>
    %jit3A_664 = arith.constant -3.000000e+38 : f32
    %broadcast_in_dim3A_665 = vector.broadcast %jit3A_664 : f32 to vector<16xf32>
    %select_n3A_666 = arith.select %eq3A_663, %broadcast_in_dim3A_665, %select_n3A_537 : vector<16xi1>, vector<16xf32>
    %eq3A_667 = arith.cmpi eq, %add3A_28, %min3A_646 : vector<16xi32>
    %jit3A_668 = arith.constant -3.000000e+38 : f32
    %broadcast_in_dim3A_669 = vector.broadcast %jit3A_668 : f32 to vector<16xf32>
    %select_n3A_670 = arith.select %eq3A_667, %broadcast_in_dim3A_669, %select_n3A_541 : vector<16xi1>, vector<16xf32>
    %max3A_671 = arith.maximumf %select_n3A_658, %select_n3A_662 : vector<16xf32>
    %max3A_672 = arith.maximumf %max3A_671, %select_n3A_666 : vector<16xf32>
    %max3A_673 = arith.maximumf %max3A_672, %select_n3A_670 : vector<16xf32>
    %add3A_674 = arith.constant 1 : i32
    %add3A_675 = vector.broadcast %add3A_674 : i32 to vector<16xi32>
    %add3A_676 = arith.addi %iota3A, %add3A_675 : vector<16xi32>
    %and3A_677 = arith.constant 15 : i32
    %and3A_678 = vector.broadcast %and3A_677 : i32 to vector<16xi32>
    %and3A_679 = arith.andi %add3A_676, %and3A_678 : vector<16xi32>
    %broadcast_in_dim3A_680 = vector.shape_cast %and3A_679 : vector<16xi32> to vector<16x1xi32>
    %gather3A_681 = vector.shape_cast %broadcast_in_dim3A_680 : vector<16x1xi32> to vector<16xi32>
    %gather3A_682 = tpu.dynamic_gather %max3A_673[%gather3A_681] in [0] : vector<16xf32>, vector<16xi32> -> vector<16xf32>
    %max3A_683 = arith.maximumf %max3A_673, %gather3A_682 : vector<16xf32>
    %add3A_684 = arith.constant 2 : i32
    %add3A_685 = vector.broadcast %add3A_684 : i32 to vector<16xi32>
    %add3A_686 = arith.addi %iota3A, %add3A_685 : vector<16xi32>
    %and3A_687 = arith.constant 15 : i32
    %and3A_688 = vector.broadcast %and3A_687 : i32 to vector<16xi32>
    %and3A_689 = arith.andi %add3A_686, %and3A_688 : vector<16xi32>
    %broadcast_in_dim3A_690 = vector.shape_cast %and3A_689 : vector<16xi32> to vector<16x1xi32>
    %gather3A_691 = vector.shape_cast %broadcast_in_dim3A_690 : vector<16x1xi32> to vector<16xi32>
    %gather3A_692 = tpu.dynamic_gather %max3A_683[%gather3A_691] in [0] : vector<16xf32>, vector<16xi32> -> vector<16xf32>
    %max3A_693 = arith.maximumf %max3A_683, %gather3A_692 : vector<16xf32>
    %add3A_694 = arith.constant 4 : i32
    %add3A_695 = vector.broadcast %add3A_694 : i32 to vector<16xi32>
    %add3A_696 = arith.addi %iota3A, %add3A_695 : vector<16xi32>
    %and3A_697 = arith.constant 15 : i32
    %and3A_698 = vector.broadcast %and3A_697 : i32 to vector<16xi32>
    %and3A_699 = arith.andi %add3A_696, %and3A_698 : vector<16xi32>
    %broadcast_in_dim3A_700 = vector.shape_cast %and3A_699 : vector<16xi32> to vector<16x1xi32>
    %gather3A_701 = vector.shape_cast %broadcast_in_dim3A_700 : vector<16x1xi32> to vector<16xi32>
    %gather3A_702 = tpu.dynamic_gather %max3A_693[%gather3A_701] in [0] : vector<16xf32>, vector<16xi32> -> vector<16xf32>
    %max3A_703 = arith.maximumf %max3A_693, %gather3A_702 : vector<16xf32>
    %add3A_704 = arith.constant 8 : i32
    %add3A_705 = vector.broadcast %add3A_704 : i32 to vector<16xi32>
    %add3A_706 = arith.addi %iota3A, %add3A_705 : vector<16xi32>
    %and3A_707 = arith.constant 15 : i32
    %and3A_708 = vector.broadcast %and3A_707 : i32 to vector<16xi32>
    %and3A_709 = arith.andi %add3A_706, %and3A_708 : vector<16xi32>
    %broadcast_in_dim3A_710 = vector.shape_cast %and3A_709 : vector<16xi32> to vector<16x1xi32>
    %gather3A_711 = vector.shape_cast %broadcast_in_dim3A_710 : vector<16x1xi32> to vector<16xi32>
    %gather3A_712 = tpu.dynamic_gather %max3A_703[%gather3A_711] in [0] : vector<16xf32>, vector<16xi32> -> vector<16xf32>
    %max3A_713 = arith.maximumf %max3A_703, %gather3A_712 : vector<16xf32>
    %broadcast_in_dim3A_714 = arith.constant 128 : i32
    %broadcast_in_dim3A_715 = vector.broadcast %broadcast_in_dim3A_714 : i32 to vector<16xi32>
    %eq3A_716 = arith.cmpf oeq, %select_n3A_658, %max3A_713 : vector<16xf32>
    %jit3A_717 = arith.constant 128 : i32
    %broadcast_in_dim3A_718 = vector.broadcast %jit3A_717 : i32 to vector<16xi32>
    %select_n3A_719 = arith.select %eq3A_716, %add3A_19, %broadcast_in_dim3A_718 : vector<16xi1>, vector<16xi32>
    %min3A_720 = arith.minsi %broadcast_in_dim3A_715, %select_n3A_719 : vector<16xi32>
    %eq3A_721 = arith.cmpf oeq, %select_n3A_662, %max3A_713 : vector<16xf32>
    %jit3A_722 = arith.constant 128 : i32
    %broadcast_in_dim3A_723 = vector.broadcast %jit3A_722 : i32 to vector<16xi32>
    %select_n3A_724 = arith.select %eq3A_721, %add3A_22, %broadcast_in_dim3A_723 : vector<16xi1>, vector<16xi32>
    %min3A_725 = arith.minsi %min3A_720, %select_n3A_724 : vector<16xi32>
    %eq3A_726 = arith.cmpf oeq, %select_n3A_666, %max3A_713 : vector<16xf32>
    %jit3A_727 = arith.constant 128 : i32
    %broadcast_in_dim3A_728 = vector.broadcast %jit3A_727 : i32 to vector<16xi32>
    %select_n3A_729 = arith.select %eq3A_726, %add3A_25, %broadcast_in_dim3A_728 : vector<16xi1>, vector<16xi32>
    %min3A_730 = arith.minsi %min3A_725, %select_n3A_729 : vector<16xi32>
    %eq3A_731 = arith.cmpf oeq, %select_n3A_670, %max3A_713 : vector<16xf32>
    %jit3A_732 = arith.constant 128 : i32
    %broadcast_in_dim3A_733 = vector.broadcast %jit3A_732 : i32 to vector<16xi32>
    %select_n3A_734 = arith.select %eq3A_731, %add3A_28, %broadcast_in_dim3A_733 : vector<16xi1>, vector<16xi32>
    %min3A_735 = arith.minsi %min3A_730, %select_n3A_734 : vector<16xi32>
    %add3A_736 = arith.constant 1 : i32
    %add3A_737 = vector.broadcast %add3A_736 : i32 to vector<16xi32>
    %add3A_738 = arith.addi %iota3A, %add3A_737 : vector<16xi32>
    %and3A_739 = arith.constant 15 : i32
    %and3A_740 = vector.broadcast %and3A_739 : i32 to vector<16xi32>
    %and3A_741 = arith.andi %add3A_738, %and3A_740 : vector<16xi32>
    %broadcast_in_dim3A_742 = vector.shape_cast %and3A_741 : vector<16xi32> to vector<16x1xi32>
    %gather3A_743 = vector.shape_cast %broadcast_in_dim3A_742 : vector<16x1xi32> to vector<16xi32>
    %gather3A_744 = tpu.dynamic_gather %min3A_735[%gather3A_743] in [0] : vector<16xi32>, vector<16xi32> -> vector<16xi32>
    %min3A_745 = arith.minsi %min3A_735, %gather3A_744 : vector<16xi32>
    %add3A_746 = arith.constant 2 : i32
    %add3A_747 = vector.broadcast %add3A_746 : i32 to vector<16xi32>
    %add3A_748 = arith.addi %iota3A, %add3A_747 : vector<16xi32>
    %and3A_749 = arith.constant 15 : i32
    %and3A_750 = vector.broadcast %and3A_749 : i32 to vector<16xi32>
    %and3A_751 = arith.andi %add3A_748, %and3A_750 : vector<16xi32>
    %broadcast_in_dim3A_752 = vector.shape_cast %and3A_751 : vector<16xi32> to vector<16x1xi32>
    %gather3A_753 = vector.shape_cast %broadcast_in_dim3A_752 : vector<16x1xi32> to vector<16xi32>
    %gather3A_754 = tpu.dynamic_gather %min3A_745[%gather3A_753] in [0] : vector<16xi32>, vector<16xi32> -> vector<16xi32>
    %min3A_755 = arith.minsi %min3A_745, %gather3A_754 : vector<16xi32>
    %add3A_756 = arith.constant 4 : i32
    %add3A_757 = vector.broadcast %add3A_756 : i32 to vector<16xi32>
    %add3A_758 = arith.addi %iota3A, %add3A_757 : vector<16xi32>
    %and3A_759 = arith.constant 15 : i32
    %and3A_760 = vector.broadcast %and3A_759 : i32 to vector<16xi32>
    %and3A_761 = arith.andi %add3A_758, %and3A_760 : vector<16xi32>
    %broadcast_in_dim3A_762 = vector.shape_cast %and3A_761 : vector<16xi32> to vector<16x1xi32>
    %gather3A_763 = vector.shape_cast %broadcast_in_dim3A_762 : vector<16x1xi32> to vector<16xi32>
    %gather3A_764 = tpu.dynamic_gather %min3A_755[%gather3A_763] in [0] : vector<16xi32>, vector<16xi32> -> vector<16xi32>
    %min3A_765 = arith.minsi %min3A_755, %gather3A_764 : vector<16xi32>
    %add3A_766 = arith.constant 8 : i32
    %add3A_767 = vector.broadcast %add3A_766 : i32 to vector<16xi32>
    %add3A_768 = arith.addi %iota3A, %add3A_767 : vector<16xi32>
    %and3A_769 = arith.constant 15 : i32
    %and3A_770 = vector.broadcast %and3A_769 : i32 to vector<16xi32>
    %and3A_771 = arith.andi %add3A_768, %and3A_770 : vector<16xi32>
    %broadcast_in_dim3A_772 = vector.shape_cast %and3A_771 : vector<16xi32> to vector<16x1xi32>
    %gather3A_773 = vector.shape_cast %broadcast_in_dim3A_772 : vector<16x1xi32> to vector<16xi32>
    %gather3A_774 = tpu.dynamic_gather %min3A_765[%gather3A_773] in [0] : vector<16xi32>, vector<16xi32> -> vector<16xi32>
    %min3A_775 = arith.minsi %min3A_765, %gather3A_774 : vector<16xi32>
    %eq3A_776 = arith.constant 5 : i32
    %eq3A_777 = vector.broadcast %eq3A_776 : i32 to vector<16xi32>
    %eq3A_778 = arith.cmpi eq, %iota3A, %eq3A_777 : vector<16xi32>
    %select_n3A_779 = arith.select %eq3A_778, %max3A_713, %select_n3A_650 : vector<16xi1>, vector<16xf32>
    %eq3A_780 = arith.constant 5 : i32
    %eq3A_781 = vector.broadcast %eq3A_780 : i32 to vector<16xi32>
    %eq3A_782 = arith.cmpi eq, %iota3A, %eq3A_781 : vector<16xi32>
    %select_n3A_783 = arith.select %eq3A_782, %min3A_775, %select_n3A_654 : vector<16xi1>, vector<16xi32>
    %eq3A_784 = arith.cmpi eq, %add3A_19, %min3A_775 : vector<16xi32>
    %jit3A_785 = arith.constant -3.000000e+38 : f32
    %broadcast_in_dim3A_786 = vector.broadcast %jit3A_785 : f32 to vector<16xf32>
    %select_n3A_787 = arith.select %eq3A_784, %broadcast_in_dim3A_786, %select_n3A_658 : vector<16xi1>, vector<16xf32>
    %eq3A_788 = arith.cmpi eq, %add3A_22, %min3A_775 : vector<16xi32>
    %jit3A_789 = arith.constant -3.000000e+38 : f32
    %broadcast_in_dim3A_790 = vector.broadcast %jit3A_789 : f32 to vector<16xf32>
    %select_n3A_791 = arith.select %eq3A_788, %broadcast_in_dim3A_790, %select_n3A_662 : vector<16xi1>, vector<16xf32>
    %eq3A_792 = arith.cmpi eq, %add3A_25, %min3A_775 : vector<16xi32>
    %jit3A_793 = arith.constant -3.000000e+38 : f32
    %broadcast_in_dim3A_794 = vector.broadcast %jit3A_793 : f32 to vector<16xf32>
    %select_n3A_795 = arith.select %eq3A_792, %broadcast_in_dim3A_794, %select_n3A_666 : vector<16xi1>, vector<16xf32>
    %eq3A_796 = arith.cmpi eq, %add3A_28, %min3A_775 : vector<16xi32>
    %jit3A_797 = arith.constant -3.000000e+38 : f32
    %broadcast_in_dim3A_798 = vector.broadcast %jit3A_797 : f32 to vector<16xf32>
    %select_n3A_799 = arith.select %eq3A_796, %broadcast_in_dim3A_798, %select_n3A_670 : vector<16xi1>, vector<16xf32>
    %max3A_800 = arith.maximumf %select_n3A_787, %select_n3A_791 : vector<16xf32>
    %max3A_801 = arith.maximumf %max3A_800, %select_n3A_795 : vector<16xf32>
    %max3A_802 = arith.maximumf %max3A_801, %select_n3A_799 : vector<16xf32>
    %add3A_803 = arith.constant 1 : i32
    %add3A_804 = vector.broadcast %add3A_803 : i32 to vector<16xi32>
    %add3A_805 = arith.addi %iota3A, %add3A_804 : vector<16xi32>
    %and3A_806 = arith.constant 15 : i32
    %and3A_807 = vector.broadcast %and3A_806 : i32 to vector<16xi32>
    %and3A_808 = arith.andi %add3A_805, %and3A_807 : vector<16xi32>
    %broadcast_in_dim3A_809 = vector.shape_cast %and3A_808 : vector<16xi32> to vector<16x1xi32>
    %gather3A_810 = vector.shape_cast %broadcast_in_dim3A_809 : vector<16x1xi32> to vector<16xi32>
    %gather3A_811 = tpu.dynamic_gather %max3A_802[%gather3A_810] in [0] : vector<16xf32>, vector<16xi32> -> vector<16xf32>
    %max3A_812 = arith.maximumf %max3A_802, %gather3A_811 : vector<16xf32>
    %add3A_813 = arith.constant 2 : i32
    %add3A_814 = vector.broadcast %add3A_813 : i32 to vector<16xi32>
    %add3A_815 = arith.addi %iota3A, %add3A_814 : vector<16xi32>
    %and3A_816 = arith.constant 15 : i32
    %and3A_817 = vector.broadcast %and3A_816 : i32 to vector<16xi32>
    %and3A_818 = arith.andi %add3A_815, %and3A_817 : vector<16xi32>
    %broadcast_in_dim3A_819 = vector.shape_cast %and3A_818 : vector<16xi32> to vector<16x1xi32>
    %gather3A_820 = vector.shape_cast %broadcast_in_dim3A_819 : vector<16x1xi32> to vector<16xi32>
    %gather3A_821 = tpu.dynamic_gather %max3A_812[%gather3A_820] in [0] : vector<16xf32>, vector<16xi32> -> vector<16xf32>
    %max3A_822 = arith.maximumf %max3A_812, %gather3A_821 : vector<16xf32>
    %add3A_823 = arith.constant 4 : i32
    %add3A_824 = vector.broadcast %add3A_823 : i32 to vector<16xi32>
    %add3A_825 = arith.addi %iota3A, %add3A_824 : vector<16xi32>
    %and3A_826 = arith.constant 15 : i32
    %and3A_827 = vector.broadcast %and3A_826 : i32 to vector<16xi32>
    %and3A_828 = arith.andi %add3A_825, %and3A_827 : vector<16xi32>
    %broadcast_in_dim3A_829 = vector.shape_cast %and3A_828 : vector<16xi32> to vector<16x1xi32>
    %gather3A_830 = vector.shape_cast %broadcast_in_dim3A_829 : vector<16x1xi32> to vector<16xi32>
    %gather3A_831 = tpu.dynamic_gather %max3A_822[%gather3A_830] in [0] : vector<16xf32>, vector<16xi32> -> vector<16xf32>
    %max3A_832 = arith.maximumf %max3A_822, %gather3A_831 : vector<16xf32>
    %add3A_833 = arith.constant 8 : i32
    %add3A_834 = vector.broadcast %add3A_833 : i32 to vector<16xi32>
    %add3A_835 = arith.addi %iota3A, %add3A_834 : vector<16xi32>
    %and3A_836 = arith.constant 15 : i32
    %and3A_837 = vector.broadcast %and3A_836 : i32 to vector<16xi32>
    %and3A_838 = arith.andi %add3A_835, %and3A_837 : vector<16xi32>
    %broadcast_in_dim3A_839 = vector.shape_cast %and3A_838 : vector<16xi32> to vector<16x1xi32>
    %gather3A_840 = vector.shape_cast %broadcast_in_dim3A_839 : vector<16x1xi32> to vector<16xi32>
    %gather3A_841 = tpu.dynamic_gather %max3A_832[%gather3A_840] in [0] : vector<16xf32>, vector<16xi32> -> vector<16xf32>
    %max3A_842 = arith.maximumf %max3A_832, %gather3A_841 : vector<16xf32>
    %broadcast_in_dim3A_843 = arith.constant 128 : i32
    %broadcast_in_dim3A_844 = vector.broadcast %broadcast_in_dim3A_843 : i32 to vector<16xi32>
    %eq3A_845 = arith.cmpf oeq, %select_n3A_787, %max3A_842 : vector<16xf32>
    %jit3A_846 = arith.constant 128 : i32
    %broadcast_in_dim3A_847 = vector.broadcast %jit3A_846 : i32 to vector<16xi32>
    %select_n3A_848 = arith.select %eq3A_845, %add3A_19, %broadcast_in_dim3A_847 : vector<16xi1>, vector<16xi32>
    %min3A_849 = arith.minsi %broadcast_in_dim3A_844, %select_n3A_848 : vector<16xi32>
    %eq3A_850 = arith.cmpf oeq, %select_n3A_791, %max3A_842 : vector<16xf32>
    %jit3A_851 = arith.constant 128 : i32
    %broadcast_in_dim3A_852 = vector.broadcast %jit3A_851 : i32 to vector<16xi32>
    %select_n3A_853 = arith.select %eq3A_850, %add3A_22, %broadcast_in_dim3A_852 : vector<16xi1>, vector<16xi32>
    %min3A_854 = arith.minsi %min3A_849, %select_n3A_853 : vector<16xi32>
    %eq3A_855 = arith.cmpf oeq, %select_n3A_795, %max3A_842 : vector<16xf32>
    %jit3A_856 = arith.constant 128 : i32
    %broadcast_in_dim3A_857 = vector.broadcast %jit3A_856 : i32 to vector<16xi32>
    %select_n3A_858 = arith.select %eq3A_855, %add3A_25, %broadcast_in_dim3A_857 : vector<16xi1>, vector<16xi32>
    %min3A_859 = arith.minsi %min3A_854, %select_n3A_858 : vector<16xi32>
    %eq3A_860 = arith.cmpf oeq, %select_n3A_799, %max3A_842 : vector<16xf32>
    %jit3A_861 = arith.constant 128 : i32
    %broadcast_in_dim3A_862 = vector.broadcast %jit3A_861 : i32 to vector<16xi32>
    %select_n3A_863 = arith.select %eq3A_860, %add3A_28, %broadcast_in_dim3A_862 : vector<16xi1>, vector<16xi32>
    %min3A_864 = arith.minsi %min3A_859, %select_n3A_863 : vector<16xi32>
    %add3A_865 = arith.constant 1 : i32
    %add3A_866 = vector.broadcast %add3A_865 : i32 to vector<16xi32>
    %add3A_867 = arith.addi %iota3A, %add3A_866 : vector<16xi32>
    %and3A_868 = arith.constant 15 : i32
    %and3A_869 = vector.broadcast %and3A_868 : i32 to vector<16xi32>
    %and3A_870 = arith.andi %add3A_867, %and3A_869 : vector<16xi32>
    %broadcast_in_dim3A_871 = vector.shape_cast %and3A_870 : vector<16xi32> to vector<16x1xi32>
    %gather3A_872 = vector.shape_cast %broadcast_in_dim3A_871 : vector<16x1xi32> to vector<16xi32>
    %gather3A_873 = tpu.dynamic_gather %min3A_864[%gather3A_872] in [0] : vector<16xi32>, vector<16xi32> -> vector<16xi32>
    %min3A_874 = arith.minsi %min3A_864, %gather3A_873 : vector<16xi32>
    %add3A_875 = arith.constant 2 : i32
    %add3A_876 = vector.broadcast %add3A_875 : i32 to vector<16xi32>
    %add3A_877 = arith.addi %iota3A, %add3A_876 : vector<16xi32>
    %and3A_878 = arith.constant 15 : i32
    %and3A_879 = vector.broadcast %and3A_878 : i32 to vector<16xi32>
    %and3A_880 = arith.andi %add3A_877, %and3A_879 : vector<16xi32>
    %broadcast_in_dim3A_881 = vector.shape_cast %and3A_880 : vector<16xi32> to vector<16x1xi32>
    %gather3A_882 = vector.shape_cast %broadcast_in_dim3A_881 : vector<16x1xi32> to vector<16xi32>
    %gather3A_883 = tpu.dynamic_gather %min3A_874[%gather3A_882] in [0] : vector<16xi32>, vector<16xi32> -> vector<16xi32>
    %min3A_884 = arith.minsi %min3A_874, %gather3A_883 : vector<16xi32>
    %add3A_885 = arith.constant 4 : i32
    %add3A_886 = vector.broadcast %add3A_885 : i32 to vector<16xi32>
    %add3A_887 = arith.addi %iota3A, %add3A_886 : vector<16xi32>
    %and3A_888 = arith.constant 15 : i32
    %and3A_889 = vector.broadcast %and3A_888 : i32 to vector<16xi32>
    %and3A_890 = arith.andi %add3A_887, %and3A_889 : vector<16xi32>
    %broadcast_in_dim3A_891 = vector.shape_cast %and3A_890 : vector<16xi32> to vector<16x1xi32>
    %gather3A_892 = vector.shape_cast %broadcast_in_dim3A_891 : vector<16x1xi32> to vector<16xi32>
    %gather3A_893 = tpu.dynamic_gather %min3A_884[%gather3A_892] in [0] : vector<16xi32>, vector<16xi32> -> vector<16xi32>
    %min3A_894 = arith.minsi %min3A_884, %gather3A_893 : vector<16xi32>
    %add3A_895 = arith.constant 8 : i32
    %add3A_896 = vector.broadcast %add3A_895 : i32 to vector<16xi32>
    %add3A_897 = arith.addi %iota3A, %add3A_896 : vector<16xi32>
    %and3A_898 = arith.constant 15 : i32
    %and3A_899 = vector.broadcast %and3A_898 : i32 to vector<16xi32>
    %and3A_900 = arith.andi %add3A_897, %and3A_899 : vector<16xi32>
    %broadcast_in_dim3A_901 = vector.shape_cast %and3A_900 : vector<16xi32> to vector<16x1xi32>
    %gather3A_902 = vector.shape_cast %broadcast_in_dim3A_901 : vector<16x1xi32> to vector<16xi32>
    %gather3A_903 = tpu.dynamic_gather %min3A_894[%gather3A_902] in [0] : vector<16xi32>, vector<16xi32> -> vector<16xi32>
    %min3A_904 = arith.minsi %min3A_894, %gather3A_903 : vector<16xi32>
    %eq3A_905 = arith.constant 6 : i32
    %eq3A_906 = vector.broadcast %eq3A_905 : i32 to vector<16xi32>
    %eq3A_907 = arith.cmpi eq, %iota3A, %eq3A_906 : vector<16xi32>
    %select_n3A_908 = arith.select %eq3A_907, %max3A_842, %select_n3A_779 : vector<16xi1>, vector<16xf32>
    %eq3A_909 = arith.constant 6 : i32
    %eq3A_910 = vector.broadcast %eq3A_909 : i32 to vector<16xi32>
    %eq3A_911 = arith.cmpi eq, %iota3A, %eq3A_910 : vector<16xi32>
    %select_n3A_912 = arith.select %eq3A_911, %min3A_904, %select_n3A_783 : vector<16xi1>, vector<16xi32>
    %eq3A_913 = arith.cmpi eq, %add3A_19, %min3A_904 : vector<16xi32>
    %jit3A_914 = arith.constant -3.000000e+38 : f32
    %broadcast_in_dim3A_915 = vector.broadcast %jit3A_914 : f32 to vector<16xf32>
    %select_n3A_916 = arith.select %eq3A_913, %broadcast_in_dim3A_915, %select_n3A_787 : vector<16xi1>, vector<16xf32>
    %eq3A_917 = arith.cmpi eq, %add3A_22, %min3A_904 : vector<16xi32>
    %jit3A_918 = arith.constant -3.000000e+38 : f32
    %broadcast_in_dim3A_919 = vector.broadcast %jit3A_918 : f32 to vector<16xf32>
    %select_n3A_920 = arith.select %eq3A_917, %broadcast_in_dim3A_919, %select_n3A_791 : vector<16xi1>, vector<16xf32>
    %eq3A_921 = arith.cmpi eq, %add3A_25, %min3A_904 : vector<16xi32>
    %jit3A_922 = arith.constant -3.000000e+38 : f32
    %broadcast_in_dim3A_923 = vector.broadcast %jit3A_922 : f32 to vector<16xf32>
    %select_n3A_924 = arith.select %eq3A_921, %broadcast_in_dim3A_923, %select_n3A_795 : vector<16xi1>, vector<16xf32>
    %eq3A_925 = arith.cmpi eq, %add3A_28, %min3A_904 : vector<16xi32>
    %jit3A_926 = arith.constant -3.000000e+38 : f32
    %broadcast_in_dim3A_927 = vector.broadcast %jit3A_926 : f32 to vector<16xf32>
    %select_n3A_928 = arith.select %eq3A_925, %broadcast_in_dim3A_927, %select_n3A_799 : vector<16xi1>, vector<16xf32>
    %max3A_929 = arith.maximumf %select_n3A_916, %select_n3A_920 : vector<16xf32>
    %max3A_930 = arith.maximumf %max3A_929, %select_n3A_924 : vector<16xf32>
    %max3A_931 = arith.maximumf %max3A_930, %select_n3A_928 : vector<16xf32>
    %add3A_932 = arith.constant 1 : i32
    %add3A_933 = vector.broadcast %add3A_932 : i32 to vector<16xi32>
    %add3A_934 = arith.addi %iota3A, %add3A_933 : vector<16xi32>
    %and3A_935 = arith.constant 15 : i32
    %and3A_936 = vector.broadcast %and3A_935 : i32 to vector<16xi32>
    %and3A_937 = arith.andi %add3A_934, %and3A_936 : vector<16xi32>
    %broadcast_in_dim3A_938 = vector.shape_cast %and3A_937 : vector<16xi32> to vector<16x1xi32>
    %gather3A_939 = vector.shape_cast %broadcast_in_dim3A_938 : vector<16x1xi32> to vector<16xi32>
    %gather3A_940 = tpu.dynamic_gather %max3A_931[%gather3A_939] in [0] : vector<16xf32>, vector<16xi32> -> vector<16xf32>
    %max3A_941 = arith.maximumf %max3A_931, %gather3A_940 : vector<16xf32>
    %add3A_942 = arith.constant 2 : i32
    %add3A_943 = vector.broadcast %add3A_942 : i32 to vector<16xi32>
    %add3A_944 = arith.addi %iota3A, %add3A_943 : vector<16xi32>
    %and3A_945 = arith.constant 15 : i32
    %and3A_946 = vector.broadcast %and3A_945 : i32 to vector<16xi32>
    %and3A_947 = arith.andi %add3A_944, %and3A_946 : vector<16xi32>
    %broadcast_in_dim3A_948 = vector.shape_cast %and3A_947 : vector<16xi32> to vector<16x1xi32>
    %gather3A_949 = vector.shape_cast %broadcast_in_dim3A_948 : vector<16x1xi32> to vector<16xi32>
    %gather3A_950 = tpu.dynamic_gather %max3A_941[%gather3A_949] in [0] : vector<16xf32>, vector<16xi32> -> vector<16xf32>
    %max3A_951 = arith.maximumf %max3A_941, %gather3A_950 : vector<16xf32>
    %add3A_952 = arith.constant 4 : i32
    %add3A_953 = vector.broadcast %add3A_952 : i32 to vector<16xi32>
    %add3A_954 = arith.addi %iota3A, %add3A_953 : vector<16xi32>
    %and3A_955 = arith.constant 15 : i32
    %and3A_956 = vector.broadcast %and3A_955 : i32 to vector<16xi32>
    %and3A_957 = arith.andi %add3A_954, %and3A_956 : vector<16xi32>
    %broadcast_in_dim3A_958 = vector.shape_cast %and3A_957 : vector<16xi32> to vector<16x1xi32>
    %gather3A_959 = vector.shape_cast %broadcast_in_dim3A_958 : vector<16x1xi32> to vector<16xi32>
    %gather3A_960 = tpu.dynamic_gather %max3A_951[%gather3A_959] in [0] : vector<16xf32>, vector<16xi32> -> vector<16xf32>
    %max3A_961 = arith.maximumf %max3A_951, %gather3A_960 : vector<16xf32>
    %add3A_962 = arith.constant 8 : i32
    %add3A_963 = vector.broadcast %add3A_962 : i32 to vector<16xi32>
    %add3A_964 = arith.addi %iota3A, %add3A_963 : vector<16xi32>
    %and3A_965 = arith.constant 15 : i32
    %and3A_966 = vector.broadcast %and3A_965 : i32 to vector<16xi32>
    %and3A_967 = arith.andi %add3A_964, %and3A_966 : vector<16xi32>
    %broadcast_in_dim3A_968 = vector.shape_cast %and3A_967 : vector<16xi32> to vector<16x1xi32>
    %gather3A_969 = vector.shape_cast %broadcast_in_dim3A_968 : vector<16x1xi32> to vector<16xi32>
    %gather3A_970 = tpu.dynamic_gather %max3A_961[%gather3A_969] in [0] : vector<16xf32>, vector<16xi32> -> vector<16xf32>
    %max3A_971 = arith.maximumf %max3A_961, %gather3A_970 : vector<16xf32>
    %broadcast_in_dim3A_972 = arith.constant 128 : i32
    %broadcast_in_dim3A_973 = vector.broadcast %broadcast_in_dim3A_972 : i32 to vector<16xi32>
    %eq3A_974 = arith.cmpf oeq, %select_n3A_916, %max3A_971 : vector<16xf32>
    %jit3A_975 = arith.constant 128 : i32
    %broadcast_in_dim3A_976 = vector.broadcast %jit3A_975 : i32 to vector<16xi32>
    %select_n3A_977 = arith.select %eq3A_974, %add3A_19, %broadcast_in_dim3A_976 : vector<16xi1>, vector<16xi32>
    %min3A_978 = arith.minsi %broadcast_in_dim3A_973, %select_n3A_977 : vector<16xi32>
    %eq3A_979 = arith.cmpf oeq, %select_n3A_920, %max3A_971 : vector<16xf32>
    %jit3A_980 = arith.constant 128 : i32
    %broadcast_in_dim3A_981 = vector.broadcast %jit3A_980 : i32 to vector<16xi32>
    %select_n3A_982 = arith.select %eq3A_979, %add3A_22, %broadcast_in_dim3A_981 : vector<16xi1>, vector<16xi32>
    %min3A_983 = arith.minsi %min3A_978, %select_n3A_982 : vector<16xi32>
    %eq3A_984 = arith.cmpf oeq, %select_n3A_924, %max3A_971 : vector<16xf32>
    %jit3A_985 = arith.constant 128 : i32
    %broadcast_in_dim3A_986 = vector.broadcast %jit3A_985 : i32 to vector<16xi32>
    %select_n3A_987 = arith.select %eq3A_984, %add3A_25, %broadcast_in_dim3A_986 : vector<16xi1>, vector<16xi32>
    %min3A_988 = arith.minsi %min3A_983, %select_n3A_987 : vector<16xi32>
    %eq3A_989 = arith.cmpf oeq, %select_n3A_928, %max3A_971 : vector<16xf32>
    %jit3A_990 = arith.constant 128 : i32
    %broadcast_in_dim3A_991 = vector.broadcast %jit3A_990 : i32 to vector<16xi32>
    %select_n3A_992 = arith.select %eq3A_989, %add3A_28, %broadcast_in_dim3A_991 : vector<16xi1>, vector<16xi32>
    %min3A_993 = arith.minsi %min3A_988, %select_n3A_992 : vector<16xi32>
    %add3A_994 = arith.constant 1 : i32
    %add3A_995 = vector.broadcast %add3A_994 : i32 to vector<16xi32>
    %add3A_996 = arith.addi %iota3A, %add3A_995 : vector<16xi32>
    %and3A_997 = arith.constant 15 : i32
    %and3A_998 = vector.broadcast %and3A_997 : i32 to vector<16xi32>
    %and3A_999 = arith.andi %add3A_996, %and3A_998 : vector<16xi32>
    %broadcast_in_dim3A_1000 = vector.shape_cast %and3A_999 : vector<16xi32> to vector<16x1xi32>
    %gather3A_1001 = vector.shape_cast %broadcast_in_dim3A_1000 : vector<16x1xi32> to vector<16xi32>
    %gather3A_1002 = tpu.dynamic_gather %min3A_993[%gather3A_1001] in [0] : vector<16xi32>, vector<16xi32> -> vector<16xi32>
    %min3A_1003 = arith.minsi %min3A_993, %gather3A_1002 : vector<16xi32>
    %add3A_1004 = arith.constant 2 : i32
    %add3A_1005 = vector.broadcast %add3A_1004 : i32 to vector<16xi32>
    %add3A_1006 = arith.addi %iota3A, %add3A_1005 : vector<16xi32>
    %and3A_1007 = arith.constant 15 : i32
    %and3A_1008 = vector.broadcast %and3A_1007 : i32 to vector<16xi32>
    %and3A_1009 = arith.andi %add3A_1006, %and3A_1008 : vector<16xi32>
    %broadcast_in_dim3A_1010 = vector.shape_cast %and3A_1009 : vector<16xi32> to vector<16x1xi32>
    %gather3A_1011 = vector.shape_cast %broadcast_in_dim3A_1010 : vector<16x1xi32> to vector<16xi32>
    %gather3A_1012 = tpu.dynamic_gather %min3A_1003[%gather3A_1011] in [0] : vector<16xi32>, vector<16xi32> -> vector<16xi32>
    %min3A_1013 = arith.minsi %min3A_1003, %gather3A_1012 : vector<16xi32>
    %add3A_1014 = arith.constant 4 : i32
    %add3A_1015 = vector.broadcast %add3A_1014 : i32 to vector<16xi32>
    %add3A_1016 = arith.addi %iota3A, %add3A_1015 : vector<16xi32>
    %and3A_1017 = arith.constant 15 : i32
    %and3A_1018 = vector.broadcast %and3A_1017 : i32 to vector<16xi32>
    %and3A_1019 = arith.andi %add3A_1016, %and3A_1018 : vector<16xi32>
    %broadcast_in_dim3A_1020 = vector.shape_cast %and3A_1019 : vector<16xi32> to vector<16x1xi32>
    %gather3A_1021 = vector.shape_cast %broadcast_in_dim3A_1020 : vector<16x1xi32> to vector<16xi32>
    %gather3A_1022 = tpu.dynamic_gather %min3A_1013[%gather3A_1021] in [0] : vector<16xi32>, vector<16xi32> -> vector<16xi32>
    %min3A_1023 = arith.minsi %min3A_1013, %gather3A_1022 : vector<16xi32>
    %add3A_1024 = arith.constant 8 : i32
    %add3A_1025 = vector.broadcast %add3A_1024 : i32 to vector<16xi32>
    %add3A_1026 = arith.addi %iota3A, %add3A_1025 : vector<16xi32>
    %and3A_1027 = arith.constant 15 : i32
    %and3A_1028 = vector.broadcast %and3A_1027 : i32 to vector<16xi32>
    %and3A_1029 = arith.andi %add3A_1026, %and3A_1028 : vector<16xi32>
    %broadcast_in_dim3A_1030 = vector.shape_cast %and3A_1029 : vector<16xi32> to vector<16x1xi32>
    %gather3A_1031 = vector.shape_cast %broadcast_in_dim3A_1030 : vector<16x1xi32> to vector<16xi32>
    %gather3A_1032 = tpu.dynamic_gather %min3A_1023[%gather3A_1031] in [0] : vector<16xi32>, vector<16xi32> -> vector<16xi32>
    %min3A_1033 = arith.minsi %min3A_1023, %gather3A_1032 : vector<16xi32>
    %eq3A_1034 = arith.constant 7 : i32
    %eq3A_1035 = vector.broadcast %eq3A_1034 : i32 to vector<16xi32>
    %eq3A_1036 = arith.cmpi eq, %iota3A, %eq3A_1035 : vector<16xi32>
    %select_n3A_1037 = arith.select %eq3A_1036, %max3A_971, %select_n3A_908 : vector<16xi1>, vector<16xf32>
    %eq3A_1038 = arith.constant 7 : i32
    %eq3A_1039 = vector.broadcast %eq3A_1038 : i32 to vector<16xi32>
    %eq3A_1040 = arith.cmpi eq, %iota3A, %eq3A_1039 : vector<16xi32>
    %select_n3A_1041 = arith.select %eq3A_1040, %min3A_1033, %select_n3A_912 : vector<16xi1>, vector<16xi32>
    %eq3A_1042 = arith.cmpi eq, %add3A_19, %min3A_1033 : vector<16xi32>
    %jit3A_1043 = arith.constant -3.000000e+38 : f32
    %broadcast_in_dim3A_1044 = vector.broadcast %jit3A_1043 : f32 to vector<16xf32>
    %select_n3A_1045 = arith.select %eq3A_1042, %broadcast_in_dim3A_1044, %select_n3A_916 : vector<16xi1>, vector<16xf32>
    %eq3A_1046 = arith.cmpi eq, %add3A_22, %min3A_1033 : vector<16xi32>
    %jit3A_1047 = arith.constant -3.000000e+38 : f32
    %broadcast_in_dim3A_1048 = vector.broadcast %jit3A_1047 : f32 to vector<16xf32>
    %select_n3A_1049 = arith.select %eq3A_1046, %broadcast_in_dim3A_1048, %select_n3A_920 : vector<16xi1>, vector<16xf32>
    %eq3A_1050 = arith.cmpi eq, %add3A_25, %min3A_1033 : vector<16xi32>
    %jit3A_1051 = arith.constant -3.000000e+38 : f32
    %broadcast_in_dim3A_1052 = vector.broadcast %jit3A_1051 : f32 to vector<16xf32>
    %select_n3A_1053 = arith.select %eq3A_1050, %broadcast_in_dim3A_1052, %select_n3A_924 : vector<16xi1>, vector<16xf32>
    %eq3A_1054 = arith.cmpi eq, %add3A_28, %min3A_1033 : vector<16xi32>
    %jit3A_1055 = arith.constant -3.000000e+38 : f32
    %broadcast_in_dim3A_1056 = vector.broadcast %jit3A_1055 : f32 to vector<16xf32>
    %select_n3A_1057 = arith.select %eq3A_1054, %broadcast_in_dim3A_1056, %select_n3A_928 : vector<16xi1>, vector<16xf32>
    %add3A_1058 = arith.constant 1 : i32
    %add3A_1059 = vector.broadcast %add3A_1058 : i32 to vector<16xi32>
    %add3A_1060 = arith.addi %iota3A, %add3A_1059 : vector<16xi32>
    %and3A_1061 = arith.constant 15 : i32
    %and3A_1062 = vector.broadcast %and3A_1061 : i32 to vector<16xi32>
    %and3A_1063 = arith.andi %add3A_1060, %and3A_1062 : vector<16xi32>
    %broadcast_in_dim3A_1064 = vector.shape_cast %and3A_1063 : vector<16xi32> to vector<16x1xi32>
    %gather3A_1065 = vector.shape_cast %broadcast_in_dim3A_1064 : vector<16x1xi32> to vector<16xi32>
    %gather3A_1066 = tpu.dynamic_gather %select_n3A_1037[%gather3A_1065] in [0] : vector<16xf32>, vector<16xi32> -> vector<16xf32>
    %max3A_1067 = arith.maximumf %select_n3A_1037, %gather3A_1066 : vector<16xf32>
    %add3A_1068 = arith.constant 2 : i32
    %add3A_1069 = vector.broadcast %add3A_1068 : i32 to vector<16xi32>
    %add3A_1070 = arith.addi %iota3A, %add3A_1069 : vector<16xi32>
    %and3A_1071 = arith.constant 15 : i32
    %and3A_1072 = vector.broadcast %and3A_1071 : i32 to vector<16xi32>
    %and3A_1073 = arith.andi %add3A_1070, %and3A_1072 : vector<16xi32>
    %broadcast_in_dim3A_1074 = vector.shape_cast %and3A_1073 : vector<16xi32> to vector<16x1xi32>
    %gather3A_1075 = vector.shape_cast %broadcast_in_dim3A_1074 : vector<16x1xi32> to vector<16xi32>
    %gather3A_1076 = tpu.dynamic_gather %max3A_1067[%gather3A_1075] in [0] : vector<16xf32>, vector<16xi32> -> vector<16xf32>
    %max3A_1077 = arith.maximumf %max3A_1067, %gather3A_1076 : vector<16xf32>
    %add3A_1078 = arith.constant 4 : i32
    %add3A_1079 = vector.broadcast %add3A_1078 : i32 to vector<16xi32>
    %add3A_1080 = arith.addi %iota3A, %add3A_1079 : vector<16xi32>
    %and3A_1081 = arith.constant 15 : i32
    %and3A_1082 = vector.broadcast %and3A_1081 : i32 to vector<16xi32>
    %and3A_1083 = arith.andi %add3A_1080, %and3A_1082 : vector<16xi32>
    %broadcast_in_dim3A_1084 = vector.shape_cast %and3A_1083 : vector<16xi32> to vector<16x1xi32>
    %gather3A_1085 = vector.shape_cast %broadcast_in_dim3A_1084 : vector<16x1xi32> to vector<16xi32>
    %gather3A_1086 = tpu.dynamic_gather %max3A_1077[%gather3A_1085] in [0] : vector<16xf32>, vector<16xi32> -> vector<16xf32>
    %max3A_1087 = arith.maximumf %max3A_1077, %gather3A_1086 : vector<16xf32>
    %add3A_1088 = arith.constant 8 : i32
    %add3A_1089 = vector.broadcast %add3A_1088 : i32 to vector<16xi32>
    %add3A_1090 = arith.addi %iota3A, %add3A_1089 : vector<16xi32>
    %and3A_1091 = arith.constant 15 : i32
    %and3A_1092 = vector.broadcast %and3A_1091 : i32 to vector<16xi32>
    %and3A_1093 = arith.andi %add3A_1090, %and3A_1092 : vector<16xi32>
    %broadcast_in_dim3A_1094 = vector.shape_cast %and3A_1093 : vector<16xi32> to vector<16x1xi32>
    %gather3A_1095 = vector.shape_cast %broadcast_in_dim3A_1094 : vector<16x1xi32> to vector<16xi32>
    %gather3A_1096 = tpu.dynamic_gather %max3A_1087[%gather3A_1095] in [0] : vector<16xf32>, vector<16xi32> -> vector<16xf32>
    %max3A_1097 = arith.maximumf %max3A_1087, %gather3A_1096 : vector<16xf32>
    %sub3A = arith.subf %select_n3A_1037, %max3A_1097 : vector<16xf32>
    %exp3A = math.exp %sub3A : vector<16xf32>
    %lt3A = arith.constant 8 : i32
    %lt3A_1098 = vector.broadcast %lt3A : i32 to vector<16xi32>
    %lt3A_1099 = arith.cmpi slt, %iota3A, %lt3A_1098 : vector<16xi32>
    %jit3A_1100 = arith.constant 0.000000e+00 : f32
    %broadcast_in_dim3A_1101 = vector.broadcast %jit3A_1100 : f32 to vector<16xf32>
    %select_n3A_1102 = arith.select %lt3A_1099, %exp3A, %broadcast_in_dim3A_1101 : vector<16xi1>, vector<16xf32>
    %add3A_1103 = arith.constant 1 : i32
    %add3A_1104 = vector.broadcast %add3A_1103 : i32 to vector<16xi32>
    %add3A_1105 = arith.addi %iota3A, %add3A_1104 : vector<16xi32>
    %and3A_1106 = arith.constant 15 : i32
    %and3A_1107 = vector.broadcast %and3A_1106 : i32 to vector<16xi32>
    %and3A_1108 = arith.andi %add3A_1105, %and3A_1107 : vector<16xi32>
    %broadcast_in_dim3A_1109 = vector.shape_cast %and3A_1108 : vector<16xi32> to vector<16x1xi32>
    %gather3A_1110 = vector.shape_cast %broadcast_in_dim3A_1109 : vector<16x1xi32> to vector<16xi32>
    %gather3A_1111 = tpu.dynamic_gather %select_n3A_1102[%gather3A_1110] in [0] : vector<16xf32>, vector<16xi32> -> vector<16xf32>
    %add3A_1112 = arith.addf %select_n3A_1102, %gather3A_1111 : vector<16xf32>
    %add3A_1113 = arith.constant 2 : i32
    %add3A_1114 = vector.broadcast %add3A_1113 : i32 to vector<16xi32>
    %add3A_1115 = arith.addi %iota3A, %add3A_1114 : vector<16xi32>
    %and3A_1116 = arith.constant 15 : i32
    %and3A_1117 = vector.broadcast %and3A_1116 : i32 to vector<16xi32>
    %and3A_1118 = arith.andi %add3A_1115, %and3A_1117 : vector<16xi32>
    %broadcast_in_dim3A_1119 = vector.shape_cast %and3A_1118 : vector<16xi32> to vector<16x1xi32>
    %gather3A_1120 = vector.shape_cast %broadcast_in_dim3A_1119 : vector<16x1xi32> to vector<16xi32>
    %gather3A_1121 = tpu.dynamic_gather %add3A_1112[%gather3A_1120] in [0] : vector<16xf32>, vector<16xi32> -> vector<16xf32>
    %add3A_1122 = arith.addf %add3A_1112, %gather3A_1121 : vector<16xf32>
    %add3A_1123 = arith.constant 4 : i32
    %add3A_1124 = vector.broadcast %add3A_1123 : i32 to vector<16xi32>
    %add3A_1125 = arith.addi %iota3A, %add3A_1124 : vector<16xi32>
    %and3A_1126 = arith.constant 15 : i32
    %and3A_1127 = vector.broadcast %and3A_1126 : i32 to vector<16xi32>
    %and3A_1128 = arith.andi %add3A_1125, %and3A_1127 : vector<16xi32>
    %broadcast_in_dim3A_1129 = vector.shape_cast %and3A_1128 : vector<16xi32> to vector<16x1xi32>
    %gather3A_1130 = vector.shape_cast %broadcast_in_dim3A_1129 : vector<16x1xi32> to vector<16xi32>
    %gather3A_1131 = tpu.dynamic_gather %add3A_1122[%gather3A_1130] in [0] : vector<16xf32>, vector<16xi32> -> vector<16xf32>
    %add3A_1132 = arith.addf %add3A_1122, %gather3A_1131 : vector<16xf32>
    %add3A_1133 = arith.constant 8 : i32
    %add3A_1134 = vector.broadcast %add3A_1133 : i32 to vector<16xi32>
    %add3A_1135 = arith.addi %iota3A, %add3A_1134 : vector<16xi32>
    %and3A_1136 = arith.constant 15 : i32
    %and3A_1137 = vector.broadcast %and3A_1136 : i32 to vector<16xi32>
    %and3A_1138 = arith.andi %add3A_1135, %and3A_1137 : vector<16xi32>
    %broadcast_in_dim3A_1139 = vector.shape_cast %and3A_1138 : vector<16xi32> to vector<16x1xi32>
    %gather3A_1140 = vector.shape_cast %broadcast_in_dim3A_1139 : vector<16x1xi32> to vector<16xi32>
    %gather3A_1141 = tpu.dynamic_gather %add3A_1132[%gather3A_1140] in [0] : vector<16xf32>, vector<16xi32> -> vector<16xf32>
    %add3A_1142 = arith.addf %add3A_1132, %gather3A_1141 : vector<16xf32>
    %div3A = arith.divf %select_n3A_1102, %add3A_1142 : vector<16xf32>
    %broadcast_in_dim3A_1143 = arith.constant 0 : i32
    %broadcast_in_dim3A_1144 = vector.broadcast %broadcast_in_dim3A_1143 : i32 to vector<16xi32>
    %broadcast_in_dim3A_1145 = vector.shape_cast %broadcast_in_dim3A_1144 : vector<16xi32> to vector<16x1xi32>
    %gather3A_1146 = vector.shape_cast %broadcast_in_dim3A_1145 : vector<16x1xi32> to vector<16xi32>
    %gather3A_1147 = tpu.dynamic_gather %select_n3A_1041[%gather3A_1146] in [0] : vector<16xi32>, vector<16xi32> -> vector<16xi32>
    %broadcast_in_dim3A_1148 = vector.shape_cast %broadcast_in_dim3A_1144 : vector<16xi32> to vector<16x1xi32>
    %gather3A_1149 = vector.shape_cast %broadcast_in_dim3A_1148 : vector<16x1xi32> to vector<16xi32>
    %gather3A_1150 = tpu.dynamic_gather %div3A[%gather3A_1149] in [0] : vector<16xf32>, vector<16xi32> -> vector<16xf32>
    %eq3A_1151 = arith.cmpi eq, %add3A_19, %gather3A_1147 : vector<16xi32>
    %select_n3A_1152 = arith.select %eq3A_1151, %gather3A_1150, %broadcast_in_dim3A_1 : vector<16xi1>, vector<16xf32>
    %eq3A_1153 = arith.cmpi eq, %add3A_22, %gather3A_1147 : vector<16xi32>
    %select_n3A_1154 = arith.select %eq3A_1153, %gather3A_1150, %broadcast_in_dim3A_1 : vector<16xi1>, vector<16xf32>
    %eq3A_1155 = arith.cmpi eq, %add3A_25, %gather3A_1147 : vector<16xi32>
    %select_n3A_1156 = arith.select %eq3A_1155, %gather3A_1150, %broadcast_in_dim3A_1 : vector<16xi1>, vector<16xf32>
    %eq3A_1157 = arith.cmpi eq, %add3A_28, %gather3A_1147 : vector<16xi32>
    %select_n3A_1158 = arith.select %eq3A_1157, %gather3A_1150, %broadcast_in_dim3A_1 : vector<16xi1>, vector<16xf32>
    %broadcast_in_dim3A_1159 = arith.constant 1 : i32
    %broadcast_in_dim3A_1160 = vector.broadcast %broadcast_in_dim3A_1159 : i32 to vector<16xi32>
    %broadcast_in_dim3A_1161 = vector.shape_cast %broadcast_in_dim3A_1160 : vector<16xi32> to vector<16x1xi32>
    %gather3A_1162 = vector.shape_cast %broadcast_in_dim3A_1161 : vector<16x1xi32> to vector<16xi32>
    %gather3A_1163 = tpu.dynamic_gather %select_n3A_1041[%gather3A_1162] in [0] : vector<16xi32>, vector<16xi32> -> vector<16xi32>
    %broadcast_in_dim3A_1164 = vector.shape_cast %broadcast_in_dim3A_1160 : vector<16xi32> to vector<16x1xi32>
    %gather3A_1165 = vector.shape_cast %broadcast_in_dim3A_1164 : vector<16x1xi32> to vector<16xi32>
    %gather3A_1166 = tpu.dynamic_gather %div3A[%gather3A_1165] in [0] : vector<16xf32>, vector<16xi32> -> vector<16xf32>
    %eq3A_1167 = arith.cmpi eq, %add3A_19, %gather3A_1163 : vector<16xi32>
    %select_n3A_1168 = arith.select %eq3A_1167, %gather3A_1166, %select_n3A_1152 : vector<16xi1>, vector<16xf32>
    %eq3A_1169 = arith.cmpi eq, %add3A_22, %gather3A_1163 : vector<16xi32>
    %select_n3A_1170 = arith.select %eq3A_1169, %gather3A_1166, %select_n3A_1154 : vector<16xi1>, vector<16xf32>
    %eq3A_1171 = arith.cmpi eq, %add3A_25, %gather3A_1163 : vector<16xi32>
    %select_n3A_1172 = arith.select %eq3A_1171, %gather3A_1166, %select_n3A_1156 : vector<16xi1>, vector<16xf32>
    %eq3A_1173 = arith.cmpi eq, %add3A_28, %gather3A_1163 : vector<16xi32>
    %select_n3A_1174 = arith.select %eq3A_1173, %gather3A_1166, %select_n3A_1158 : vector<16xi1>, vector<16xf32>
    %broadcast_in_dim3A_1175 = arith.constant 2 : i32
    %broadcast_in_dim3A_1176 = vector.broadcast %broadcast_in_dim3A_1175 : i32 to vector<16xi32>
    %broadcast_in_dim3A_1177 = vector.shape_cast %broadcast_in_dim3A_1176 : vector<16xi32> to vector<16x1xi32>
    %gather3A_1178 = vector.shape_cast %broadcast_in_dim3A_1177 : vector<16x1xi32> to vector<16xi32>
    %gather3A_1179 = tpu.dynamic_gather %select_n3A_1041[%gather3A_1178] in [0] : vector<16xi32>, vector<16xi32> -> vector<16xi32>
    %broadcast_in_dim3A_1180 = vector.shape_cast %broadcast_in_dim3A_1176 : vector<16xi32> to vector<16x1xi32>
    %gather3A_1181 = vector.shape_cast %broadcast_in_dim3A_1180 : vector<16x1xi32> to vector<16xi32>
    %gather3A_1182 = tpu.dynamic_gather %div3A[%gather3A_1181] in [0] : vector<16xf32>, vector<16xi32> -> vector<16xf32>
    %eq3A_1183 = arith.cmpi eq, %add3A_19, %gather3A_1179 : vector<16xi32>
    %select_n3A_1184 = arith.select %eq3A_1183, %gather3A_1182, %select_n3A_1168 : vector<16xi1>, vector<16xf32>
    %eq3A_1185 = arith.cmpi eq, %add3A_22, %gather3A_1179 : vector<16xi32>
    %select_n3A_1186 = arith.select %eq3A_1185, %gather3A_1182, %select_n3A_1170 : vector<16xi1>, vector<16xf32>
    %eq3A_1187 = arith.cmpi eq, %add3A_25, %gather3A_1179 : vector<16xi32>
    %select_n3A_1188 = arith.select %eq3A_1187, %gather3A_1182, %select_n3A_1172 : vector<16xi1>, vector<16xf32>
    %eq3A_1189 = arith.cmpi eq, %add3A_28, %gather3A_1179 : vector<16xi32>
    %select_n3A_1190 = arith.select %eq3A_1189, %gather3A_1182, %select_n3A_1174 : vector<16xi1>, vector<16xf32>
    %broadcast_in_dim3A_1191 = arith.constant 3 : i32
    %broadcast_in_dim3A_1192 = vector.broadcast %broadcast_in_dim3A_1191 : i32 to vector<16xi32>
    %broadcast_in_dim3A_1193 = vector.shape_cast %broadcast_in_dim3A_1192 : vector<16xi32> to vector<16x1xi32>
    %gather3A_1194 = vector.shape_cast %broadcast_in_dim3A_1193 : vector<16x1xi32> to vector<16xi32>
    %gather3A_1195 = tpu.dynamic_gather %select_n3A_1041[%gather3A_1194] in [0] : vector<16xi32>, vector<16xi32> -> vector<16xi32>
    %broadcast_in_dim3A_1196 = vector.shape_cast %broadcast_in_dim3A_1192 : vector<16xi32> to vector<16x1xi32>
    %gather3A_1197 = vector.shape_cast %broadcast_in_dim3A_1196 : vector<16x1xi32> to vector<16xi32>
    %gather3A_1198 = tpu.dynamic_gather %div3A[%gather3A_1197] in [0] : vector<16xf32>, vector<16xi32> -> vector<16xf32>
    %eq3A_1199 = arith.cmpi eq, %add3A_19, %gather3A_1195 : vector<16xi32>
    %select_n3A_1200 = arith.select %eq3A_1199, %gather3A_1198, %select_n3A_1184 : vector<16xi1>, vector<16xf32>
    %eq3A_1201 = arith.cmpi eq, %add3A_22, %gather3A_1195 : vector<16xi32>
    %select_n3A_1202 = arith.select %eq3A_1201, %gather3A_1198, %select_n3A_1186 : vector<16xi1>, vector<16xf32>
    %eq3A_1203 = arith.cmpi eq, %add3A_25, %gather3A_1195 : vector<16xi32>
    %select_n3A_1204 = arith.select %eq3A_1203, %gather3A_1198, %select_n3A_1188 : vector<16xi1>, vector<16xf32>
    %eq3A_1205 = arith.cmpi eq, %add3A_28, %gather3A_1195 : vector<16xi32>
    %select_n3A_1206 = arith.select %eq3A_1205, %gather3A_1198, %select_n3A_1190 : vector<16xi1>, vector<16xf32>
    %broadcast_in_dim3A_1207 = arith.constant 4 : i32
    %broadcast_in_dim3A_1208 = vector.broadcast %broadcast_in_dim3A_1207 : i32 to vector<16xi32>
    %broadcast_in_dim3A_1209 = vector.shape_cast %broadcast_in_dim3A_1208 : vector<16xi32> to vector<16x1xi32>
    %gather3A_1210 = vector.shape_cast %broadcast_in_dim3A_1209 : vector<16x1xi32> to vector<16xi32>
    %gather3A_1211 = tpu.dynamic_gather %select_n3A_1041[%gather3A_1210] in [0] : vector<16xi32>, vector<16xi32> -> vector<16xi32>
    %broadcast_in_dim3A_1212 = vector.shape_cast %broadcast_in_dim3A_1208 : vector<16xi32> to vector<16x1xi32>
    %gather3A_1213 = vector.shape_cast %broadcast_in_dim3A_1212 : vector<16x1xi32> to vector<16xi32>
    %gather3A_1214 = tpu.dynamic_gather %div3A[%gather3A_1213] in [0] : vector<16xf32>, vector<16xi32> -> vector<16xf32>
    %eq3A_1215 = arith.cmpi eq, %add3A_19, %gather3A_1211 : vector<16xi32>
    %select_n3A_1216 = arith.select %eq3A_1215, %gather3A_1214, %select_n3A_1200 : vector<16xi1>, vector<16xf32>
    %eq3A_1217 = arith.cmpi eq, %add3A_22, %gather3A_1211 : vector<16xi32>
    %select_n3A_1218 = arith.select %eq3A_1217, %gather3A_1214, %select_n3A_1202 : vector<16xi1>, vector<16xf32>
    %eq3A_1219 = arith.cmpi eq, %add3A_25, %gather3A_1211 : vector<16xi32>
    %select_n3A_1220 = arith.select %eq3A_1219, %gather3A_1214, %select_n3A_1204 : vector<16xi1>, vector<16xf32>
    %eq3A_1221 = arith.cmpi eq, %add3A_28, %gather3A_1211 : vector<16xi32>
    %select_n3A_1222 = arith.select %eq3A_1221, %gather3A_1214, %select_n3A_1206 : vector<16xi1>, vector<16xf32>
    %broadcast_in_dim3A_1223 = arith.constant 5 : i32
    %broadcast_in_dim3A_1224 = vector.broadcast %broadcast_in_dim3A_1223 : i32 to vector<16xi32>
    %broadcast_in_dim3A_1225 = vector.shape_cast %broadcast_in_dim3A_1224 : vector<16xi32> to vector<16x1xi32>
    %gather3A_1226 = vector.shape_cast %broadcast_in_dim3A_1225 : vector<16x1xi32> to vector<16xi32>
    %gather3A_1227 = tpu.dynamic_gather %select_n3A_1041[%gather3A_1226] in [0] : vector<16xi32>, vector<16xi32> -> vector<16xi32>
    %broadcast_in_dim3A_1228 = vector.shape_cast %broadcast_in_dim3A_1224 : vector<16xi32> to vector<16x1xi32>
    %gather3A_1229 = vector.shape_cast %broadcast_in_dim3A_1228 : vector<16x1xi32> to vector<16xi32>
    %gather3A_1230 = tpu.dynamic_gather %div3A[%gather3A_1229] in [0] : vector<16xf32>, vector<16xi32> -> vector<16xf32>
    %eq3A_1231 = arith.cmpi eq, %add3A_19, %gather3A_1227 : vector<16xi32>
    %select_n3A_1232 = arith.select %eq3A_1231, %gather3A_1230, %select_n3A_1216 : vector<16xi1>, vector<16xf32>
    %eq3A_1233 = arith.cmpi eq, %add3A_22, %gather3A_1227 : vector<16xi32>
    %select_n3A_1234 = arith.select %eq3A_1233, %gather3A_1230, %select_n3A_1218 : vector<16xi1>, vector<16xf32>
    %eq3A_1235 = arith.cmpi eq, %add3A_25, %gather3A_1227 : vector<16xi32>
    %select_n3A_1236 = arith.select %eq3A_1235, %gather3A_1230, %select_n3A_1220 : vector<16xi1>, vector<16xf32>
    %eq3A_1237 = arith.cmpi eq, %add3A_28, %gather3A_1227 : vector<16xi32>
    %select_n3A_1238 = arith.select %eq3A_1237, %gather3A_1230, %select_n3A_1222 : vector<16xi1>, vector<16xf32>
    %broadcast_in_dim3A_1239 = arith.constant 6 : i32
    %broadcast_in_dim3A_1240 = vector.broadcast %broadcast_in_dim3A_1239 : i32 to vector<16xi32>
    %broadcast_in_dim3A_1241 = vector.shape_cast %broadcast_in_dim3A_1240 : vector<16xi32> to vector<16x1xi32>
    %gather3A_1242 = vector.shape_cast %broadcast_in_dim3A_1241 : vector<16x1xi32> to vector<16xi32>
    %gather3A_1243 = tpu.dynamic_gather %select_n3A_1041[%gather3A_1242] in [0] : vector<16xi32>, vector<16xi32> -> vector<16xi32>
    %broadcast_in_dim3A_1244 = vector.shape_cast %broadcast_in_dim3A_1240 : vector<16xi32> to vector<16x1xi32>
    %gather3A_1245 = vector.shape_cast %broadcast_in_dim3A_1244 : vector<16x1xi32> to vector<16xi32>
    %gather3A_1246 = tpu.dynamic_gather %div3A[%gather3A_1245] in [0] : vector<16xf32>, vector<16xi32> -> vector<16xf32>
    %eq3A_1247 = arith.cmpi eq, %add3A_19, %gather3A_1243 : vector<16xi32>
    %select_n3A_1248 = arith.select %eq3A_1247, %gather3A_1246, %select_n3A_1232 : vector<16xi1>, vector<16xf32>
    %eq3A_1249 = arith.cmpi eq, %add3A_22, %gather3A_1243 : vector<16xi32>
    %select_n3A_1250 = arith.select %eq3A_1249, %gather3A_1246, %select_n3A_1234 : vector<16xi1>, vector<16xf32>
    %eq3A_1251 = arith.cmpi eq, %add3A_25, %gather3A_1243 : vector<16xi32>
    %select_n3A_1252 = arith.select %eq3A_1251, %gather3A_1246, %select_n3A_1236 : vector<16xi1>, vector<16xf32>
    %eq3A_1253 = arith.cmpi eq, %add3A_28, %gather3A_1243 : vector<16xi32>
    %select_n3A_1254 = arith.select %eq3A_1253, %gather3A_1246, %select_n3A_1238 : vector<16xi1>, vector<16xf32>
    %broadcast_in_dim3A_1255 = arith.constant 7 : i32
    %broadcast_in_dim3A_1256 = vector.broadcast %broadcast_in_dim3A_1255 : i32 to vector<16xi32>
    %broadcast_in_dim3A_1257 = vector.shape_cast %broadcast_in_dim3A_1256 : vector<16xi32> to vector<16x1xi32>
    %gather3A_1258 = vector.shape_cast %broadcast_in_dim3A_1257 : vector<16x1xi32> to vector<16xi32>
    %gather3A_1259 = tpu.dynamic_gather %select_n3A_1041[%gather3A_1258] in [0] : vector<16xi32>, vector<16xi32> -> vector<16xi32>
    %broadcast_in_dim3A_1260 = vector.shape_cast %broadcast_in_dim3A_1256 : vector<16xi32> to vector<16x1xi32>
    %gather3A_1261 = vector.shape_cast %broadcast_in_dim3A_1260 : vector<16x1xi32> to vector<16xi32>
    %gather3A_1262 = tpu.dynamic_gather %div3A[%gather3A_1261] in [0] : vector<16xf32>, vector<16xi32> -> vector<16xf32>
    %eq3A_1263 = arith.cmpi eq, %add3A_19, %gather3A_1259 : vector<16xi32>
    %select_n3A_1264 = arith.select %eq3A_1263, %gather3A_1262, %select_n3A_1248 : vector<16xi1>, vector<16xf32>
    %eq3A_1265 = arith.cmpi eq, %add3A_22, %gather3A_1259 : vector<16xi32>
    %select_n3A_1266 = arith.select %eq3A_1265, %gather3A_1262, %select_n3A_1250 : vector<16xi1>, vector<16xf32>
    %eq3A_1267 = arith.cmpi eq, %add3A_25, %gather3A_1259 : vector<16xi32>
    %select_n3A_1268 = arith.select %eq3A_1267, %gather3A_1262, %select_n3A_1252 : vector<16xi1>, vector<16xf32>
    %eq3A_1269 = arith.cmpi eq, %add3A_28, %gather3A_1259 : vector<16xi32>
    %select_n3A_1270 = arith.select %eq3A_1269, %gather3A_1262, %select_n3A_1254 : vector<16xi1>, vector<16xf32>
    %swap3A = arith.constant 0 : index
    %swap3A_1271 = tpu.vector_load %arg5[%swap3A] {strides = array<i32>} : memref<64xf32, #tpu.memory_space<vmem>>, vector<16xf32>,
    %swap3A_1272 = vector.shape_cast %swap3A_1271 : vector<16xf32> to vector<16xf32>
    %swap3A_1273 = vector.shape_cast %select_n3A_1264 : vector<16xf32> to vector<16xf32>
    tpu.vector_store %arg5[%swap3A], %swap3A_1273 {strides = array<i32>} : memref<64xf32, #tpu.memory_space<vmem>>, vector<16xf32>,
    %swap3A_1274 = arith.constant 16 : index
    %swap3A_1275 = tpu.vector_load %arg5[%swap3A_1274] {strides = array<i32>} : memref<64xf32, #tpu.memory_space<vmem>>, vector<16xf32>,
    %swap3A_1276 = vector.shape_cast %swap3A_1275 : vector<16xf32> to vector<16xf32>
    %swap3A_1277 = vector.shape_cast %select_n3A_1266 : vector<16xf32> to vector<16xf32>
    tpu.vector_store %arg5[%swap3A_1274], %swap3A_1277 {strides = array<i32>} : memref<64xf32, #tpu.memory_space<vmem>>, vector<16xf32>,
    %swap3A_1278 = arith.constant 32 : index
    %swap3A_1279 = tpu.vector_load %arg5[%swap3A_1278] {strides = array<i32>} : memref<64xf32, #tpu.memory_space<vmem>>, vector<16xf32>,
    %swap3A_1280 = vector.shape_cast %swap3A_1279 : vector<16xf32> to vector<16xf32>
    %swap3A_1281 = vector.shape_cast %select_n3A_1268 : vector<16xf32> to vector<16xf32>
    tpu.vector_store %arg5[%swap3A_1278], %swap3A_1281 {strides = array<i32>} : memref<64xf32, #tpu.memory_space<vmem>>, vector<16xf32>,
    %swap3A_1282 = arith.constant 48 : index
    %swap3A_1283 = tpu.vector_load %arg5[%swap3A_1282] {strides = array<i32>} : memref<64xf32, #tpu.memory_space<vmem>>, vector<16xf32>,
    %swap3A_1284 = vector.shape_cast %swap3A_1283 : vector<16xf32> to vector<16xf32>
    %swap3A_1285 = vector.shape_cast %select_n3A_1270 : vector<16xf32> to vector<16xf32>
    tpu.vector_store %arg5[%swap3A_1282], %swap3A_1285 {strides = array<i32>} : memref<64xf32, #tpu.memory_space<vmem>>, vector<16xf32>,
    "tpu.region"() ({
      %run_scoped3A = tpu.sem_alloc : memref<!tpu.dma_semaphore, #tpu.memory_space<semaphore_mem>>
      %dma_start3A = arith.constant 0 : i32
      %dma_start3A_2583 = tpu.memref_slice %arg3[%add3A_5, %dma_start3A] : memref<64x64xf32, #tpu.memory_space<hbm>> -> memref<1x64xf32, #tpu.memory_space<hbm>>
      %dma_start3A_2584 = tpu.memref_squeeze %dma_start3A_2583 : memref<1x64xf32, #tpu.memory_space<hbm>> -> memref<64xf32, #tpu.memory_space<hbm>>
      %dma_start3A_2585 = arith.constant 0 : i32
      %dma_start3A_2586 = tpu.memref_slice %arg3[%add3A_5, %dma_start3A_2585] : memref<64x64xf32, #tpu.memory_space<hbm>> -> memref<1x64xf32, #tpu.memory_space<hbm>>
      %dma_start3A_2587 = tpu.memref_squeeze %dma_start3A_2586 : memref<1x64xf32, #tpu.memory_space<hbm>> -> memref<64xf32, #tpu.memory_space<hbm>>
      tpu.enqueue_dma source(%arg5 : memref<64xf32, #tpu.memory_space<vmem>>) target(%dma_start3A_2587 : memref<64xf32, #tpu.memory_space<hbm>>) target_semaphore(%run_scoped3A : memref<!tpu.dma_semaphore, #tpu.memory_space<semaphore_mem>>)
      %dma_wait3A = arith.constant 0 : i32
      %dma_wait3A_2588 = tpu.memref_slice %arg3[%add3A_5, %dma_wait3A] : memref<64x64xf32, #tpu.memory_space<hbm>> -> memref<1x64xf32, #tpu.memory_space<hbm>>
      %dma_wait3A_2589 = tpu.memref_squeeze %dma_wait3A_2588 : memref<1x64xf32, #tpu.memory_space<hbm>> -> memref<64xf32, #tpu.memory_space<hbm>>
      %dma_wait3A_2590 = arith.constant 0 : i32
      %dma_wait3A_2591 = tpu.memref_slice %arg3[%add3A_5, %dma_wait3A_2590] : memref<64x64xf32, #tpu.memory_space<hbm>> -> memref<1x64xf32, #tpu.memory_space<hbm>>
      %dma_wait3A_2592 = tpu.memref_squeeze %dma_wait3A_2591 : memref<1x64xf32, #tpu.memory_space<hbm>> -> memref<64xf32, #tpu.memory_space<hbm>>
      tpu.wait_dma2 semaphore(%run_scoped3A : memref<!tpu.dma_semaphore, #tpu.memory_space<semaphore_mem>>) src(%arg5 : memref<64xf32, #tpu.memory_space<vmem>>) dst(%dma_wait3A_2592 : memref<64xf32, #tpu.memory_space<hbm>>)
      tpu.yield
    }) : () -> ()
    %mul3A_1286 = arith.constant 2 : i32
    %mul3A_1287 = arith.muli %add3A, %mul3A_1286 : i32
    %add3A_1288 = arith.constant 1 : i32
    %add3A_1289 = arith.addi %mul3A_1287, %add3A_1288 : i32
    "tpu.region"() ({
      %run_scoped3A = tpu.sem_alloc : memref<!tpu.dma_semaphore, #tpu.memory_space<semaphore_mem>>
      %dma_start3A = arith.constant 0 : i32
      %dma_start3A_2583 = tpu.memref_slice %arg2[%add3A_1289, %dma_start3A] : memref<64x64xf32, #tpu.memory_space<hbm>> -> memref<1x64xf32, #tpu.memory_space<hbm>>
      %dma_start3A_2584 = tpu.memref_squeeze %dma_start3A_2583 : memref<1x64xf32, #tpu.memory_space<hbm>> -> memref<64xf32, #tpu.memory_space<hbm>>
      %dma_start3A_2585 = arith.constant 0 : i32
      %dma_start3A_2586 = tpu.memref_slice %arg2[%add3A_1289, %dma_start3A_2585] : memref<64x64xf32, #tpu.memory_space<hbm>> -> memref<1x64xf32, #tpu.memory_space<hbm>>
      %dma_start3A_2587 = tpu.memref_squeeze %dma_start3A_2586 : memref<1x64xf32, #tpu.memory_space<hbm>> -> memref<64xf32, #tpu.memory_space<hbm>>
      tpu.enqueue_dma source(%dma_start3A_2587 : memref<64xf32, #tpu.memory_space<hbm>>) target(%arg4 : memref<64xf32, #tpu.memory_space<vmem>>) target_semaphore(%run_scoped3A : memref<!tpu.dma_semaphore, #tpu.memory_space<semaphore_mem>>)
      %dma_wait3A = arith.constant 0 : i32
      %dma_wait3A_2588 = tpu.memref_slice %arg2[%add3A_1289, %dma_wait3A] : memref<64x64xf32, #tpu.memory_space<hbm>> -> memref<1x64xf32, #tpu.memory_space<hbm>>
      %dma_wait3A_2589 = tpu.memref_squeeze %dma_wait3A_2588 : memref<1x64xf32, #tpu.memory_space<hbm>> -> memref<64xf32, #tpu.memory_space<hbm>>
      %dma_wait3A_2590 = arith.constant 0 : i32
      %dma_wait3A_2591 = tpu.memref_slice %arg2[%add3A_1289, %dma_wait3A_2590] : memref<64x64xf32, #tpu.memory_space<hbm>> -> memref<1x64xf32, #tpu.memory_space<hbm>>
      %dma_wait3A_2592 = tpu.memref_squeeze %dma_wait3A_2591 : memref<1x64xf32, #tpu.memory_space<hbm>> -> memref<64xf32, #tpu.memory_space<hbm>>
      tpu.wait_dma2 semaphore(%run_scoped3A : memref<!tpu.dma_semaphore, #tpu.memory_space<semaphore_mem>>) src(%dma_wait3A_2592 : memref<64xf32, #tpu.memory_space<hbm>>) dst(%arg4 : memref<64xf32, #tpu.memory_space<vmem>>)
      tpu.yield
    }) : () -> ()
    %get3A_1290 = arith.constant 0 : index
    %get3A_1291 = tpu.vector_load %arg4[%get3A_1290] {strides = array<i32>} : memref<64xf32, #tpu.memory_space<vmem>>, vector<16xf32>,
    %get3A_1292 = vector.shape_cast %get3A_1291 : vector<16xf32> to vector<16xf32>
    %get3A_1293 = arith.constant 16 : index
    %get3A_1294 = tpu.vector_load %arg4[%get3A_1293] {strides = array<i32>} : memref<64xf32, #tpu.memory_space<vmem>>, vector<16xf32>,
    %get3A_1295 = vector.shape_cast %get3A_1294 : vector<16xf32> to vector<16xf32>
    %get3A_1296 = arith.constant 32 : index
    %get3A_1297 = tpu.vector_load %arg4[%get3A_1296] {strides = array<i32>} : memref<64xf32, #tpu.memory_space<vmem>>, vector<16xf32>,
    %get3A_1298 = vector.shape_cast %get3A_1297 : vector<16xf32> to vector<16xf32>
    %get3A_1299 = arith.constant 48 : index
    %get3A_1300 = tpu.vector_load %arg4[%get3A_1299] {strides = array<i32>} : memref<64xf32, #tpu.memory_space<vmem>>, vector<16xf32>,
    %get3A_1301 = vector.shape_cast %get3A_1300 : vector<16xf32> to vector<16xf32>
    %add3A_1302 = arith.constant 0 : i32
    %add3A_1303 = vector.broadcast %add3A_1302 : i32 to vector<16xi32>
    %add3A_1304 = arith.addi %iota3A, %add3A_1303 : vector<16xi32>
    %add3A_1305 = arith.constant 16 : i32
    %add3A_1306 = vector.broadcast %add3A_1305 : i32 to vector<16xi32>
    %add3A_1307 = arith.addi %iota3A, %add3A_1306 : vector<16xi32>
    %add3A_1308 = arith.constant 32 : i32
    %add3A_1309 = vector.broadcast %add3A_1308 : i32 to vector<16xi32>
    %add3A_1310 = arith.addi %iota3A, %add3A_1309 : vector<16xi32>
    %add3A_1311 = arith.constant 48 : i32
    %add3A_1312 = vector.broadcast %add3A_1311 : i32 to vector<16xi32>
    %add3A_1313 = arith.addi %iota3A, %add3A_1312 : vector<16xi32>
    %broadcast_in_dim3A_1314 = arith.constant -3.000000e+38 : f32
    %broadcast_in_dim3A_1315 = vector.broadcast %broadcast_in_dim3A_1314 : f32 to vector<16xf32>
    %broadcast_in_dim3A_1316 = arith.constant 0 : i32
    %broadcast_in_dim3A_1317 = vector.broadcast %broadcast_in_dim3A_1316 : i32 to vector<16xi32>
    %max3A_1318 = arith.maximumf %get3A_1292, %get3A_1295 : vector<16xf32>
    %max3A_1319 = arith.maximumf %max3A_1318, %get3A_1298 : vector<16xf32>
    %max3A_1320 = arith.maximumf %max3A_1319, %get3A_1301 : vector<16xf32>
    %add3A_1321 = arith.constant 1 : i32
    %add3A_1322 = vector.broadcast %add3A_1321 : i32 to vector<16xi32>
    %add3A_1323 = arith.addi %iota3A, %add3A_1322 : vector<16xi32>
    %and3A_1324 = arith.constant 15 : i32
    %and3A_1325 = vector.broadcast %and3A_1324 : i32 to vector<16xi32>
    %and3A_1326 = arith.andi %add3A_1323, %and3A_1325 : vector<16xi32>
    %broadcast_in_dim3A_1327 = vector.shape_cast %and3A_1326 : vector<16xi32> to vector<16x1xi32>
    %gather3A_1328 = vector.shape_cast %broadcast_in_dim3A_1327 : vector<16x1xi32> to vector<16xi32>
    %gather3A_1329 = tpu.dynamic_gather %max3A_1320[%gather3A_1328] in [0] : vector<16xf32>, vector<16xi32> -> vector<16xf32>
    %max3A_1330 = arith.maximumf %max3A_1320, %gather3A_1329 : vector<16xf32>
    %add3A_1331 = arith.constant 2 : i32
    %add3A_1332 = vector.broadcast %add3A_1331 : i32 to vector<16xi32>
    %add3A_1333 = arith.addi %iota3A, %add3A_1332 : vector<16xi32>
    %and3A_1334 = arith.constant 15 : i32
    %and3A_1335 = vector.broadcast %and3A_1334 : i32 to vector<16xi32>
    %and3A_1336 = arith.andi %add3A_1333, %and3A_1335 : vector<16xi32>
    %broadcast_in_dim3A_1337 = vector.shape_cast %and3A_1336 : vector<16xi32> to vector<16x1xi32>
    %gather3A_1338 = vector.shape_cast %broadcast_in_dim3A_1337 : vector<16x1xi32> to vector<16xi32>
    %gather3A_1339 = tpu.dynamic_gather %max3A_1330[%gather3A_1338] in [0] : vector<16xf32>, vector<16xi32> -> vector<16xf32>
    %max3A_1340 = arith.maximumf %max3A_1330, %gather3A_1339 : vector<16xf32>
    %add3A_1341 = arith.constant 4 : i32
    %add3A_1342 = vector.broadcast %add3A_1341 : i32 to vector<16xi32>
    %add3A_1343 = arith.addi %iota3A, %add3A_1342 : vector<16xi32>
    %and3A_1344 = arith.constant 15 : i32
    %and3A_1345 = vector.broadcast %and3A_1344 : i32 to vector<16xi32>
    %and3A_1346 = arith.andi %add3A_1343, %and3A_1345 : vector<16xi32>
    %broadcast_in_dim3A_1347 = vector.shape_cast %and3A_1346 : vector<16xi32> to vector<16x1xi32>
    %gather3A_1348 = vector.shape_cast %broadcast_in_dim3A_1347 : vector<16x1xi32> to vector<16xi32>
    %gather3A_1349 = tpu.dynamic_gather %max3A_1340[%gather3A_1348] in [0] : vector<16xf32>, vector<16xi32> -> vector<16xf32>
    %max3A_1350 = arith.maximumf %max3A_1340, %gather3A_1349 : vector<16xf32>
    %add3A_1351 = arith.constant 8 : i32
    %add3A_1352 = vector.broadcast %add3A_1351 : i32 to vector<16xi32>
    %add3A_1353 = arith.addi %iota3A, %add3A_1352 : vector<16xi32>
    %and3A_1354 = arith.constant 15 : i32
    %and3A_1355 = vector.broadcast %and3A_1354 : i32 to vector<16xi32>
    %and3A_1356 = arith.andi %add3A_1353, %and3A_1355 : vector<16xi32>
    %broadcast_in_dim3A_1357 = vector.shape_cast %and3A_1356 : vector<16xi32> to vector<16x1xi32>
    %gather3A_1358 = vector.shape_cast %broadcast_in_dim3A_1357 : vector<16x1xi32> to vector<16xi32>
    %gather3A_1359 = tpu.dynamic_gather %max3A_1350[%gather3A_1358] in [0] : vector<16xf32>, vector<16xi32> -> vector<16xf32>
    %max3A_1360 = arith.maximumf %max3A_1350, %gather3A_1359 : vector<16xf32>
    %broadcast_in_dim3A_1361 = arith.constant 128 : i32
    %broadcast_in_dim3A_1362 = vector.broadcast %broadcast_in_dim3A_1361 : i32 to vector<16xi32>
    %eq3A_1363 = arith.cmpf oeq, %get3A_1292, %max3A_1360 : vector<16xf32>
    %jit3A_1364 = arith.constant 128 : i32
    %broadcast_in_dim3A_1365 = vector.broadcast %jit3A_1364 : i32 to vector<16xi32>
    %select_n3A_1366 = arith.select %eq3A_1363, %add3A_1304, %broadcast_in_dim3A_1365 : vector<16xi1>, vector<16xi32>
    %min3A_1367 = arith.minsi %broadcast_in_dim3A_1362, %select_n3A_1366 : vector<16xi32>
    %eq3A_1368 = arith.cmpf oeq, %get3A_1295, %max3A_1360 : vector<16xf32>
    %jit3A_1369 = arith.constant 128 : i32
    %broadcast_in_dim3A_1370 = vector.broadcast %jit3A_1369 : i32 to vector<16xi32>
    %select_n3A_1371 = arith.select %eq3A_1368, %add3A_1307, %broadcast_in_dim3A_1370 : vector<16xi1>, vector<16xi32>
    %min3A_1372 = arith.minsi %min3A_1367, %select_n3A_1371 : vector<16xi32>
    %eq3A_1373 = arith.cmpf oeq, %get3A_1298, %max3A_1360 : vector<16xf32>
    %jit3A_1374 = arith.constant 128 : i32
    %broadcast_in_dim3A_1375 = vector.broadcast %jit3A_1374 : i32 to vector<16xi32>
    %select_n3A_1376 = arith.select %eq3A_1373, %add3A_1310, %broadcast_in_dim3A_1375 : vector<16xi1>, vector<16xi32>
    %min3A_1377 = arith.minsi %min3A_1372, %select_n3A_1376 : vector<16xi32>
    %eq3A_1378 = arith.cmpf oeq, %get3A_1301, %max3A_1360 : vector<16xf32>
    %jit3A_1379 = arith.constant 128 : i32
    %broadcast_in_dim3A_1380 = vector.broadcast %jit3A_1379 : i32 to vector<16xi32>
    %select_n3A_1381 = arith.select %eq3A_1378, %add3A_1313, %broadcast_in_dim3A_1380 : vector<16xi1>, vector<16xi32>
    %min3A_1382 = arith.minsi %min3A_1377, %select_n3A_1381 : vector<16xi32>
    %add3A_1383 = arith.constant 1 : i32
    %add3A_1384 = vector.broadcast %add3A_1383 : i32 to vector<16xi32>
    %add3A_1385 = arith.addi %iota3A, %add3A_1384 : vector<16xi32>
    %and3A_1386 = arith.constant 15 : i32
    %and3A_1387 = vector.broadcast %and3A_1386 : i32 to vector<16xi32>
    %and3A_1388 = arith.andi %add3A_1385, %and3A_1387 : vector<16xi32>
    %broadcast_in_dim3A_1389 = vector.shape_cast %and3A_1388 : vector<16xi32> to vector<16x1xi32>
    %gather3A_1390 = vector.shape_cast %broadcast_in_dim3A_1389 : vector<16x1xi32> to vector<16xi32>
    %gather3A_1391 = tpu.dynamic_gather %min3A_1382[%gather3A_1390] in [0] : vector<16xi32>, vector<16xi32> -> vector<16xi32>
    %min3A_1392 = arith.minsi %min3A_1382, %gather3A_1391 : vector<16xi32>
    %add3A_1393 = arith.constant 2 : i32
    %add3A_1394 = vector.broadcast %add3A_1393 : i32 to vector<16xi32>
    %add3A_1395 = arith.addi %iota3A, %add3A_1394 : vector<16xi32>
    %and3A_1396 = arith.constant 15 : i32
    %and3A_1397 = vector.broadcast %and3A_1396 : i32 to vector<16xi32>
    %and3A_1398 = arith.andi %add3A_1395, %and3A_1397 : vector<16xi32>
    %broadcast_in_dim3A_1399 = vector.shape_cast %and3A_1398 : vector<16xi32> to vector<16x1xi32>
    %gather3A_1400 = vector.shape_cast %broadcast_in_dim3A_1399 : vector<16x1xi32> to vector<16xi32>
    %gather3A_1401 = tpu.dynamic_gather %min3A_1392[%gather3A_1400] in [0] : vector<16xi32>, vector<16xi32> -> vector<16xi32>
    %min3A_1402 = arith.minsi %min3A_1392, %gather3A_1401 : vector<16xi32>
    %add3A_1403 = arith.constant 4 : i32
    %add3A_1404 = vector.broadcast %add3A_1403 : i32 to vector<16xi32>
    %add3A_1405 = arith.addi %iota3A, %add3A_1404 : vector<16xi32>
    %and3A_1406 = arith.constant 15 : i32
    %and3A_1407 = vector.broadcast %and3A_1406 : i32 to vector<16xi32>
    %and3A_1408 = arith.andi %add3A_1405, %and3A_1407 : vector<16xi32>
    %broadcast_in_dim3A_1409 = vector.shape_cast %and3A_1408 : vector<16xi32> to vector<16x1xi32>
    %gather3A_1410 = vector.shape_cast %broadcast_in_dim3A_1409 : vector<16x1xi32> to vector<16xi32>
    %gather3A_1411 = tpu.dynamic_gather %min3A_1402[%gather3A_1410] in [0] : vector<16xi32>, vector<16xi32> -> vector<16xi32>
    %min3A_1412 = arith.minsi %min3A_1402, %gather3A_1411 : vector<16xi32>
    %add3A_1413 = arith.constant 8 : i32
    %add3A_1414 = vector.broadcast %add3A_1413 : i32 to vector<16xi32>
    %add3A_1415 = arith.addi %iota3A, %add3A_1414 : vector<16xi32>
    %and3A_1416 = arith.constant 15 : i32
    %and3A_1417 = vector.broadcast %and3A_1416 : i32 to vector<16xi32>
    %and3A_1418 = arith.andi %add3A_1415, %and3A_1417 : vector<16xi32>
    %broadcast_in_dim3A_1419 = vector.shape_cast %and3A_1418 : vector<16xi32> to vector<16x1xi32>
    %gather3A_1420 = vector.shape_cast %broadcast_in_dim3A_1419 : vector<16x1xi32> to vector<16xi32>
    %gather3A_1421 = tpu.dynamic_gather %min3A_1412[%gather3A_1420] in [0] : vector<16xi32>, vector<16xi32> -> vector<16xi32>
    %min3A_1422 = arith.minsi %min3A_1412, %gather3A_1421 : vector<16xi32>
    %eq3A_1423 = arith.constant 0 : i32
    %eq3A_1424 = vector.broadcast %eq3A_1423 : i32 to vector<16xi32>
    %eq3A_1425 = arith.cmpi eq, %iota3A, %eq3A_1424 : vector<16xi32>
    %select_n3A_1426 = arith.select %eq3A_1425, %max3A_1360, %broadcast_in_dim3A_1315 : vector<16xi1>, vector<16xf32>
    %eq3A_1427 = arith.constant 0 : i32
    %eq3A_1428 = vector.broadcast %eq3A_1427 : i32 to vector<16xi32>
    %eq3A_1429 = arith.cmpi eq, %iota3A, %eq3A_1428 : vector<16xi32>
    %select_n3A_1430 = arith.select %eq3A_1429, %min3A_1422, %broadcast_in_dim3A_1317 : vector<16xi1>, vector<16xi32>
    %eq3A_1431 = arith.cmpi eq, %add3A_1304, %min3A_1422 : vector<16xi32>
    %jit3A_1432 = arith.constant -3.000000e+38 : f32
    %broadcast_in_dim3A_1433 = vector.broadcast %jit3A_1432 : f32 to vector<16xf32>
    %select_n3A_1434 = arith.select %eq3A_1431, %broadcast_in_dim3A_1433, %get3A_1292 : vector<16xi1>, vector<16xf32>
    %eq3A_1435 = arith.cmpi eq, %add3A_1307, %min3A_1422 : vector<16xi32>
    %jit3A_1436 = arith.constant -3.000000e+38 : f32
    %broadcast_in_dim3A_1437 = vector.broadcast %jit3A_1436 : f32 to vector<16xf32>
    %select_n3A_1438 = arith.select %eq3A_1435, %broadcast_in_dim3A_1437, %get3A_1295 : vector<16xi1>, vector<16xf32>
    %eq3A_1439 = arith.cmpi eq, %add3A_1310, %min3A_1422 : vector<16xi32>
    %jit3A_1440 = arith.constant -3.000000e+38 : f32
    %broadcast_in_dim3A_1441 = vector.broadcast %jit3A_1440 : f32 to vector<16xf32>
    %select_n3A_1442 = arith.select %eq3A_1439, %broadcast_in_dim3A_1441, %get3A_1298 : vector<16xi1>, vector<16xf32>
    %eq3A_1443 = arith.cmpi eq, %add3A_1313, %min3A_1422 : vector<16xi32>
    %jit3A_1444 = arith.constant -3.000000e+38 : f32
    %broadcast_in_dim3A_1445 = vector.broadcast %jit3A_1444 : f32 to vector<16xf32>
    %select_n3A_1446 = arith.select %eq3A_1443, %broadcast_in_dim3A_1445, %get3A_1301 : vector<16xi1>, vector<16xf32>
    %max3A_1447 = arith.maximumf %select_n3A_1434, %select_n3A_1438 : vector<16xf32>
    %max3A_1448 = arith.maximumf %max3A_1447, %select_n3A_1442 : vector<16xf32>
    %max3A_1449 = arith.maximumf %max3A_1448, %select_n3A_1446 : vector<16xf32>
    %add3A_1450 = arith.constant 1 : i32
    %add3A_1451 = vector.broadcast %add3A_1450 : i32 to vector<16xi32>
    %add3A_1452 = arith.addi %iota3A, %add3A_1451 : vector<16xi32>
    %and3A_1453 = arith.constant 15 : i32
    %and3A_1454 = vector.broadcast %and3A_1453 : i32 to vector<16xi32>
    %and3A_1455 = arith.andi %add3A_1452, %and3A_1454 : vector<16xi32>
    %broadcast_in_dim3A_1456 = vector.shape_cast %and3A_1455 : vector<16xi32> to vector<16x1xi32>
    %gather3A_1457 = vector.shape_cast %broadcast_in_dim3A_1456 : vector<16x1xi32> to vector<16xi32>
    %gather3A_1458 = tpu.dynamic_gather %max3A_1449[%gather3A_1457] in [0] : vector<16xf32>, vector<16xi32> -> vector<16xf32>
    %max3A_1459 = arith.maximumf %max3A_1449, %gather3A_1458 : vector<16xf32>
    %add3A_1460 = arith.constant 2 : i32
    %add3A_1461 = vector.broadcast %add3A_1460 : i32 to vector<16xi32>
    %add3A_1462 = arith.addi %iota3A, %add3A_1461 : vector<16xi32>
    %and3A_1463 = arith.constant 15 : i32
    %and3A_1464 = vector.broadcast %and3A_1463 : i32 to vector<16xi32>
    %and3A_1465 = arith.andi %add3A_1462, %and3A_1464 : vector<16xi32>
    %broadcast_in_dim3A_1466 = vector.shape_cast %and3A_1465 : vector<16xi32> to vector<16x1xi32>
    %gather3A_1467 = vector.shape_cast %broadcast_in_dim3A_1466 : vector<16x1xi32> to vector<16xi32>
    %gather3A_1468 = tpu.dynamic_gather %max3A_1459[%gather3A_1467] in [0] : vector<16xf32>, vector<16xi32> -> vector<16xf32>
    %max3A_1469 = arith.maximumf %max3A_1459, %gather3A_1468 : vector<16xf32>
    %add3A_1470 = arith.constant 4 : i32
    %add3A_1471 = vector.broadcast %add3A_1470 : i32 to vector<16xi32>
    %add3A_1472 = arith.addi %iota3A, %add3A_1471 : vector<16xi32>
    %and3A_1473 = arith.constant 15 : i32
    %and3A_1474 = vector.broadcast %and3A_1473 : i32 to vector<16xi32>
    %and3A_1475 = arith.andi %add3A_1472, %and3A_1474 : vector<16xi32>
    %broadcast_in_dim3A_1476 = vector.shape_cast %and3A_1475 : vector<16xi32> to vector<16x1xi32>
    %gather3A_1477 = vector.shape_cast %broadcast_in_dim3A_1476 : vector<16x1xi32> to vector<16xi32>
    %gather3A_1478 = tpu.dynamic_gather %max3A_1469[%gather3A_1477] in [0] : vector<16xf32>, vector<16xi32> -> vector<16xf32>
    %max3A_1479 = arith.maximumf %max3A_1469, %gather3A_1478 : vector<16xf32>
    %add3A_1480 = arith.constant 8 : i32
    %add3A_1481 = vector.broadcast %add3A_1480 : i32 to vector<16xi32>
    %add3A_1482 = arith.addi %iota3A, %add3A_1481 : vector<16xi32>
    %and3A_1483 = arith.constant 15 : i32
    %and3A_1484 = vector.broadcast %and3A_1483 : i32 to vector<16xi32>
    %and3A_1485 = arith.andi %add3A_1482, %and3A_1484 : vector<16xi32>
    %broadcast_in_dim3A_1486 = vector.shape_cast %and3A_1485 : vector<16xi32> to vector<16x1xi32>
    %gather3A_1487 = vector.shape_cast %broadcast_in_dim3A_1486 : vector<16x1xi32> to vector<16xi32>
    %gather3A_1488 = tpu.dynamic_gather %max3A_1479[%gather3A_1487] in [0] : vector<16xf32>, vector<16xi32> -> vector<16xf32>
    %max3A_1489 = arith.maximumf %max3A_1479, %gather3A_1488 : vector<16xf32>
    %broadcast_in_dim3A_1490 = arith.constant 128 : i32
    %broadcast_in_dim3A_1491 = vector.broadcast %broadcast_in_dim3A_1490 : i32 to vector<16xi32>
    %eq3A_1492 = arith.cmpf oeq, %select_n3A_1434, %max3A_1489 : vector<16xf32>
    %jit3A_1493 = arith.constant 128 : i32
    %broadcast_in_dim3A_1494 = vector.broadcast %jit3A_1493 : i32 to vector<16xi32>
    %select_n3A_1495 = arith.select %eq3A_1492, %add3A_1304, %broadcast_in_dim3A_1494 : vector<16xi1>, vector<16xi32>
    %min3A_1496 = arith.minsi %broadcast_in_dim3A_1491, %select_n3A_1495 : vector<16xi32>
    %eq3A_1497 = arith.cmpf oeq, %select_n3A_1438, %max3A_1489 : vector<16xf32>
    %jit3A_1498 = arith.constant 128 : i32
    %broadcast_in_dim3A_1499 = vector.broadcast %jit3A_1498 : i32 to vector<16xi32>
    %select_n3A_1500 = arith.select %eq3A_1497, %add3A_1307, %broadcast_in_dim3A_1499 : vector<16xi1>, vector<16xi32>
    %min3A_1501 = arith.minsi %min3A_1496, %select_n3A_1500 : vector<16xi32>
    %eq3A_1502 = arith.cmpf oeq, %select_n3A_1442, %max3A_1489 : vector<16xf32>
    %jit3A_1503 = arith.constant 128 : i32
    %broadcast_in_dim3A_1504 = vector.broadcast %jit3A_1503 : i32 to vector<16xi32>
    %select_n3A_1505 = arith.select %eq3A_1502, %add3A_1310, %broadcast_in_dim3A_1504 : vector<16xi1>, vector<16xi32>
    %min3A_1506 = arith.minsi %min3A_1501, %select_n3A_1505 : vector<16xi32>
    %eq3A_1507 = arith.cmpf oeq, %select_n3A_1446, %max3A_1489 : vector<16xf32>
    %jit3A_1508 = arith.constant 128 : i32
    %broadcast_in_dim3A_1509 = vector.broadcast %jit3A_1508 : i32 to vector<16xi32>
    %select_n3A_1510 = arith.select %eq3A_1507, %add3A_1313, %broadcast_in_dim3A_1509 : vector<16xi1>, vector<16xi32>
    %min3A_1511 = arith.minsi %min3A_1506, %select_n3A_1510 : vector<16xi32>
    %add3A_1512 = arith.constant 1 : i32
    %add3A_1513 = vector.broadcast %add3A_1512 : i32 to vector<16xi32>
    %add3A_1514 = arith.addi %iota3A, %add3A_1513 : vector<16xi32>
    %and3A_1515 = arith.constant 15 : i32
    %and3A_1516 = vector.broadcast %and3A_1515 : i32 to vector<16xi32>
    %and3A_1517 = arith.andi %add3A_1514, %and3A_1516 : vector<16xi32>
    %broadcast_in_dim3A_1518 = vector.shape_cast %and3A_1517 : vector<16xi32> to vector<16x1xi32>
    %gather3A_1519 = vector.shape_cast %broadcast_in_dim3A_1518 : vector<16x1xi32> to vector<16xi32>
    %gather3A_1520 = tpu.dynamic_gather %min3A_1511[%gather3A_1519] in [0] : vector<16xi32>, vector<16xi32> -> vector<16xi32>
    %min3A_1521 = arith.minsi %min3A_1511, %gather3A_1520 : vector<16xi32>
    %add3A_1522 = arith.constant 2 : i32
    %add3A_1523 = vector.broadcast %add3A_1522 : i32 to vector<16xi32>
    %add3A_1524 = arith.addi %iota3A, %add3A_1523 : vector<16xi32>
    %and3A_1525 = arith.constant 15 : i32
    %and3A_1526 = vector.broadcast %and3A_1525 : i32 to vector<16xi32>
    %and3A_1527 = arith.andi %add3A_1524, %and3A_1526 : vector<16xi32>
    %broadcast_in_dim3A_1528 = vector.shape_cast %and3A_1527 : vector<16xi32> to vector<16x1xi32>
    %gather3A_1529 = vector.shape_cast %broadcast_in_dim3A_1528 : vector<16x1xi32> to vector<16xi32>
    %gather3A_1530 = tpu.dynamic_gather %min3A_1521[%gather3A_1529] in [0] : vector<16xi32>, vector<16xi32> -> vector<16xi32>
    %min3A_1531 = arith.minsi %min3A_1521, %gather3A_1530 : vector<16xi32>
    %add3A_1532 = arith.constant 4 : i32
    %add3A_1533 = vector.broadcast %add3A_1532 : i32 to vector<16xi32>
    %add3A_1534 = arith.addi %iota3A, %add3A_1533 : vector<16xi32>
    %and3A_1535 = arith.constant 15 : i32
    %and3A_1536 = vector.broadcast %and3A_1535 : i32 to vector<16xi32>
    %and3A_1537 = arith.andi %add3A_1534, %and3A_1536 : vector<16xi32>
    %broadcast_in_dim3A_1538 = vector.shape_cast %and3A_1537 : vector<16xi32> to vector<16x1xi32>
    %gather3A_1539 = vector.shape_cast %broadcast_in_dim3A_1538 : vector<16x1xi32> to vector<16xi32>
    %gather3A_1540 = tpu.dynamic_gather %min3A_1531[%gather3A_1539] in [0] : vector<16xi32>, vector<16xi32> -> vector<16xi32>
    %min3A_1541 = arith.minsi %min3A_1531, %gather3A_1540 : vector<16xi32>
    %add3A_1542 = arith.constant 8 : i32
    %add3A_1543 = vector.broadcast %add3A_1542 : i32 to vector<16xi32>
    %add3A_1544 = arith.addi %iota3A, %add3A_1543 : vector<16xi32>
    %and3A_1545 = arith.constant 15 : i32
    %and3A_1546 = vector.broadcast %and3A_1545 : i32 to vector<16xi32>
    %and3A_1547 = arith.andi %add3A_1544, %and3A_1546 : vector<16xi32>
    %broadcast_in_dim3A_1548 = vector.shape_cast %and3A_1547 : vector<16xi32> to vector<16x1xi32>
    %gather3A_1549 = vector.shape_cast %broadcast_in_dim3A_1548 : vector<16x1xi32> to vector<16xi32>
    %gather3A_1550 = tpu.dynamic_gather %min3A_1541[%gather3A_1549] in [0] : vector<16xi32>, vector<16xi32> -> vector<16xi32>
    %min3A_1551 = arith.minsi %min3A_1541, %gather3A_1550 : vector<16xi32>
    %eq3A_1552 = arith.constant 1 : i32
    %eq3A_1553 = vector.broadcast %eq3A_1552 : i32 to vector<16xi32>
    %eq3A_1554 = arith.cmpi eq, %iota3A, %eq3A_1553 : vector<16xi32>
    %select_n3A_1555 = arith.select %eq3A_1554, %max3A_1489, %select_n3A_1426 : vector<16xi1>, vector<16xf32>
    %eq3A_1556 = arith.constant 1 : i32
    %eq3A_1557 = vector.broadcast %eq3A_1556 : i32 to vector<16xi32>
    %eq3A_1558 = arith.cmpi eq, %iota3A, %eq3A_1557 : vector<16xi32>
    %select_n3A_1559 = arith.select %eq3A_1558, %min3A_1551, %select_n3A_1430 : vector<16xi1>, vector<16xi32>
    %eq3A_1560 = arith.cmpi eq, %add3A_1304, %min3A_1551 : vector<16xi32>
    %jit3A_1561 = arith.constant -3.000000e+38 : f32
    %broadcast_in_dim3A_1562 = vector.broadcast %jit3A_1561 : f32 to vector<16xf32>
    %select_n3A_1563 = arith.select %eq3A_1560, %broadcast_in_dim3A_1562, %select_n3A_1434 : vector<16xi1>, vector<16xf32>
    %eq3A_1564 = arith.cmpi eq, %add3A_1307, %min3A_1551 : vector<16xi32>
    %jit3A_1565 = arith.constant -3.000000e+38 : f32
    %broadcast_in_dim3A_1566 = vector.broadcast %jit3A_1565 : f32 to vector<16xf32>
    %select_n3A_1567 = arith.select %eq3A_1564, %broadcast_in_dim3A_1566, %select_n3A_1438 : vector<16xi1>, vector<16xf32>
    %eq3A_1568 = arith.cmpi eq, %add3A_1310, %min3A_1551 : vector<16xi32>
    %jit3A_1569 = arith.constant -3.000000e+38 : f32
    %broadcast_in_dim3A_1570 = vector.broadcast %jit3A_1569 : f32 to vector<16xf32>
    %select_n3A_1571 = arith.select %eq3A_1568, %broadcast_in_dim3A_1570, %select_n3A_1442 : vector<16xi1>, vector<16xf32>
    %eq3A_1572 = arith.cmpi eq, %add3A_1313, %min3A_1551 : vector<16xi32>
    %jit3A_1573 = arith.constant -3.000000e+38 : f32
    %broadcast_in_dim3A_1574 = vector.broadcast %jit3A_1573 : f32 to vector<16xf32>
    %select_n3A_1575 = arith.select %eq3A_1572, %broadcast_in_dim3A_1574, %select_n3A_1446 : vector<16xi1>, vector<16xf32>
    %max3A_1576 = arith.maximumf %select_n3A_1563, %select_n3A_1567 : vector<16xf32>
    %max3A_1577 = arith.maximumf %max3A_1576, %select_n3A_1571 : vector<16xf32>
    %max3A_1578 = arith.maximumf %max3A_1577, %select_n3A_1575 : vector<16xf32>
    %add3A_1579 = arith.constant 1 : i32
    %add3A_1580 = vector.broadcast %add3A_1579 : i32 to vector<16xi32>
    %add3A_1581 = arith.addi %iota3A, %add3A_1580 : vector<16xi32>
    %and3A_1582 = arith.constant 15 : i32
    %and3A_1583 = vector.broadcast %and3A_1582 : i32 to vector<16xi32>
    %and3A_1584 = arith.andi %add3A_1581, %and3A_1583 : vector<16xi32>
    %broadcast_in_dim3A_1585 = vector.shape_cast %and3A_1584 : vector<16xi32> to vector<16x1xi32>
    %gather3A_1586 = vector.shape_cast %broadcast_in_dim3A_1585 : vector<16x1xi32> to vector<16xi32>
    %gather3A_1587 = tpu.dynamic_gather %max3A_1578[%gather3A_1586] in [0] : vector<16xf32>, vector<16xi32> -> vector<16xf32>
    %max3A_1588 = arith.maximumf %max3A_1578, %gather3A_1587 : vector<16xf32>
    %add3A_1589 = arith.constant 2 : i32
    %add3A_1590 = vector.broadcast %add3A_1589 : i32 to vector<16xi32>
    %add3A_1591 = arith.addi %iota3A, %add3A_1590 : vector<16xi32>
    %and3A_1592 = arith.constant 15 : i32
    %and3A_1593 = vector.broadcast %and3A_1592 : i32 to vector<16xi32>
    %and3A_1594 = arith.andi %add3A_1591, %and3A_1593 : vector<16xi32>
    %broadcast_in_dim3A_1595 = vector.shape_cast %and3A_1594 : vector<16xi32> to vector<16x1xi32>
    %gather3A_1596 = vector.shape_cast %broadcast_in_dim3A_1595 : vector<16x1xi32> to vector<16xi32>
    %gather3A_1597 = tpu.dynamic_gather %max3A_1588[%gather3A_1596] in [0] : vector<16xf32>, vector<16xi32> -> vector<16xf32>
    %max3A_1598 = arith.maximumf %max3A_1588, %gather3A_1597 : vector<16xf32>
    %add3A_1599 = arith.constant 4 : i32
    %add3A_1600 = vector.broadcast %add3A_1599 : i32 to vector<16xi32>
    %add3A_1601 = arith.addi %iota3A, %add3A_1600 : vector<16xi32>
    %and3A_1602 = arith.constant 15 : i32
    %and3A_1603 = vector.broadcast %and3A_1602 : i32 to vector<16xi32>
    %and3A_1604 = arith.andi %add3A_1601, %and3A_1603 : vector<16xi32>
    %broadcast_in_dim3A_1605 = vector.shape_cast %and3A_1604 : vector<16xi32> to vector<16x1xi32>
    %gather3A_1606 = vector.shape_cast %broadcast_in_dim3A_1605 : vector<16x1xi32> to vector<16xi32>
    %gather3A_1607 = tpu.dynamic_gather %max3A_1598[%gather3A_1606] in [0] : vector<16xf32>, vector<16xi32> -> vector<16xf32>
    %max3A_1608 = arith.maximumf %max3A_1598, %gather3A_1607 : vector<16xf32>
    %add3A_1609 = arith.constant 8 : i32
    %add3A_1610 = vector.broadcast %add3A_1609 : i32 to vector<16xi32>
    %add3A_1611 = arith.addi %iota3A, %add3A_1610 : vector<16xi32>
    %and3A_1612 = arith.constant 15 : i32
    %and3A_1613 = vector.broadcast %and3A_1612 : i32 to vector<16xi32>
    %and3A_1614 = arith.andi %add3A_1611, %and3A_1613 : vector<16xi32>
    %broadcast_in_dim3A_1615 = vector.shape_cast %and3A_1614 : vector<16xi32> to vector<16x1xi32>
    %gather3A_1616 = vector.shape_cast %broadcast_in_dim3A_1615 : vector<16x1xi32> to vector<16xi32>
    %gather3A_1617 = tpu.dynamic_gather %max3A_1608[%gather3A_1616] in [0] : vector<16xf32>, vector<16xi32> -> vector<16xf32>
    %max3A_1618 = arith.maximumf %max3A_1608, %gather3A_1617 : vector<16xf32>
    %broadcast_in_dim3A_1619 = arith.constant 128 : i32
    %broadcast_in_dim3A_1620 = vector.broadcast %broadcast_in_dim3A_1619 : i32 to vector<16xi32>
    %eq3A_1621 = arith.cmpf oeq, %select_n3A_1563, %max3A_1618 : vector<16xf32>
    %jit3A_1622 = arith.constant 128 : i32
    %broadcast_in_dim3A_1623 = vector.broadcast %jit3A_1622 : i32 to vector<16xi32>
    %select_n3A_1624 = arith.select %eq3A_1621, %add3A_1304, %broadcast_in_dim3A_1623 : vector<16xi1>, vector<16xi32>
    %min3A_1625 = arith.minsi %broadcast_in_dim3A_1620, %select_n3A_1624 : vector<16xi32>
    %eq3A_1626 = arith.cmpf oeq, %select_n3A_1567, %max3A_1618 : vector<16xf32>
    %jit3A_1627 = arith.constant 128 : i32
    %broadcast_in_dim3A_1628 = vector.broadcast %jit3A_1627 : i32 to vector<16xi32>
    %select_n3A_1629 = arith.select %eq3A_1626, %add3A_1307, %broadcast_in_dim3A_1628 : vector<16xi1>, vector<16xi32>
    %min3A_1630 = arith.minsi %min3A_1625, %select_n3A_1629 : vector<16xi32>
    %eq3A_1631 = arith.cmpf oeq, %select_n3A_1571, %max3A_1618 : vector<16xf32>
    %jit3A_1632 = arith.constant 128 : i32
    %broadcast_in_dim3A_1633 = vector.broadcast %jit3A_1632 : i32 to vector<16xi32>
    %select_n3A_1634 = arith.select %eq3A_1631, %add3A_1310, %broadcast_in_dim3A_1633 : vector<16xi1>, vector<16xi32>
    %min3A_1635 = arith.minsi %min3A_1630, %select_n3A_1634 : vector<16xi32>
    %eq3A_1636 = arith.cmpf oeq, %select_n3A_1575, %max3A_1618 : vector<16xf32>
    %jit3A_1637 = arith.constant 128 : i32
    %broadcast_in_dim3A_1638 = vector.broadcast %jit3A_1637 : i32 to vector<16xi32>
    %select_n3A_1639 = arith.select %eq3A_1636, %add3A_1313, %broadcast_in_dim3A_1638 : vector<16xi1>, vector<16xi32>
    %min3A_1640 = arith.minsi %min3A_1635, %select_n3A_1639 : vector<16xi32>
    %add3A_1641 = arith.constant 1 : i32
    %add3A_1642 = vector.broadcast %add3A_1641 : i32 to vector<16xi32>
    %add3A_1643 = arith.addi %iota3A, %add3A_1642 : vector<16xi32>
    %and3A_1644 = arith.constant 15 : i32
    %and3A_1645 = vector.broadcast %and3A_1644 : i32 to vector<16xi32>
    %and3A_1646 = arith.andi %add3A_1643, %and3A_1645 : vector<16xi32>
    %broadcast_in_dim3A_1647 = vector.shape_cast %and3A_1646 : vector<16xi32> to vector<16x1xi32>
    %gather3A_1648 = vector.shape_cast %broadcast_in_dim3A_1647 : vector<16x1xi32> to vector<16xi32>
    %gather3A_1649 = tpu.dynamic_gather %min3A_1640[%gather3A_1648] in [0] : vector<16xi32>, vector<16xi32> -> vector<16xi32>
    %min3A_1650 = arith.minsi %min3A_1640, %gather3A_1649 : vector<16xi32>
    %add3A_1651 = arith.constant 2 : i32
    %add3A_1652 = vector.broadcast %add3A_1651 : i32 to vector<16xi32>
    %add3A_1653 = arith.addi %iota3A, %add3A_1652 : vector<16xi32>
    %and3A_1654 = arith.constant 15 : i32
    %and3A_1655 = vector.broadcast %and3A_1654 : i32 to vector<16xi32>
    %and3A_1656 = arith.andi %add3A_1653, %and3A_1655 : vector<16xi32>
    %broadcast_in_dim3A_1657 = vector.shape_cast %and3A_1656 : vector<16xi32> to vector<16x1xi32>
    %gather3A_1658 = vector.shape_cast %broadcast_in_dim3A_1657 : vector<16x1xi32> to vector<16xi32>
    %gather3A_1659 = tpu.dynamic_gather %min3A_1650[%gather3A_1658] in [0] : vector<16xi32>, vector<16xi32> -> vector<16xi32>
    %min3A_1660 = arith.minsi %min3A_1650, %gather3A_1659 : vector<16xi32>
    %add3A_1661 = arith.constant 4 : i32
    %add3A_1662 = vector.broadcast %add3A_1661 : i32 to vector<16xi32>
    %add3A_1663 = arith.addi %iota3A, %add3A_1662 : vector<16xi32>
    %and3A_1664 = arith.constant 15 : i32
    %and3A_1665 = vector.broadcast %and3A_1664 : i32 to vector<16xi32>
    %and3A_1666 = arith.andi %add3A_1663, %and3A_1665 : vector<16xi32>
    %broadcast_in_dim3A_1667 = vector.shape_cast %and3A_1666 : vector<16xi32> to vector<16x1xi32>
    %gather3A_1668 = vector.shape_cast %broadcast_in_dim3A_1667 : vector<16x1xi32> to vector<16xi32>
    %gather3A_1669 = tpu.dynamic_gather %min3A_1660[%gather3A_1668] in [0] : vector<16xi32>, vector<16xi32> -> vector<16xi32>
    %min3A_1670 = arith.minsi %min3A_1660, %gather3A_1669 : vector<16xi32>
    %add3A_1671 = arith.constant 8 : i32
    %add3A_1672 = vector.broadcast %add3A_1671 : i32 to vector<16xi32>
    %add3A_1673 = arith.addi %iota3A, %add3A_1672 : vector<16xi32>
    %and3A_1674 = arith.constant 15 : i32
    %and3A_1675 = vector.broadcast %and3A_1674 : i32 to vector<16xi32>
    %and3A_1676 = arith.andi %add3A_1673, %and3A_1675 : vector<16xi32>
    %broadcast_in_dim3A_1677 = vector.shape_cast %and3A_1676 : vector<16xi32> to vector<16x1xi32>
    %gather3A_1678 = vector.shape_cast %broadcast_in_dim3A_1677 : vector<16x1xi32> to vector<16xi32>
    %gather3A_1679 = tpu.dynamic_gather %min3A_1670[%gather3A_1678] in [0] : vector<16xi32>, vector<16xi32> -> vector<16xi32>
    %min3A_1680 = arith.minsi %min3A_1670, %gather3A_1679 : vector<16xi32>
    %eq3A_1681 = arith.constant 2 : i32
    %eq3A_1682 = vector.broadcast %eq3A_1681 : i32 to vector<16xi32>
    %eq3A_1683 = arith.cmpi eq, %iota3A, %eq3A_1682 : vector<16xi32>
    %select_n3A_1684 = arith.select %eq3A_1683, %max3A_1618, %select_n3A_1555 : vector<16xi1>, vector<16xf32>
    %eq3A_1685 = arith.constant 2 : i32
    %eq3A_1686 = vector.broadcast %eq3A_1685 : i32 to vector<16xi32>
    %eq3A_1687 = arith.cmpi eq, %iota3A, %eq3A_1686 : vector<16xi32>
    %select_n3A_1688 = arith.select %eq3A_1687, %min3A_1680, %select_n3A_1559 : vector<16xi1>, vector<16xi32>
    %eq3A_1689 = arith.cmpi eq, %add3A_1304, %min3A_1680 : vector<16xi32>
    %jit3A_1690 = arith.constant -3.000000e+38 : f32
    %broadcast_in_dim3A_1691 = vector.broadcast %jit3A_1690 : f32 to vector<16xf32>
    %select_n3A_1692 = arith.select %eq3A_1689, %broadcast_in_dim3A_1691, %select_n3A_1563 : vector<16xi1>, vector<16xf32>
    %eq3A_1693 = arith.cmpi eq, %add3A_1307, %min3A_1680 : vector<16xi32>
    %jit3A_1694 = arith.constant -3.000000e+38 : f32
    %broadcast_in_dim3A_1695 = vector.broadcast %jit3A_1694 : f32 to vector<16xf32>
    %select_n3A_1696 = arith.select %eq3A_1693, %broadcast_in_dim3A_1695, %select_n3A_1567 : vector<16xi1>, vector<16xf32>
    %eq3A_1697 = arith.cmpi eq, %add3A_1310, %min3A_1680 : vector<16xi32>
    %jit3A_1698 = arith.constant -3.000000e+38 : f32
    %broadcast_in_dim3A_1699 = vector.broadcast %jit3A_1698 : f32 to vector<16xf32>
    %select_n3A_1700 = arith.select %eq3A_1697, %broadcast_in_dim3A_1699, %select_n3A_1571 : vector<16xi1>, vector<16xf32>
    %eq3A_1701 = arith.cmpi eq, %add3A_1313, %min3A_1680 : vector<16xi32>
    %jit3A_1702 = arith.constant -3.000000e+38 : f32
    %broadcast_in_dim3A_1703 = vector.broadcast %jit3A_1702 : f32 to vector<16xf32>
    %select_n3A_1704 = arith.select %eq3A_1701, %broadcast_in_dim3A_1703, %select_n3A_1575 : vector<16xi1>, vector<16xf32>
    %max3A_1705 = arith.maximumf %select_n3A_1692, %select_n3A_1696 : vector<16xf32>
    %max3A_1706 = arith.maximumf %max3A_1705, %select_n3A_1700 : vector<16xf32>
    %max3A_1707 = arith.maximumf %max3A_1706, %select_n3A_1704 : vector<16xf32>
    %add3A_1708 = arith.constant 1 : i32
    %add3A_1709 = vector.broadcast %add3A_1708 : i32 to vector<16xi32>
    %add3A_1710 = arith.addi %iota3A, %add3A_1709 : vector<16xi32>
    %and3A_1711 = arith.constant 15 : i32
    %and3A_1712 = vector.broadcast %and3A_1711 : i32 to vector<16xi32>
    %and3A_1713 = arith.andi %add3A_1710, %and3A_1712 : vector<16xi32>
    %broadcast_in_dim3A_1714 = vector.shape_cast %and3A_1713 : vector<16xi32> to vector<16x1xi32>
    %gather3A_1715 = vector.shape_cast %broadcast_in_dim3A_1714 : vector<16x1xi32> to vector<16xi32>
    %gather3A_1716 = tpu.dynamic_gather %max3A_1707[%gather3A_1715] in [0] : vector<16xf32>, vector<16xi32> -> vector<16xf32>
    %max3A_1717 = arith.maximumf %max3A_1707, %gather3A_1716 : vector<16xf32>
    %add3A_1718 = arith.constant 2 : i32
    %add3A_1719 = vector.broadcast %add3A_1718 : i32 to vector<16xi32>
    %add3A_1720 = arith.addi %iota3A, %add3A_1719 : vector<16xi32>
    %and3A_1721 = arith.constant 15 : i32
    %and3A_1722 = vector.broadcast %and3A_1721 : i32 to vector<16xi32>
    %and3A_1723 = arith.andi %add3A_1720, %and3A_1722 : vector<16xi32>
    %broadcast_in_dim3A_1724 = vector.shape_cast %and3A_1723 : vector<16xi32> to vector<16x1xi32>
    %gather3A_1725 = vector.shape_cast %broadcast_in_dim3A_1724 : vector<16x1xi32> to vector<16xi32>
    %gather3A_1726 = tpu.dynamic_gather %max3A_1717[%gather3A_1725] in [0] : vector<16xf32>, vector<16xi32> -> vector<16xf32>
    %max3A_1727 = arith.maximumf %max3A_1717, %gather3A_1726 : vector<16xf32>
    %add3A_1728 = arith.constant 4 : i32
    %add3A_1729 = vector.broadcast %add3A_1728 : i32 to vector<16xi32>
    %add3A_1730 = arith.addi %iota3A, %add3A_1729 : vector<16xi32>
    %and3A_1731 = arith.constant 15 : i32
    %and3A_1732 = vector.broadcast %and3A_1731 : i32 to vector<16xi32>
    %and3A_1733 = arith.andi %add3A_1730, %and3A_1732 : vector<16xi32>
    %broadcast_in_dim3A_1734 = vector.shape_cast %and3A_1733 : vector<16xi32> to vector<16x1xi32>
    %gather3A_1735 = vector.shape_cast %broadcast_in_dim3A_1734 : vector<16x1xi32> to vector<16xi32>
    %gather3A_1736 = tpu.dynamic_gather %max3A_1727[%gather3A_1735] in [0] : vector<16xf32>, vector<16xi32> -> vector<16xf32>
    %max3A_1737 = arith.maximumf %max3A_1727, %gather3A_1736 : vector<16xf32>
    %add3A_1738 = arith.constant 8 : i32
    %add3A_1739 = vector.broadcast %add3A_1738 : i32 to vector<16xi32>
    %add3A_1740 = arith.addi %iota3A, %add3A_1739 : vector<16xi32>
    %and3A_1741 = arith.constant 15 : i32
    %and3A_1742 = vector.broadcast %and3A_1741 : i32 to vector<16xi32>
    %and3A_1743 = arith.andi %add3A_1740, %and3A_1742 : vector<16xi32>
    %broadcast_in_dim3A_1744 = vector.shape_cast %and3A_1743 : vector<16xi32> to vector<16x1xi32>
    %gather3A_1745 = vector.shape_cast %broadcast_in_dim3A_1744 : vector<16x1xi32> to vector<16xi32>
    %gather3A_1746 = tpu.dynamic_gather %max3A_1737[%gather3A_1745] in [0] : vector<16xf32>, vector<16xi32> -> vector<16xf32>
    %max3A_1747 = arith.maximumf %max3A_1737, %gather3A_1746 : vector<16xf32>
    %broadcast_in_dim3A_1748 = arith.constant 128 : i32
    %broadcast_in_dim3A_1749 = vector.broadcast %broadcast_in_dim3A_1748 : i32 to vector<16xi32>
    %eq3A_1750 = arith.cmpf oeq, %select_n3A_1692, %max3A_1747 : vector<16xf32>
    %jit3A_1751 = arith.constant 128 : i32
    %broadcast_in_dim3A_1752 = vector.broadcast %jit3A_1751 : i32 to vector<16xi32>
    %select_n3A_1753 = arith.select %eq3A_1750, %add3A_1304, %broadcast_in_dim3A_1752 : vector<16xi1>, vector<16xi32>
    %min3A_1754 = arith.minsi %broadcast_in_dim3A_1749, %select_n3A_1753 : vector<16xi32>
    %eq3A_1755 = arith.cmpf oeq, %select_n3A_1696, %max3A_1747 : vector<16xf32>
    %jit3A_1756 = arith.constant 128 : i32
    %broadcast_in_dim3A_1757 = vector.broadcast %jit3A_1756 : i32 to vector<16xi32>
    %select_n3A_1758 = arith.select %eq3A_1755, %add3A_1307, %broadcast_in_dim3A_1757 : vector<16xi1>, vector<16xi32>
    %min3A_1759 = arith.minsi %min3A_1754, %select_n3A_1758 : vector<16xi32>
    %eq3A_1760 = arith.cmpf oeq, %select_n3A_1700, %max3A_1747 : vector<16xf32>
    %jit3A_1761 = arith.constant 128 : i32
    %broadcast_in_dim3A_1762 = vector.broadcast %jit3A_1761 : i32 to vector<16xi32>
    %select_n3A_1763 = arith.select %eq3A_1760, %add3A_1310, %broadcast_in_dim3A_1762 : vector<16xi1>, vector<16xi32>
    %min3A_1764 = arith.minsi %min3A_1759, %select_n3A_1763 : vector<16xi32>
    %eq3A_1765 = arith.cmpf oeq, %select_n3A_1704, %max3A_1747 : vector<16xf32>
    %jit3A_1766 = arith.constant 128 : i32
    %broadcast_in_dim3A_1767 = vector.broadcast %jit3A_1766 : i32 to vector<16xi32>
    %select_n3A_1768 = arith.select %eq3A_1765, %add3A_1313, %broadcast_in_dim3A_1767 : vector<16xi1>, vector<16xi32>
    %min3A_1769 = arith.minsi %min3A_1764, %select_n3A_1768 : vector<16xi32>
    %add3A_1770 = arith.constant 1 : i32
    %add3A_1771 = vector.broadcast %add3A_1770 : i32 to vector<16xi32>
    %add3A_1772 = arith.addi %iota3A, %add3A_1771 : vector<16xi32>
    %and3A_1773 = arith.constant 15 : i32
    %and3A_1774 = vector.broadcast %and3A_1773 : i32 to vector<16xi32>
    %and3A_1775 = arith.andi %add3A_1772, %and3A_1774 : vector<16xi32>
    %broadcast_in_dim3A_1776 = vector.shape_cast %and3A_1775 : vector<16xi32> to vector<16x1xi32>
    %gather3A_1777 = vector.shape_cast %broadcast_in_dim3A_1776 : vector<16x1xi32> to vector<16xi32>
    %gather3A_1778 = tpu.dynamic_gather %min3A_1769[%gather3A_1777] in [0] : vector<16xi32>, vector<16xi32> -> vector<16xi32>
    %min3A_1779 = arith.minsi %min3A_1769, %gather3A_1778 : vector<16xi32>
    %add3A_1780 = arith.constant 2 : i32
    %add3A_1781 = vector.broadcast %add3A_1780 : i32 to vector<16xi32>
    %add3A_1782 = arith.addi %iota3A, %add3A_1781 : vector<16xi32>
    %and3A_1783 = arith.constant 15 : i32
    %and3A_1784 = vector.broadcast %and3A_1783 : i32 to vector<16xi32>
    %and3A_1785 = arith.andi %add3A_1782, %and3A_1784 : vector<16xi32>
    %broadcast_in_dim3A_1786 = vector.shape_cast %and3A_1785 : vector<16xi32> to vector<16x1xi32>
    %gather3A_1787 = vector.shape_cast %broadcast_in_dim3A_1786 : vector<16x1xi32> to vector<16xi32>
    %gather3A_1788 = tpu.dynamic_gather %min3A_1779[%gather3A_1787] in [0] : vector<16xi32>, vector<16xi32> -> vector<16xi32>
    %min3A_1789 = arith.minsi %min3A_1779, %gather3A_1788 : vector<16xi32>
    %add3A_1790 = arith.constant 4 : i32
    %add3A_1791 = vector.broadcast %add3A_1790 : i32 to vector<16xi32>
    %add3A_1792 = arith.addi %iota3A, %add3A_1791 : vector<16xi32>
    %and3A_1793 = arith.constant 15 : i32
    %and3A_1794 = vector.broadcast %and3A_1793 : i32 to vector<16xi32>
    %and3A_1795 = arith.andi %add3A_1792, %and3A_1794 : vector<16xi32>
    %broadcast_in_dim3A_1796 = vector.shape_cast %and3A_1795 : vector<16xi32> to vector<16x1xi32>
    %gather3A_1797 = vector.shape_cast %broadcast_in_dim3A_1796 : vector<16x1xi32> to vector<16xi32>
    %gather3A_1798 = tpu.dynamic_gather %min3A_1789[%gather3A_1797] in [0] : vector<16xi32>, vector<16xi32> -> vector<16xi32>
    %min3A_1799 = arith.minsi %min3A_1789, %gather3A_1798 : vector<16xi32>
    %add3A_1800 = arith.constant 8 : i32
    %add3A_1801 = vector.broadcast %add3A_1800 : i32 to vector<16xi32>
    %add3A_1802 = arith.addi %iota3A, %add3A_1801 : vector<16xi32>
    %and3A_1803 = arith.constant 15 : i32
    %and3A_1804 = vector.broadcast %and3A_1803 : i32 to vector<16xi32>
    %and3A_1805 = arith.andi %add3A_1802, %and3A_1804 : vector<16xi32>
    %broadcast_in_dim3A_1806 = vector.shape_cast %and3A_1805 : vector<16xi32> to vector<16x1xi32>
    %gather3A_1807 = vector.shape_cast %broadcast_in_dim3A_1806 : vector<16x1xi32> to vector<16xi32>
    %gather3A_1808 = tpu.dynamic_gather %min3A_1799[%gather3A_1807] in [0] : vector<16xi32>, vector<16xi32> -> vector<16xi32>
    %min3A_1809 = arith.minsi %min3A_1799, %gather3A_1808 : vector<16xi32>
    %eq3A_1810 = arith.constant 3 : i32
    %eq3A_1811 = vector.broadcast %eq3A_1810 : i32 to vector<16xi32>
    %eq3A_1812 = arith.cmpi eq, %iota3A, %eq3A_1811 : vector<16xi32>
    %select_n3A_1813 = arith.select %eq3A_1812, %max3A_1747, %select_n3A_1684 : vector<16xi1>, vector<16xf32>
    %eq3A_1814 = arith.constant 3 : i32
    %eq3A_1815 = vector.broadcast %eq3A_1814 : i32 to vector<16xi32>
    %eq3A_1816 = arith.cmpi eq, %iota3A, %eq3A_1815 : vector<16xi32>
    %select_n3A_1817 = arith.select %eq3A_1816, %min3A_1809, %select_n3A_1688 : vector<16xi1>, vector<16xi32>
    %eq3A_1818 = arith.cmpi eq, %add3A_1304, %min3A_1809 : vector<16xi32>
    %jit3A_1819 = arith.constant -3.000000e+38 : f32
    %broadcast_in_dim3A_1820 = vector.broadcast %jit3A_1819 : f32 to vector<16xf32>
    %select_n3A_1821 = arith.select %eq3A_1818, %broadcast_in_dim3A_1820, %select_n3A_1692 : vector<16xi1>, vector<16xf32>
    %eq3A_1822 = arith.cmpi eq, %add3A_1307, %min3A_1809 : vector<16xi32>
    %jit3A_1823 = arith.constant -3.000000e+38 : f32
    %broadcast_in_dim3A_1824 = vector.broadcast %jit3A_1823 : f32 to vector<16xf32>
    %select_n3A_1825 = arith.select %eq3A_1822, %broadcast_in_dim3A_1824, %select_n3A_1696 : vector<16xi1>, vector<16xf32>
    %eq3A_1826 = arith.cmpi eq, %add3A_1310, %min3A_1809 : vector<16xi32>
    %jit3A_1827 = arith.constant -3.000000e+38 : f32
    %broadcast_in_dim3A_1828 = vector.broadcast %jit3A_1827 : f32 to vector<16xf32>
    %select_n3A_1829 = arith.select %eq3A_1826, %broadcast_in_dim3A_1828, %select_n3A_1700 : vector<16xi1>, vector<16xf32>
    %eq3A_1830 = arith.cmpi eq, %add3A_1313, %min3A_1809 : vector<16xi32>
    %jit3A_1831 = arith.constant -3.000000e+38 : f32
    %broadcast_in_dim3A_1832 = vector.broadcast %jit3A_1831 : f32 to vector<16xf32>
    %select_n3A_1833 = arith.select %eq3A_1830, %broadcast_in_dim3A_1832, %select_n3A_1704 : vector<16xi1>, vector<16xf32>
    %max3A_1834 = arith.maximumf %select_n3A_1821, %select_n3A_1825 : vector<16xf32>
    %max3A_1835 = arith.maximumf %max3A_1834, %select_n3A_1829 : vector<16xf32>
    %max3A_1836 = arith.maximumf %max3A_1835, %select_n3A_1833 : vector<16xf32>
    %add3A_1837 = arith.constant 1 : i32
    %add3A_1838 = vector.broadcast %add3A_1837 : i32 to vector<16xi32>
    %add3A_1839 = arith.addi %iota3A, %add3A_1838 : vector<16xi32>
    %and3A_1840 = arith.constant 15 : i32
    %and3A_1841 = vector.broadcast %and3A_1840 : i32 to vector<16xi32>
    %and3A_1842 = arith.andi %add3A_1839, %and3A_1841 : vector<16xi32>
    %broadcast_in_dim3A_1843 = vector.shape_cast %and3A_1842 : vector<16xi32> to vector<16x1xi32>
    %gather3A_1844 = vector.shape_cast %broadcast_in_dim3A_1843 : vector<16x1xi32> to vector<16xi32>
    %gather3A_1845 = tpu.dynamic_gather %max3A_1836[%gather3A_1844] in [0] : vector<16xf32>, vector<16xi32> -> vector<16xf32>
    %max3A_1846 = arith.maximumf %max3A_1836, %gather3A_1845 : vector<16xf32>
    %add3A_1847 = arith.constant 2 : i32
    %add3A_1848 = vector.broadcast %add3A_1847 : i32 to vector<16xi32>
    %add3A_1849 = arith.addi %iota3A, %add3A_1848 : vector<16xi32>
    %and3A_1850 = arith.constant 15 : i32
    %and3A_1851 = vector.broadcast %and3A_1850 : i32 to vector<16xi32>
    %and3A_1852 = arith.andi %add3A_1849, %and3A_1851 : vector<16xi32>
    %broadcast_in_dim3A_1853 = vector.shape_cast %and3A_1852 : vector<16xi32> to vector<16x1xi32>
    %gather3A_1854 = vector.shape_cast %broadcast_in_dim3A_1853 : vector<16x1xi32> to vector<16xi32>
    %gather3A_1855 = tpu.dynamic_gather %max3A_1846[%gather3A_1854] in [0] : vector<16xf32>, vector<16xi32> -> vector<16xf32>
    %max3A_1856 = arith.maximumf %max3A_1846, %gather3A_1855 : vector<16xf32>
    %add3A_1857 = arith.constant 4 : i32
    %add3A_1858 = vector.broadcast %add3A_1857 : i32 to vector<16xi32>
    %add3A_1859 = arith.addi %iota3A, %add3A_1858 : vector<16xi32>
    %and3A_1860 = arith.constant 15 : i32
    %and3A_1861 = vector.broadcast %and3A_1860 : i32 to vector<16xi32>
    %and3A_1862 = arith.andi %add3A_1859, %and3A_1861 : vector<16xi32>
    %broadcast_in_dim3A_1863 = vector.shape_cast %and3A_1862 : vector<16xi32> to vector<16x1xi32>
    %gather3A_1864 = vector.shape_cast %broadcast_in_dim3A_1863 : vector<16x1xi32> to vector<16xi32>
    %gather3A_1865 = tpu.dynamic_gather %max3A_1856[%gather3A_1864] in [0] : vector<16xf32>, vector<16xi32> -> vector<16xf32>
    %max3A_1866 = arith.maximumf %max3A_1856, %gather3A_1865 : vector<16xf32>
    %add3A_1867 = arith.constant 8 : i32
    %add3A_1868 = vector.broadcast %add3A_1867 : i32 to vector<16xi32>
    %add3A_1869 = arith.addi %iota3A, %add3A_1868 : vector<16xi32>
    %and3A_1870 = arith.constant 15 : i32
    %and3A_1871 = vector.broadcast %and3A_1870 : i32 to vector<16xi32>
    %and3A_1872 = arith.andi %add3A_1869, %and3A_1871 : vector<16xi32>
    %broadcast_in_dim3A_1873 = vector.shape_cast %and3A_1872 : vector<16xi32> to vector<16x1xi32>
    %gather3A_1874 = vector.shape_cast %broadcast_in_dim3A_1873 : vector<16x1xi32> to vector<16xi32>
    %gather3A_1875 = tpu.dynamic_gather %max3A_1866[%gather3A_1874] in [0] : vector<16xf32>, vector<16xi32> -> vector<16xf32>
    %max3A_1876 = arith.maximumf %max3A_1866, %gather3A_1875 : vector<16xf32>
    %broadcast_in_dim3A_1877 = arith.constant 128 : i32
    %broadcast_in_dim3A_1878 = vector.broadcast %broadcast_in_dim3A_1877 : i32 to vector<16xi32>
    %eq3A_1879 = arith.cmpf oeq, %select_n3A_1821, %max3A_1876 : vector<16xf32>
    %jit3A_1880 = arith.constant 128 : i32
    %broadcast_in_dim3A_1881 = vector.broadcast %jit3A_1880 : i32 to vector<16xi32>
    %select_n3A_1882 = arith.select %eq3A_1879, %add3A_1304, %broadcast_in_dim3A_1881 : vector<16xi1>, vector<16xi32>
    %min3A_1883 = arith.minsi %broadcast_in_dim3A_1878, %select_n3A_1882 : vector<16xi32>
    %eq3A_1884 = arith.cmpf oeq, %select_n3A_1825, %max3A_1876 : vector<16xf32>
    %jit3A_1885 = arith.constant 128 : i32
    %broadcast_in_dim3A_1886 = vector.broadcast %jit3A_1885 : i32 to vector<16xi32>
    %select_n3A_1887 = arith.select %eq3A_1884, %add3A_1307, %broadcast_in_dim3A_1886 : vector<16xi1>, vector<16xi32>
    %min3A_1888 = arith.minsi %min3A_1883, %select_n3A_1887 : vector<16xi32>
    %eq3A_1889 = arith.cmpf oeq, %select_n3A_1829, %max3A_1876 : vector<16xf32>
    %jit3A_1890 = arith.constant 128 : i32
    %broadcast_in_dim3A_1891 = vector.broadcast %jit3A_1890 : i32 to vector<16xi32>
    %select_n3A_1892 = arith.select %eq3A_1889, %add3A_1310, %broadcast_in_dim3A_1891 : vector<16xi1>, vector<16xi32>
    %min3A_1893 = arith.minsi %min3A_1888, %select_n3A_1892 : vector<16xi32>
    %eq3A_1894 = arith.cmpf oeq, %select_n3A_1833, %max3A_1876 : vector<16xf32>
    %jit3A_1895 = arith.constant 128 : i32
    %broadcast_in_dim3A_1896 = vector.broadcast %jit3A_1895 : i32 to vector<16xi32>
    %select_n3A_1897 = arith.select %eq3A_1894, %add3A_1313, %broadcast_in_dim3A_1896 : vector<16xi1>, vector<16xi32>
    %min3A_1898 = arith.minsi %min3A_1893, %select_n3A_1897 : vector<16xi32>
    %add3A_1899 = arith.constant 1 : i32
    %add3A_1900 = vector.broadcast %add3A_1899 : i32 to vector<16xi32>
    %add3A_1901 = arith.addi %iota3A, %add3A_1900 : vector<16xi32>
    %and3A_1902 = arith.constant 15 : i32
    %and3A_1903 = vector.broadcast %and3A_1902 : i32 to vector<16xi32>
    %and3A_1904 = arith.andi %add3A_1901, %and3A_1903 : vector<16xi32>
    %broadcast_in_dim3A_1905 = vector.shape_cast %and3A_1904 : vector<16xi32> to vector<16x1xi32>
    %gather3A_1906 = vector.shape_cast %broadcast_in_dim3A_1905 : vector<16x1xi32> to vector<16xi32>
    %gather3A_1907 = tpu.dynamic_gather %min3A_1898[%gather3A_1906] in [0] : vector<16xi32>, vector<16xi32> -> vector<16xi32>
    %min3A_1908 = arith.minsi %min3A_1898, %gather3A_1907 : vector<16xi32>
    %add3A_1909 = arith.constant 2 : i32
    %add3A_1910 = vector.broadcast %add3A_1909 : i32 to vector<16xi32>
    %add3A_1911 = arith.addi %iota3A, %add3A_1910 : vector<16xi32>
    %and3A_1912 = arith.constant 15 : i32
    %and3A_1913 = vector.broadcast %and3A_1912 : i32 to vector<16xi32>
    %and3A_1914 = arith.andi %add3A_1911, %and3A_1913 : vector<16xi32>
    %broadcast_in_dim3A_1915 = vector.shape_cast %and3A_1914 : vector<16xi32> to vector<16x1xi32>
    %gather3A_1916 = vector.shape_cast %broadcast_in_dim3A_1915 : vector<16x1xi32> to vector<16xi32>
    %gather3A_1917 = tpu.dynamic_gather %min3A_1908[%gather3A_1916] in [0] : vector<16xi32>, vector<16xi32> -> vector<16xi32>
    %min3A_1918 = arith.minsi %min3A_1908, %gather3A_1917 : vector<16xi32>
    %add3A_1919 = arith.constant 4 : i32
    %add3A_1920 = vector.broadcast %add3A_1919 : i32 to vector<16xi32>
    %add3A_1921 = arith.addi %iota3A, %add3A_1920 : vector<16xi32>
    %and3A_1922 = arith.constant 15 : i32
    %and3A_1923 = vector.broadcast %and3A_1922 : i32 to vector<16xi32>
    %and3A_1924 = arith.andi %add3A_1921, %and3A_1923 : vector<16xi32>
    %broadcast_in_dim3A_1925 = vector.shape_cast %and3A_1924 : vector<16xi32> to vector<16x1xi32>
    %gather3A_1926 = vector.shape_cast %broadcast_in_dim3A_1925 : vector<16x1xi32> to vector<16xi32>
    %gather3A_1927 = tpu.dynamic_gather %min3A_1918[%gather3A_1926] in [0] : vector<16xi32>, vector<16xi32> -> vector<16xi32>
    %min3A_1928 = arith.minsi %min3A_1918, %gather3A_1927 : vector<16xi32>
    %add3A_1929 = arith.constant 8 : i32
    %add3A_1930 = vector.broadcast %add3A_1929 : i32 to vector<16xi32>
    %add3A_1931 = arith.addi %iota3A, %add3A_1930 : vector<16xi32>
    %and3A_1932 = arith.constant 15 : i32
    %and3A_1933 = vector.broadcast %and3A_1932 : i32 to vector<16xi32>
    %and3A_1934 = arith.andi %add3A_1931, %and3A_1933 : vector<16xi32>
    %broadcast_in_dim3A_1935 = vector.shape_cast %and3A_1934 : vector<16xi32> to vector<16x1xi32>
    %gather3A_1936 = vector.shape_cast %broadcast_in_dim3A_1935 : vector<16x1xi32> to vector<16xi32>
    %gather3A_1937 = tpu.dynamic_gather %min3A_1928[%gather3A_1936] in [0] : vector<16xi32>, vector<16xi32> -> vector<16xi32>
    %min3A_1938 = arith.minsi %min3A_1928, %gather3A_1937 : vector<16xi32>
    %eq3A_1939 = arith.constant 4 : i32
    %eq3A_1940 = vector.broadcast %eq3A_1939 : i32 to vector<16xi32>
    %eq3A_1941 = arith.cmpi eq, %iota3A, %eq3A_1940 : vector<16xi32>
    %select_n3A_1942 = arith.select %eq3A_1941, %max3A_1876, %select_n3A_1813 : vector<16xi1>, vector<16xf32>
    %eq3A_1943 = arith.constant 4 : i32
    %eq3A_1944 = vector.broadcast %eq3A_1943 : i32 to vector<16xi32>
    %eq3A_1945 = arith.cmpi eq, %iota3A, %eq3A_1944 : vector<16xi32>
    %select_n3A_1946 = arith.select %eq3A_1945, %min3A_1938, %select_n3A_1817 : vector<16xi1>, vector<16xi32>
    %eq3A_1947 = arith.cmpi eq, %add3A_1304, %min3A_1938 : vector<16xi32>
    %jit3A_1948 = arith.constant -3.000000e+38 : f32
    %broadcast_in_dim3A_1949 = vector.broadcast %jit3A_1948 : f32 to vector<16xf32>
    %select_n3A_1950 = arith.select %eq3A_1947, %broadcast_in_dim3A_1949, %select_n3A_1821 : vector<16xi1>, vector<16xf32>
    %eq3A_1951 = arith.cmpi eq, %add3A_1307, %min3A_1938 : vector<16xi32>
    %jit3A_1952 = arith.constant -3.000000e+38 : f32
    %broadcast_in_dim3A_1953 = vector.broadcast %jit3A_1952 : f32 to vector<16xf32>
    %select_n3A_1954 = arith.select %eq3A_1951, %broadcast_in_dim3A_1953, %select_n3A_1825 : vector<16xi1>, vector<16xf32>
    %eq3A_1955 = arith.cmpi eq, %add3A_1310, %min3A_1938 : vector<16xi32>
    %jit3A_1956 = arith.constant -3.000000e+38 : f32
    %broadcast_in_dim3A_1957 = vector.broadcast %jit3A_1956 : f32 to vector<16xf32>
    %select_n3A_1958 = arith.select %eq3A_1955, %broadcast_in_dim3A_1957, %select_n3A_1829 : vector<16xi1>, vector<16xf32>
    %eq3A_1959 = arith.cmpi eq, %add3A_1313, %min3A_1938 : vector<16xi32>
    %jit3A_1960 = arith.constant -3.000000e+38 : f32
    %broadcast_in_dim3A_1961 = vector.broadcast %jit3A_1960 : f32 to vector<16xf32>
    %select_n3A_1962 = arith.select %eq3A_1959, %broadcast_in_dim3A_1961, %select_n3A_1833 : vector<16xi1>, vector<16xf32>
    %max3A_1963 = arith.maximumf %select_n3A_1950, %select_n3A_1954 : vector<16xf32>
    %max3A_1964 = arith.maximumf %max3A_1963, %select_n3A_1958 : vector<16xf32>
    %max3A_1965 = arith.maximumf %max3A_1964, %select_n3A_1962 : vector<16xf32>
    %add3A_1966 = arith.constant 1 : i32
    %add3A_1967 = vector.broadcast %add3A_1966 : i32 to vector<16xi32>
    %add3A_1968 = arith.addi %iota3A, %add3A_1967 : vector<16xi32>
    %and3A_1969 = arith.constant 15 : i32
    %and3A_1970 = vector.broadcast %and3A_1969 : i32 to vector<16xi32>
    %and3A_1971 = arith.andi %add3A_1968, %and3A_1970 : vector<16xi32>
    %broadcast_in_dim3A_1972 = vector.shape_cast %and3A_1971 : vector<16xi32> to vector<16x1xi32>
    %gather3A_1973 = vector.shape_cast %broadcast_in_dim3A_1972 : vector<16x1xi32> to vector<16xi32>
    %gather3A_1974 = tpu.dynamic_gather %max3A_1965[%gather3A_1973] in [0] : vector<16xf32>, vector<16xi32> -> vector<16xf32>
    %max3A_1975 = arith.maximumf %max3A_1965, %gather3A_1974 : vector<16xf32>
    %add3A_1976 = arith.constant 2 : i32
    %add3A_1977 = vector.broadcast %add3A_1976 : i32 to vector<16xi32>
    %add3A_1978 = arith.addi %iota3A, %add3A_1977 : vector<16xi32>
    %and3A_1979 = arith.constant 15 : i32
    %and3A_1980 = vector.broadcast %and3A_1979 : i32 to vector<16xi32>
    %and3A_1981 = arith.andi %add3A_1978, %and3A_1980 : vector<16xi32>
    %broadcast_in_dim3A_1982 = vector.shape_cast %and3A_1981 : vector<16xi32> to vector<16x1xi32>
    %gather3A_1983 = vector.shape_cast %broadcast_in_dim3A_1982 : vector<16x1xi32> to vector<16xi32>
    %gather3A_1984 = tpu.dynamic_gather %max3A_1975[%gather3A_1983] in [0] : vector<16xf32>, vector<16xi32> -> vector<16xf32>
    %max3A_1985 = arith.maximumf %max3A_1975, %gather3A_1984 : vector<16xf32>
    %add3A_1986 = arith.constant 4 : i32
    %add3A_1987 = vector.broadcast %add3A_1986 : i32 to vector<16xi32>
    %add3A_1988 = arith.addi %iota3A, %add3A_1987 : vector<16xi32>
    %and3A_1989 = arith.constant 15 : i32
    %and3A_1990 = vector.broadcast %and3A_1989 : i32 to vector<16xi32>
    %and3A_1991 = arith.andi %add3A_1988, %and3A_1990 : vector<16xi32>
    %broadcast_in_dim3A_1992 = vector.shape_cast %and3A_1991 : vector<16xi32> to vector<16x1xi32>
    %gather3A_1993 = vector.shape_cast %broadcast_in_dim3A_1992 : vector<16x1xi32> to vector<16xi32>
    %gather3A_1994 = tpu.dynamic_gather %max3A_1985[%gather3A_1993] in [0] : vector<16xf32>, vector<16xi32> -> vector<16xf32>
    %max3A_1995 = arith.maximumf %max3A_1985, %gather3A_1994 : vector<16xf32>
    %add3A_1996 = arith.constant 8 : i32
    %add3A_1997 = vector.broadcast %add3A_1996 : i32 to vector<16xi32>
    %add3A_1998 = arith.addi %iota3A, %add3A_1997 : vector<16xi32>
    %and3A_1999 = arith.constant 15 : i32
    %and3A_2000 = vector.broadcast %and3A_1999 : i32 to vector<16xi32>
    %and3A_2001 = arith.andi %add3A_1998, %and3A_2000 : vector<16xi32>
    %broadcast_in_dim3A_2002 = vector.shape_cast %and3A_2001 : vector<16xi32> to vector<16x1xi32>
    %gather3A_2003 = vector.shape_cast %broadcast_in_dim3A_2002 : vector<16x1xi32> to vector<16xi32>
    %gather3A_2004 = tpu.dynamic_gather %max3A_1995[%gather3A_2003] in [0] : vector<16xf32>, vector<16xi32> -> vector<16xf32>
    %max3A_2005 = arith.maximumf %max3A_1995, %gather3A_2004 : vector<16xf32>
    %broadcast_in_dim3A_2006 = arith.constant 128 : i32
    %broadcast_in_dim3A_2007 = vector.broadcast %broadcast_in_dim3A_2006 : i32 to vector<16xi32>
    %eq3A_2008 = arith.cmpf oeq, %select_n3A_1950, %max3A_2005 : vector<16xf32>
    %jit3A_2009 = arith.constant 128 : i32
    %broadcast_in_dim3A_2010 = vector.broadcast %jit3A_2009 : i32 to vector<16xi32>
    %select_n3A_2011 = arith.select %eq3A_2008, %add3A_1304, %broadcast_in_dim3A_2010 : vector<16xi1>, vector<16xi32>
    %min3A_2012 = arith.minsi %broadcast_in_dim3A_2007, %select_n3A_2011 : vector<16xi32>
    %eq3A_2013 = arith.cmpf oeq, %select_n3A_1954, %max3A_2005 : vector<16xf32>
    %jit3A_2014 = arith.constant 128 : i32
    %broadcast_in_dim3A_2015 = vector.broadcast %jit3A_2014 : i32 to vector<16xi32>
    %select_n3A_2016 = arith.select %eq3A_2013, %add3A_1307, %broadcast_in_dim3A_2015 : vector<16xi1>, vector<16xi32>
    %min3A_2017 = arith.minsi %min3A_2012, %select_n3A_2016 : vector<16xi32>
    %eq3A_2018 = arith.cmpf oeq, %select_n3A_1958, %max3A_2005 : vector<16xf32>
    %jit3A_2019 = arith.constant 128 : i32
    %broadcast_in_dim3A_2020 = vector.broadcast %jit3A_2019 : i32 to vector<16xi32>
    %select_n3A_2021 = arith.select %eq3A_2018, %add3A_1310, %broadcast_in_dim3A_2020 : vector<16xi1>, vector<16xi32>
    %min3A_2022 = arith.minsi %min3A_2017, %select_n3A_2021 : vector<16xi32>
    %eq3A_2023 = arith.cmpf oeq, %select_n3A_1962, %max3A_2005 : vector<16xf32>
    %jit3A_2024 = arith.constant 128 : i32
    %broadcast_in_dim3A_2025 = vector.broadcast %jit3A_2024 : i32 to vector<16xi32>
    %select_n3A_2026 = arith.select %eq3A_2023, %add3A_1313, %broadcast_in_dim3A_2025 : vector<16xi1>, vector<16xi32>
    %min3A_2027 = arith.minsi %min3A_2022, %select_n3A_2026 : vector<16xi32>
    %add3A_2028 = arith.constant 1 : i32
    %add3A_2029 = vector.broadcast %add3A_2028 : i32 to vector<16xi32>
    %add3A_2030 = arith.addi %iota3A, %add3A_2029 : vector<16xi32>
    %and3A_2031 = arith.constant 15 : i32
    %and3A_2032 = vector.broadcast %and3A_2031 : i32 to vector<16xi32>
    %and3A_2033 = arith.andi %add3A_2030, %and3A_2032 : vector<16xi32>
    %broadcast_in_dim3A_2034 = vector.shape_cast %and3A_2033 : vector<16xi32> to vector<16x1xi32>
    %gather3A_2035 = vector.shape_cast %broadcast_in_dim3A_2034 : vector<16x1xi32> to vector<16xi32>
    %gather3A_2036 = tpu.dynamic_gather %min3A_2027[%gather3A_2035] in [0] : vector<16xi32>, vector<16xi32> -> vector<16xi32>
    %min3A_2037 = arith.minsi %min3A_2027, %gather3A_2036 : vector<16xi32>
    %add3A_2038 = arith.constant 2 : i32
    %add3A_2039 = vector.broadcast %add3A_2038 : i32 to vector<16xi32>
    %add3A_2040 = arith.addi %iota3A, %add3A_2039 : vector<16xi32>
    %and3A_2041 = arith.constant 15 : i32
    %and3A_2042 = vector.broadcast %and3A_2041 : i32 to vector<16xi32>
    %and3A_2043 = arith.andi %add3A_2040, %and3A_2042 : vector<16xi32>
    %broadcast_in_dim3A_2044 = vector.shape_cast %and3A_2043 : vector<16xi32> to vector<16x1xi32>
    %gather3A_2045 = vector.shape_cast %broadcast_in_dim3A_2044 : vector<16x1xi32> to vector<16xi32>
    %gather3A_2046 = tpu.dynamic_gather %min3A_2037[%gather3A_2045] in [0] : vector<16xi32>, vector<16xi32> -> vector<16xi32>
    %min3A_2047 = arith.minsi %min3A_2037, %gather3A_2046 : vector<16xi32>
    %add3A_2048 = arith.constant 4 : i32
    %add3A_2049 = vector.broadcast %add3A_2048 : i32 to vector<16xi32>
    %add3A_2050 = arith.addi %iota3A, %add3A_2049 : vector<16xi32>
    %and3A_2051 = arith.constant 15 : i32
    %and3A_2052 = vector.broadcast %and3A_2051 : i32 to vector<16xi32>
    %and3A_2053 = arith.andi %add3A_2050, %and3A_2052 : vector<16xi32>
    %broadcast_in_dim3A_2054 = vector.shape_cast %and3A_2053 : vector<16xi32> to vector<16x1xi32>
    %gather3A_2055 = vector.shape_cast %broadcast_in_dim3A_2054 : vector<16x1xi32> to vector<16xi32>
    %gather3A_2056 = tpu.dynamic_gather %min3A_2047[%gather3A_2055] in [0] : vector<16xi32>, vector<16xi32> -> vector<16xi32>
    %min3A_2057 = arith.minsi %min3A_2047, %gather3A_2056 : vector<16xi32>
    %add3A_2058 = arith.constant 8 : i32
    %add3A_2059 = vector.broadcast %add3A_2058 : i32 to vector<16xi32>
    %add3A_2060 = arith.addi %iota3A, %add3A_2059 : vector<16xi32>
    %and3A_2061 = arith.constant 15 : i32
    %and3A_2062 = vector.broadcast %and3A_2061 : i32 to vector<16xi32>
    %and3A_2063 = arith.andi %add3A_2060, %and3A_2062 : vector<16xi32>
    %broadcast_in_dim3A_2064 = vector.shape_cast %and3A_2063 : vector<16xi32> to vector<16x1xi32>
    %gather3A_2065 = vector.shape_cast %broadcast_in_dim3A_2064 : vector<16x1xi32> to vector<16xi32>
    %gather3A_2066 = tpu.dynamic_gather %min3A_2057[%gather3A_2065] in [0] : vector<16xi32>, vector<16xi32> -> vector<16xi32>
    %min3A_2067 = arith.minsi %min3A_2057, %gather3A_2066 : vector<16xi32>
    %eq3A_2068 = arith.constant 5 : i32
    %eq3A_2069 = vector.broadcast %eq3A_2068 : i32 to vector<16xi32>
    %eq3A_2070 = arith.cmpi eq, %iota3A, %eq3A_2069 : vector<16xi32>
    %select_n3A_2071 = arith.select %eq3A_2070, %max3A_2005, %select_n3A_1942 : vector<16xi1>, vector<16xf32>
    %eq3A_2072 = arith.constant 5 : i32
    %eq3A_2073 = vector.broadcast %eq3A_2072 : i32 to vector<16xi32>
    %eq3A_2074 = arith.cmpi eq, %iota3A, %eq3A_2073 : vector<16xi32>
    %select_n3A_2075 = arith.select %eq3A_2074, %min3A_2067, %select_n3A_1946 : vector<16xi1>, vector<16xi32>
    %eq3A_2076 = arith.cmpi eq, %add3A_1304, %min3A_2067 : vector<16xi32>
    %jit3A_2077 = arith.constant -3.000000e+38 : f32
    %broadcast_in_dim3A_2078 = vector.broadcast %jit3A_2077 : f32 to vector<16xf32>
    %select_n3A_2079 = arith.select %eq3A_2076, %broadcast_in_dim3A_2078, %select_n3A_1950 : vector<16xi1>, vector<16xf32>
    %eq3A_2080 = arith.cmpi eq, %add3A_1307, %min3A_2067 : vector<16xi32>
    %jit3A_2081 = arith.constant -3.000000e+38 : f32
    %broadcast_in_dim3A_2082 = vector.broadcast %jit3A_2081 : f32 to vector<16xf32>
    %select_n3A_2083 = arith.select %eq3A_2080, %broadcast_in_dim3A_2082, %select_n3A_1954 : vector<16xi1>, vector<16xf32>
    %eq3A_2084 = arith.cmpi eq, %add3A_1310, %min3A_2067 : vector<16xi32>
    %jit3A_2085 = arith.constant -3.000000e+38 : f32
    %broadcast_in_dim3A_2086 = vector.broadcast %jit3A_2085 : f32 to vector<16xf32>
    %select_n3A_2087 = arith.select %eq3A_2084, %broadcast_in_dim3A_2086, %select_n3A_1958 : vector<16xi1>, vector<16xf32>
    %eq3A_2088 = arith.cmpi eq, %add3A_1313, %min3A_2067 : vector<16xi32>
    %jit3A_2089 = arith.constant -3.000000e+38 : f32
    %broadcast_in_dim3A_2090 = vector.broadcast %jit3A_2089 : f32 to vector<16xf32>
    %select_n3A_2091 = arith.select %eq3A_2088, %broadcast_in_dim3A_2090, %select_n3A_1962 : vector<16xi1>, vector<16xf32>
    %max3A_2092 = arith.maximumf %select_n3A_2079, %select_n3A_2083 : vector<16xf32>
    %max3A_2093 = arith.maximumf %max3A_2092, %select_n3A_2087 : vector<16xf32>
    %max3A_2094 = arith.maximumf %max3A_2093, %select_n3A_2091 : vector<16xf32>
    %add3A_2095 = arith.constant 1 : i32
    %add3A_2096 = vector.broadcast %add3A_2095 : i32 to vector<16xi32>
    %add3A_2097 = arith.addi %iota3A, %add3A_2096 : vector<16xi32>
    %and3A_2098 = arith.constant 15 : i32
    %and3A_2099 = vector.broadcast %and3A_2098 : i32 to vector<16xi32>
    %and3A_2100 = arith.andi %add3A_2097, %and3A_2099 : vector<16xi32>
    %broadcast_in_dim3A_2101 = vector.shape_cast %and3A_2100 : vector<16xi32> to vector<16x1xi32>
    %gather3A_2102 = vector.shape_cast %broadcast_in_dim3A_2101 : vector<16x1xi32> to vector<16xi32>
    %gather3A_2103 = tpu.dynamic_gather %max3A_2094[%gather3A_2102] in [0] : vector<16xf32>, vector<16xi32> -> vector<16xf32>
    %max3A_2104 = arith.maximumf %max3A_2094, %gather3A_2103 : vector<16xf32>
    %add3A_2105 = arith.constant 2 : i32
    %add3A_2106 = vector.broadcast %add3A_2105 : i32 to vector<16xi32>
    %add3A_2107 = arith.addi %iota3A, %add3A_2106 : vector<16xi32>
    %and3A_2108 = arith.constant 15 : i32
    %and3A_2109 = vector.broadcast %and3A_2108 : i32 to vector<16xi32>
    %and3A_2110 = arith.andi %add3A_2107, %and3A_2109 : vector<16xi32>
    %broadcast_in_dim3A_2111 = vector.shape_cast %and3A_2110 : vector<16xi32> to vector<16x1xi32>
    %gather3A_2112 = vector.shape_cast %broadcast_in_dim3A_2111 : vector<16x1xi32> to vector<16xi32>
    %gather3A_2113 = tpu.dynamic_gather %max3A_2104[%gather3A_2112] in [0] : vector<16xf32>, vector<16xi32> -> vector<16xf32>
    %max3A_2114 = arith.maximumf %max3A_2104, %gather3A_2113 : vector<16xf32>
    %add3A_2115 = arith.constant 4 : i32
    %add3A_2116 = vector.broadcast %add3A_2115 : i32 to vector<16xi32>
    %add3A_2117 = arith.addi %iota3A, %add3A_2116 : vector<16xi32>
    %and3A_2118 = arith.constant 15 : i32
    %and3A_2119 = vector.broadcast %and3A_2118 : i32 to vector<16xi32>
    %and3A_2120 = arith.andi %add3A_2117, %and3A_2119 : vector<16xi32>
    %broadcast_in_dim3A_2121 = vector.shape_cast %and3A_2120 : vector<16xi32> to vector<16x1xi32>
    %gather3A_2122 = vector.shape_cast %broadcast_in_dim3A_2121 : vector<16x1xi32> to vector<16xi32>
    %gather3A_2123 = tpu.dynamic_gather %max3A_2114[%gather3A_2122] in [0] : vector<16xf32>, vector<16xi32> -> vector<16xf32>
    %max3A_2124 = arith.maximumf %max3A_2114, %gather3A_2123 : vector<16xf32>
    %add3A_2125 = arith.constant 8 : i32
    %add3A_2126 = vector.broadcast %add3A_2125 : i32 to vector<16xi32>
    %add3A_2127 = arith.addi %iota3A, %add3A_2126 : vector<16xi32>
    %and3A_2128 = arith.constant 15 : i32
    %and3A_2129 = vector.broadcast %and3A_2128 : i32 to vector<16xi32>
    %and3A_2130 = arith.andi %add3A_2127, %and3A_2129 : vector<16xi32>
    %broadcast_in_dim3A_2131 = vector.shape_cast %and3A_2130 : vector<16xi32> to vector<16x1xi32>
    %gather3A_2132 = vector.shape_cast %broadcast_in_dim3A_2131 : vector<16x1xi32> to vector<16xi32>
    %gather3A_2133 = tpu.dynamic_gather %max3A_2124[%gather3A_2132] in [0] : vector<16xf32>, vector<16xi32> -> vector<16xf32>
    %max3A_2134 = arith.maximumf %max3A_2124, %gather3A_2133 : vector<16xf32>
    %broadcast_in_dim3A_2135 = arith.constant 128 : i32
    %broadcast_in_dim3A_2136 = vector.broadcast %broadcast_in_dim3A_2135 : i32 to vector<16xi32>
    %eq3A_2137 = arith.cmpf oeq, %select_n3A_2079, %max3A_2134 : vector<16xf32>
    %jit3A_2138 = arith.constant 128 : i32
    %broadcast_in_dim3A_2139 = vector.broadcast %jit3A_2138 : i32 to vector<16xi32>
    %select_n3A_2140 = arith.select %eq3A_2137, %add3A_1304, %broadcast_in_dim3A_2139 : vector<16xi1>, vector<16xi32>
    %min3A_2141 = arith.minsi %broadcast_in_dim3A_2136, %select_n3A_2140 : vector<16xi32>
    %eq3A_2142 = arith.cmpf oeq, %select_n3A_2083, %max3A_2134 : vector<16xf32>
    %jit3A_2143 = arith.constant 128 : i32
    %broadcast_in_dim3A_2144 = vector.broadcast %jit3A_2143 : i32 to vector<16xi32>
    %select_n3A_2145 = arith.select %eq3A_2142, %add3A_1307, %broadcast_in_dim3A_2144 : vector<16xi1>, vector<16xi32>
    %min3A_2146 = arith.minsi %min3A_2141, %select_n3A_2145 : vector<16xi32>
    %eq3A_2147 = arith.cmpf oeq, %select_n3A_2087, %max3A_2134 : vector<16xf32>
    %jit3A_2148 = arith.constant 128 : i32
    %broadcast_in_dim3A_2149 = vector.broadcast %jit3A_2148 : i32 to vector<16xi32>
    %select_n3A_2150 = arith.select %eq3A_2147, %add3A_1310, %broadcast_in_dim3A_2149 : vector<16xi1>, vector<16xi32>
    %min3A_2151 = arith.minsi %min3A_2146, %select_n3A_2150 : vector<16xi32>
    %eq3A_2152 = arith.cmpf oeq, %select_n3A_2091, %max3A_2134 : vector<16xf32>
    %jit3A_2153 = arith.constant 128 : i32
    %broadcast_in_dim3A_2154 = vector.broadcast %jit3A_2153 : i32 to vector<16xi32>
    %select_n3A_2155 = arith.select %eq3A_2152, %add3A_1313, %broadcast_in_dim3A_2154 : vector<16xi1>, vector<16xi32>
    %min3A_2156 = arith.minsi %min3A_2151, %select_n3A_2155 : vector<16xi32>
    %add3A_2157 = arith.constant 1 : i32
    %add3A_2158 = vector.broadcast %add3A_2157 : i32 to vector<16xi32>
    %add3A_2159 = arith.addi %iota3A, %add3A_2158 : vector<16xi32>
    %and3A_2160 = arith.constant 15 : i32
    %and3A_2161 = vector.broadcast %and3A_2160 : i32 to vector<16xi32>
    %and3A_2162 = arith.andi %add3A_2159, %and3A_2161 : vector<16xi32>
    %broadcast_in_dim3A_2163 = vector.shape_cast %and3A_2162 : vector<16xi32> to vector<16x1xi32>
    %gather3A_2164 = vector.shape_cast %broadcast_in_dim3A_2163 : vector<16x1xi32> to vector<16xi32>
    %gather3A_2165 = tpu.dynamic_gather %min3A_2156[%gather3A_2164] in [0] : vector<16xi32>, vector<16xi32> -> vector<16xi32>
    %min3A_2166 = arith.minsi %min3A_2156, %gather3A_2165 : vector<16xi32>
    %add3A_2167 = arith.constant 2 : i32
    %add3A_2168 = vector.broadcast %add3A_2167 : i32 to vector<16xi32>
    %add3A_2169 = arith.addi %iota3A, %add3A_2168 : vector<16xi32>
    %and3A_2170 = arith.constant 15 : i32
    %and3A_2171 = vector.broadcast %and3A_2170 : i32 to vector<16xi32>
    %and3A_2172 = arith.andi %add3A_2169, %and3A_2171 : vector<16xi32>
    %broadcast_in_dim3A_2173 = vector.shape_cast %and3A_2172 : vector<16xi32> to vector<16x1xi32>
    %gather3A_2174 = vector.shape_cast %broadcast_in_dim3A_2173 : vector<16x1xi32> to vector<16xi32>
    %gather3A_2175 = tpu.dynamic_gather %min3A_2166[%gather3A_2174] in [0] : vector<16xi32>, vector<16xi32> -> vector<16xi32>
    %min3A_2176 = arith.minsi %min3A_2166, %gather3A_2175 : vector<16xi32>
    %add3A_2177 = arith.constant 4 : i32
    %add3A_2178 = vector.broadcast %add3A_2177 : i32 to vector<16xi32>
    %add3A_2179 = arith.addi %iota3A, %add3A_2178 : vector<16xi32>
    %and3A_2180 = arith.constant 15 : i32
    %and3A_2181 = vector.broadcast %and3A_2180 : i32 to vector<16xi32>
    %and3A_2182 = arith.andi %add3A_2179, %and3A_2181 : vector<16xi32>
    %broadcast_in_dim3A_2183 = vector.shape_cast %and3A_2182 : vector<16xi32> to vector<16x1xi32>
    %gather3A_2184 = vector.shape_cast %broadcast_in_dim3A_2183 : vector<16x1xi32> to vector<16xi32>
    %gather3A_2185 = tpu.dynamic_gather %min3A_2176[%gather3A_2184] in [0] : vector<16xi32>, vector<16xi32> -> vector<16xi32>
    %min3A_2186 = arith.minsi %min3A_2176, %gather3A_2185 : vector<16xi32>
    %add3A_2187 = arith.constant 8 : i32
    %add3A_2188 = vector.broadcast %add3A_2187 : i32 to vector<16xi32>
    %add3A_2189 = arith.addi %iota3A, %add3A_2188 : vector<16xi32>
    %and3A_2190 = arith.constant 15 : i32
    %and3A_2191 = vector.broadcast %and3A_2190 : i32 to vector<16xi32>
    %and3A_2192 = arith.andi %add3A_2189, %and3A_2191 : vector<16xi32>
    %broadcast_in_dim3A_2193 = vector.shape_cast %and3A_2192 : vector<16xi32> to vector<16x1xi32>
    %gather3A_2194 = vector.shape_cast %broadcast_in_dim3A_2193 : vector<16x1xi32> to vector<16xi32>
    %gather3A_2195 = tpu.dynamic_gather %min3A_2186[%gather3A_2194] in [0] : vector<16xi32>, vector<16xi32> -> vector<16xi32>
    %min3A_2196 = arith.minsi %min3A_2186, %gather3A_2195 : vector<16xi32>
    %eq3A_2197 = arith.constant 6 : i32
    %eq3A_2198 = vector.broadcast %eq3A_2197 : i32 to vector<16xi32>
    %eq3A_2199 = arith.cmpi eq, %iota3A, %eq3A_2198 : vector<16xi32>
    %select_n3A_2200 = arith.select %eq3A_2199, %max3A_2134, %select_n3A_2071 : vector<16xi1>, vector<16xf32>
    %eq3A_2201 = arith.constant 6 : i32
    %eq3A_2202 = vector.broadcast %eq3A_2201 : i32 to vector<16xi32>
    %eq3A_2203 = arith.cmpi eq, %iota3A, %eq3A_2202 : vector<16xi32>
    %select_n3A_2204 = arith.select %eq3A_2203, %min3A_2196, %select_n3A_2075 : vector<16xi1>, vector<16xi32>
    %eq3A_2205 = arith.cmpi eq, %add3A_1304, %min3A_2196 : vector<16xi32>
    %jit3A_2206 = arith.constant -3.000000e+38 : f32
    %broadcast_in_dim3A_2207 = vector.broadcast %jit3A_2206 : f32 to vector<16xf32>
    %select_n3A_2208 = arith.select %eq3A_2205, %broadcast_in_dim3A_2207, %select_n3A_2079 : vector<16xi1>, vector<16xf32>
    %eq3A_2209 = arith.cmpi eq, %add3A_1307, %min3A_2196 : vector<16xi32>
    %jit3A_2210 = arith.constant -3.000000e+38 : f32
    %broadcast_in_dim3A_2211 = vector.broadcast %jit3A_2210 : f32 to vector<16xf32>
    %select_n3A_2212 = arith.select %eq3A_2209, %broadcast_in_dim3A_2211, %select_n3A_2083 : vector<16xi1>, vector<16xf32>
    %eq3A_2213 = arith.cmpi eq, %add3A_1310, %min3A_2196 : vector<16xi32>
    %jit3A_2214 = arith.constant -3.000000e+38 : f32
    %broadcast_in_dim3A_2215 = vector.broadcast %jit3A_2214 : f32 to vector<16xf32>
    %select_n3A_2216 = arith.select %eq3A_2213, %broadcast_in_dim3A_2215, %select_n3A_2087 : vector<16xi1>, vector<16xf32>
    %eq3A_2217 = arith.cmpi eq, %add3A_1313, %min3A_2196 : vector<16xi32>
    %jit3A_2218 = arith.constant -3.000000e+38 : f32
    %broadcast_in_dim3A_2219 = vector.broadcast %jit3A_2218 : f32 to vector<16xf32>
    %select_n3A_2220 = arith.select %eq3A_2217, %broadcast_in_dim3A_2219, %select_n3A_2091 : vector<16xi1>, vector<16xf32>
    %max3A_2221 = arith.maximumf %select_n3A_2208, %select_n3A_2212 : vector<16xf32>
    %max3A_2222 = arith.maximumf %max3A_2221, %select_n3A_2216 : vector<16xf32>
    %max3A_2223 = arith.maximumf %max3A_2222, %select_n3A_2220 : vector<16xf32>
    %add3A_2224 = arith.constant 1 : i32
    %add3A_2225 = vector.broadcast %add3A_2224 : i32 to vector<16xi32>
    %add3A_2226 = arith.addi %iota3A, %add3A_2225 : vector<16xi32>
    %and3A_2227 = arith.constant 15 : i32
    %and3A_2228 = vector.broadcast %and3A_2227 : i32 to vector<16xi32>
    %and3A_2229 = arith.andi %add3A_2226, %and3A_2228 : vector<16xi32>
    %broadcast_in_dim3A_2230 = vector.shape_cast %and3A_2229 : vector<16xi32> to vector<16x1xi32>
    %gather3A_2231 = vector.shape_cast %broadcast_in_dim3A_2230 : vector<16x1xi32> to vector<16xi32>
    %gather3A_2232 = tpu.dynamic_gather %max3A_2223[%gather3A_2231] in [0] : vector<16xf32>, vector<16xi32> -> vector<16xf32>
    %max3A_2233 = arith.maximumf %max3A_2223, %gather3A_2232 : vector<16xf32>
    %add3A_2234 = arith.constant 2 : i32
    %add3A_2235 = vector.broadcast %add3A_2234 : i32 to vector<16xi32>
    %add3A_2236 = arith.addi %iota3A, %add3A_2235 : vector<16xi32>
    %and3A_2237 = arith.constant 15 : i32
    %and3A_2238 = vector.broadcast %and3A_2237 : i32 to vector<16xi32>
    %and3A_2239 = arith.andi %add3A_2236, %and3A_2238 : vector<16xi32>
    %broadcast_in_dim3A_2240 = vector.shape_cast %and3A_2239 : vector<16xi32> to vector<16x1xi32>
    %gather3A_2241 = vector.shape_cast %broadcast_in_dim3A_2240 : vector<16x1xi32> to vector<16xi32>
    %gather3A_2242 = tpu.dynamic_gather %max3A_2233[%gather3A_2241] in [0] : vector<16xf32>, vector<16xi32> -> vector<16xf32>
    %max3A_2243 = arith.maximumf %max3A_2233, %gather3A_2242 : vector<16xf32>
    %add3A_2244 = arith.constant 4 : i32
    %add3A_2245 = vector.broadcast %add3A_2244 : i32 to vector<16xi32>
    %add3A_2246 = arith.addi %iota3A, %add3A_2245 : vector<16xi32>
    %and3A_2247 = arith.constant 15 : i32
    %and3A_2248 = vector.broadcast %and3A_2247 : i32 to vector<16xi32>
    %and3A_2249 = arith.andi %add3A_2246, %and3A_2248 : vector<16xi32>
    %broadcast_in_dim3A_2250 = vector.shape_cast %and3A_2249 : vector<16xi32> to vector<16x1xi32>
    %gather3A_2251 = vector.shape_cast %broadcast_in_dim3A_2250 : vector<16x1xi32> to vector<16xi32>
    %gather3A_2252 = tpu.dynamic_gather %max3A_2243[%gather3A_2251] in [0] : vector<16xf32>, vector<16xi32> -> vector<16xf32>
    %max3A_2253 = arith.maximumf %max3A_2243, %gather3A_2252 : vector<16xf32>
    %add3A_2254 = arith.constant 8 : i32
    %add3A_2255 = vector.broadcast %add3A_2254 : i32 to vector<16xi32>
    %add3A_2256 = arith.addi %iota3A, %add3A_2255 : vector<16xi32>
    %and3A_2257 = arith.constant 15 : i32
    %and3A_2258 = vector.broadcast %and3A_2257 : i32 to vector<16xi32>
    %and3A_2259 = arith.andi %add3A_2256, %and3A_2258 : vector<16xi32>
    %broadcast_in_dim3A_2260 = vector.shape_cast %and3A_2259 : vector<16xi32> to vector<16x1xi32>
    %gather3A_2261 = vector.shape_cast %broadcast_in_dim3A_2260 : vector<16x1xi32> to vector<16xi32>
    %gather3A_2262 = tpu.dynamic_gather %max3A_2253[%gather3A_2261] in [0] : vector<16xf32>, vector<16xi32> -> vector<16xf32>
    %max3A_2263 = arith.maximumf %max3A_2253, %gather3A_2262 : vector<16xf32>
    %broadcast_in_dim3A_2264 = arith.constant 128 : i32
    %broadcast_in_dim3A_2265 = vector.broadcast %broadcast_in_dim3A_2264 : i32 to vector<16xi32>
    %eq3A_2266 = arith.cmpf oeq, %select_n3A_2208, %max3A_2263 : vector<16xf32>
    %jit3A_2267 = arith.constant 128 : i32
    %broadcast_in_dim3A_2268 = vector.broadcast %jit3A_2267 : i32 to vector<16xi32>
    %select_n3A_2269 = arith.select %eq3A_2266, %add3A_1304, %broadcast_in_dim3A_2268 : vector<16xi1>, vector<16xi32>
    %min3A_2270 = arith.minsi %broadcast_in_dim3A_2265, %select_n3A_2269 : vector<16xi32>
    %eq3A_2271 = arith.cmpf oeq, %select_n3A_2212, %max3A_2263 : vector<16xf32>
    %jit3A_2272 = arith.constant 128 : i32
    %broadcast_in_dim3A_2273 = vector.broadcast %jit3A_2272 : i32 to vector<16xi32>
    %select_n3A_2274 = arith.select %eq3A_2271, %add3A_1307, %broadcast_in_dim3A_2273 : vector<16xi1>, vector<16xi32>
    %min3A_2275 = arith.minsi %min3A_2270, %select_n3A_2274 : vector<16xi32>
    %eq3A_2276 = arith.cmpf oeq, %select_n3A_2216, %max3A_2263 : vector<16xf32>
    %jit3A_2277 = arith.constant 128 : i32
    %broadcast_in_dim3A_2278 = vector.broadcast %jit3A_2277 : i32 to vector<16xi32>
    %select_n3A_2279 = arith.select %eq3A_2276, %add3A_1310, %broadcast_in_dim3A_2278 : vector<16xi1>, vector<16xi32>
    %min3A_2280 = arith.minsi %min3A_2275, %select_n3A_2279 : vector<16xi32>
    %eq3A_2281 = arith.cmpf oeq, %select_n3A_2220, %max3A_2263 : vector<16xf32>
    %jit3A_2282 = arith.constant 128 : i32
    %broadcast_in_dim3A_2283 = vector.broadcast %jit3A_2282 : i32 to vector<16xi32>
    %select_n3A_2284 = arith.select %eq3A_2281, %add3A_1313, %broadcast_in_dim3A_2283 : vector<16xi1>, vector<16xi32>
    %min3A_2285 = arith.minsi %min3A_2280, %select_n3A_2284 : vector<16xi32>
    %add3A_2286 = arith.constant 1 : i32
    %add3A_2287 = vector.broadcast %add3A_2286 : i32 to vector<16xi32>
    %add3A_2288 = arith.addi %iota3A, %add3A_2287 : vector<16xi32>
    %and3A_2289 = arith.constant 15 : i32
    %and3A_2290 = vector.broadcast %and3A_2289 : i32 to vector<16xi32>
    %and3A_2291 = arith.andi %add3A_2288, %and3A_2290 : vector<16xi32>
    %broadcast_in_dim3A_2292 = vector.shape_cast %and3A_2291 : vector<16xi32> to vector<16x1xi32>
    %gather3A_2293 = vector.shape_cast %broadcast_in_dim3A_2292 : vector<16x1xi32> to vector<16xi32>
    %gather3A_2294 = tpu.dynamic_gather %min3A_2285[%gather3A_2293] in [0] : vector<16xi32>, vector<16xi32> -> vector<16xi32>
    %min3A_2295 = arith.minsi %min3A_2285, %gather3A_2294 : vector<16xi32>
    %add3A_2296 = arith.constant 2 : i32
    %add3A_2297 = vector.broadcast %add3A_2296 : i32 to vector<16xi32>
    %add3A_2298 = arith.addi %iota3A, %add3A_2297 : vector<16xi32>
    %and3A_2299 = arith.constant 15 : i32
    %and3A_2300 = vector.broadcast %and3A_2299 : i32 to vector<16xi32>
    %and3A_2301 = arith.andi %add3A_2298, %and3A_2300 : vector<16xi32>
    %broadcast_in_dim3A_2302 = vector.shape_cast %and3A_2301 : vector<16xi32> to vector<16x1xi32>
    %gather3A_2303 = vector.shape_cast %broadcast_in_dim3A_2302 : vector<16x1xi32> to vector<16xi32>
    %gather3A_2304 = tpu.dynamic_gather %min3A_2295[%gather3A_2303] in [0] : vector<16xi32>, vector<16xi32> -> vector<16xi32>
    %min3A_2305 = arith.minsi %min3A_2295, %gather3A_2304 : vector<16xi32>
    %add3A_2306 = arith.constant 4 : i32
    %add3A_2307 = vector.broadcast %add3A_2306 : i32 to vector<16xi32>
    %add3A_2308 = arith.addi %iota3A, %add3A_2307 : vector<16xi32>
    %and3A_2309 = arith.constant 15 : i32
    %and3A_2310 = vector.broadcast %and3A_2309 : i32 to vector<16xi32>
    %and3A_2311 = arith.andi %add3A_2308, %and3A_2310 : vector<16xi32>
    %broadcast_in_dim3A_2312 = vector.shape_cast %and3A_2311 : vector<16xi32> to vector<16x1xi32>
    %gather3A_2313 = vector.shape_cast %broadcast_in_dim3A_2312 : vector<16x1xi32> to vector<16xi32>
    %gather3A_2314 = tpu.dynamic_gather %min3A_2305[%gather3A_2313] in [0] : vector<16xi32>, vector<16xi32> -> vector<16xi32>
    %min3A_2315 = arith.minsi %min3A_2305, %gather3A_2314 : vector<16xi32>
    %add3A_2316 = arith.constant 8 : i32
    %add3A_2317 = vector.broadcast %add3A_2316 : i32 to vector<16xi32>
    %add3A_2318 = arith.addi %iota3A, %add3A_2317 : vector<16xi32>
    %and3A_2319 = arith.constant 15 : i32
    %and3A_2320 = vector.broadcast %and3A_2319 : i32 to vector<16xi32>
    %and3A_2321 = arith.andi %add3A_2318, %and3A_2320 : vector<16xi32>
    %broadcast_in_dim3A_2322 = vector.shape_cast %and3A_2321 : vector<16xi32> to vector<16x1xi32>
    %gather3A_2323 = vector.shape_cast %broadcast_in_dim3A_2322 : vector<16x1xi32> to vector<16xi32>
    %gather3A_2324 = tpu.dynamic_gather %min3A_2315[%gather3A_2323] in [0] : vector<16xi32>, vector<16xi32> -> vector<16xi32>
    %min3A_2325 = arith.minsi %min3A_2315, %gather3A_2324 : vector<16xi32>
    %eq3A_2326 = arith.constant 7 : i32
    %eq3A_2327 = vector.broadcast %eq3A_2326 : i32 to vector<16xi32>
    %eq3A_2328 = arith.cmpi eq, %iota3A, %eq3A_2327 : vector<16xi32>
    %select_n3A_2329 = arith.select %eq3A_2328, %max3A_2263, %select_n3A_2200 : vector<16xi1>, vector<16xf32>
    %eq3A_2330 = arith.constant 7 : i32
    %eq3A_2331 = vector.broadcast %eq3A_2330 : i32 to vector<16xi32>
    %eq3A_2332 = arith.cmpi eq, %iota3A, %eq3A_2331 : vector<16xi32>
    %select_n3A_2333 = arith.select %eq3A_2332, %min3A_2325, %select_n3A_2204 : vector<16xi1>, vector<16xi32>
    %eq3A_2334 = arith.cmpi eq, %add3A_1304, %min3A_2325 : vector<16xi32>
    %jit3A_2335 = arith.constant -3.000000e+38 : f32
    %broadcast_in_dim3A_2336 = vector.broadcast %jit3A_2335 : f32 to vector<16xf32>
    %select_n3A_2337 = arith.select %eq3A_2334, %broadcast_in_dim3A_2336, %select_n3A_2208 : vector<16xi1>, vector<16xf32>
    %eq3A_2338 = arith.cmpi eq, %add3A_1307, %min3A_2325 : vector<16xi32>
    %jit3A_2339 = arith.constant -3.000000e+38 : f32
    %broadcast_in_dim3A_2340 = vector.broadcast %jit3A_2339 : f32 to vector<16xf32>
    %select_n3A_2341 = arith.select %eq3A_2338, %broadcast_in_dim3A_2340, %select_n3A_2212 : vector<16xi1>, vector<16xf32>
    %eq3A_2342 = arith.cmpi eq, %add3A_1310, %min3A_2325 : vector<16xi32>
    %jit3A_2343 = arith.constant -3.000000e+38 : f32
    %broadcast_in_dim3A_2344 = vector.broadcast %jit3A_2343 : f32 to vector<16xf32>
    %select_n3A_2345 = arith.select %eq3A_2342, %broadcast_in_dim3A_2344, %select_n3A_2216 : vector<16xi1>, vector<16xf32>
    %eq3A_2346 = arith.cmpi eq, %add3A_1313, %min3A_2325 : vector<16xi32>
    %jit3A_2347 = arith.constant -3.000000e+38 : f32
    %broadcast_in_dim3A_2348 = vector.broadcast %jit3A_2347 : f32 to vector<16xf32>
    %select_n3A_2349 = arith.select %eq3A_2346, %broadcast_in_dim3A_2348, %select_n3A_2220 : vector<16xi1>, vector<16xf32>
    %add3A_2350 = arith.constant 1 : i32
    %add3A_2351 = vector.broadcast %add3A_2350 : i32 to vector<16xi32>
    %add3A_2352 = arith.addi %iota3A, %add3A_2351 : vector<16xi32>
    %and3A_2353 = arith.constant 15 : i32
    %and3A_2354 = vector.broadcast %and3A_2353 : i32 to vector<16xi32>
    %and3A_2355 = arith.andi %add3A_2352, %and3A_2354 : vector<16xi32>
    %broadcast_in_dim3A_2356 = vector.shape_cast %and3A_2355 : vector<16xi32> to vector<16x1xi32>
    %gather3A_2357 = vector.shape_cast %broadcast_in_dim3A_2356 : vector<16x1xi32> to vector<16xi32>
    %gather3A_2358 = tpu.dynamic_gather %select_n3A_2329[%gather3A_2357] in [0] : vector<16xf32>, vector<16xi32> -> vector<16xf32>
    %max3A_2359 = arith.maximumf %select_n3A_2329, %gather3A_2358 : vector<16xf32>
    %add3A_2360 = arith.constant 2 : i32
    %add3A_2361 = vector.broadcast %add3A_2360 : i32 to vector<16xi32>
    %add3A_2362 = arith.addi %iota3A, %add3A_2361 : vector<16xi32>
    %and3A_2363 = arith.constant 15 : i32
    %and3A_2364 = vector.broadcast %and3A_2363 : i32 to vector<16xi32>
    %and3A_2365 = arith.andi %add3A_2362, %and3A_2364 : vector<16xi32>
    %broadcast_in_dim3A_2366 = vector.shape_cast %and3A_2365 : vector<16xi32> to vector<16x1xi32>
    %gather3A_2367 = vector.shape_cast %broadcast_in_dim3A_2366 : vector<16x1xi32> to vector<16xi32>
    %gather3A_2368 = tpu.dynamic_gather %max3A_2359[%gather3A_2367] in [0] : vector<16xf32>, vector<16xi32> -> vector<16xf32>
    %max3A_2369 = arith.maximumf %max3A_2359, %gather3A_2368 : vector<16xf32>
    %add3A_2370 = arith.constant 4 : i32
    %add3A_2371 = vector.broadcast %add3A_2370 : i32 to vector<16xi32>
    %add3A_2372 = arith.addi %iota3A, %add3A_2371 : vector<16xi32>
    %and3A_2373 = arith.constant 15 : i32
    %and3A_2374 = vector.broadcast %and3A_2373 : i32 to vector<16xi32>
    %and3A_2375 = arith.andi %add3A_2372, %and3A_2374 : vector<16xi32>
    %broadcast_in_dim3A_2376 = vector.shape_cast %and3A_2375 : vector<16xi32> to vector<16x1xi32>
    %gather3A_2377 = vector.shape_cast %broadcast_in_dim3A_2376 : vector<16x1xi32> to vector<16xi32>
    %gather3A_2378 = tpu.dynamic_gather %max3A_2369[%gather3A_2377] in [0] : vector<16xf32>, vector<16xi32> -> vector<16xf32>
    %max3A_2379 = arith.maximumf %max3A_2369, %gather3A_2378 : vector<16xf32>
    %add3A_2380 = arith.constant 8 : i32
    %add3A_2381 = vector.broadcast %add3A_2380 : i32 to vector<16xi32>
    %add3A_2382 = arith.addi %iota3A, %add3A_2381 : vector<16xi32>
    %and3A_2383 = arith.constant 15 : i32
    %and3A_2384 = vector.broadcast %and3A_2383 : i32 to vector<16xi32>
    %and3A_2385 = arith.andi %add3A_2382, %and3A_2384 : vector<16xi32>
    %broadcast_in_dim3A_2386 = vector.shape_cast %and3A_2385 : vector<16xi32> to vector<16x1xi32>
    %gather3A_2387 = vector.shape_cast %broadcast_in_dim3A_2386 : vector<16x1xi32> to vector<16xi32>
    %gather3A_2388 = tpu.dynamic_gather %max3A_2379[%gather3A_2387] in [0] : vector<16xf32>, vector<16xi32> -> vector<16xf32>
    %max3A_2389 = arith.maximumf %max3A_2379, %gather3A_2388 : vector<16xf32>
    %sub3A_2390 = arith.subf %select_n3A_2329, %max3A_2389 : vector<16xf32>
    %exp3A_2391 = math.exp %sub3A_2390 : vector<16xf32>
    %lt3A_2392 = arith.constant 8 : i32
    %lt3A_2393 = vector.broadcast %lt3A_2392 : i32 to vector<16xi32>
    %lt3A_2394 = arith.cmpi slt, %iota3A, %lt3A_2393 : vector<16xi32>
    %jit3A_2395 = arith.constant 0.000000e+00 : f32
    %broadcast_in_dim3A_2396 = vector.broadcast %jit3A_2395 : f32 to vector<16xf32>
    %select_n3A_2397 = arith.select %lt3A_2394, %exp3A_2391, %broadcast_in_dim3A_2396 : vector<16xi1>, vector<16xf32>
    %add3A_2398 = arith.constant 1 : i32
    %add3A_2399 = vector.broadcast %add3A_2398 : i32 to vector<16xi32>
    %add3A_2400 = arith.addi %iota3A, %add3A_2399 : vector<16xi32>
    %and3A_2401 = arith.constant 15 : i32
    %and3A_2402 = vector.broadcast %and3A_2401 : i32 to vector<16xi32>
    %and3A_2403 = arith.andi %add3A_2400, %and3A_2402 : vector<16xi32>
    %broadcast_in_dim3A_2404 = vector.shape_cast %and3A_2403 : vector<16xi32> to vector<16x1xi32>
    %gather3A_2405 = vector.shape_cast %broadcast_in_dim3A_2404 : vector<16x1xi32> to vector<16xi32>
    %gather3A_2406 = tpu.dynamic_gather %select_n3A_2397[%gather3A_2405] in [0] : vector<16xf32>, vector<16xi32> -> vector<16xf32>
    %add3A_2407 = arith.addf %select_n3A_2397, %gather3A_2406 : vector<16xf32>
    %add3A_2408 = arith.constant 2 : i32
    %add3A_2409 = vector.broadcast %add3A_2408 : i32 to vector<16xi32>
    %add3A_2410 = arith.addi %iota3A, %add3A_2409 : vector<16xi32>
    %and3A_2411 = arith.constant 15 : i32
    %and3A_2412 = vector.broadcast %and3A_2411 : i32 to vector<16xi32>
    %and3A_2413 = arith.andi %add3A_2410, %and3A_2412 : vector<16xi32>
    %broadcast_in_dim3A_2414 = vector.shape_cast %and3A_2413 : vector<16xi32> to vector<16x1xi32>
    %gather3A_2415 = vector.shape_cast %broadcast_in_dim3A_2414 : vector<16x1xi32> to vector<16xi32>
    %gather3A_2416 = tpu.dynamic_gather %add3A_2407[%gather3A_2415] in [0] : vector<16xf32>, vector<16xi32> -> vector<16xf32>
    %add3A_2417 = arith.addf %add3A_2407, %gather3A_2416 : vector<16xf32>
    %add3A_2418 = arith.constant 4 : i32
    %add3A_2419 = vector.broadcast %add3A_2418 : i32 to vector<16xi32>
    %add3A_2420 = arith.addi %iota3A, %add3A_2419 : vector<16xi32>
    %and3A_2421 = arith.constant 15 : i32
    %and3A_2422 = vector.broadcast %and3A_2421 : i32 to vector<16xi32>
    %and3A_2423 = arith.andi %add3A_2420, %and3A_2422 : vector<16xi32>
    %broadcast_in_dim3A_2424 = vector.shape_cast %and3A_2423 : vector<16xi32> to vector<16x1xi32>
    %gather3A_2425 = vector.shape_cast %broadcast_in_dim3A_2424 : vector<16x1xi32> to vector<16xi32>
    %gather3A_2426 = tpu.dynamic_gather %add3A_2417[%gather3A_2425] in [0] : vector<16xf32>, vector<16xi32> -> vector<16xf32>
    %add3A_2427 = arith.addf %add3A_2417, %gather3A_2426 : vector<16xf32>
    %add3A_2428 = arith.constant 8 : i32
    %add3A_2429 = vector.broadcast %add3A_2428 : i32 to vector<16xi32>
    %add3A_2430 = arith.addi %iota3A, %add3A_2429 : vector<16xi32>
    %and3A_2431 = arith.constant 15 : i32
    %and3A_2432 = vector.broadcast %and3A_2431 : i32 to vector<16xi32>
    %and3A_2433 = arith.andi %add3A_2430, %and3A_2432 : vector<16xi32>
    %broadcast_in_dim3A_2434 = vector.shape_cast %and3A_2433 : vector<16xi32> to vector<16x1xi32>
    %gather3A_2435 = vector.shape_cast %broadcast_in_dim3A_2434 : vector<16x1xi32> to vector<16xi32>
    %gather3A_2436 = tpu.dynamic_gather %add3A_2427[%gather3A_2435] in [0] : vector<16xf32>, vector<16xi32> -> vector<16xf32>
    %add3A_2437 = arith.addf %add3A_2427, %gather3A_2436 : vector<16xf32>
    %div3A_2438 = arith.divf %select_n3A_2397, %add3A_2437 : vector<16xf32>
    %broadcast_in_dim3A_2439 = arith.constant 0 : i32
    %broadcast_in_dim3A_2440 = vector.broadcast %broadcast_in_dim3A_2439 : i32 to vector<16xi32>
    %broadcast_in_dim3A_2441 = vector.shape_cast %broadcast_in_dim3A_2440 : vector<16xi32> to vector<16x1xi32>
    %gather3A_2442 = vector.shape_cast %broadcast_in_dim3A_2441 : vector<16x1xi32> to vector<16xi32>
    %gather3A_2443 = tpu.dynamic_gather %select_n3A_2333[%gather3A_2442] in [0] : vector<16xi32>, vector<16xi32> -> vector<16xi32>
    %broadcast_in_dim3A_2444 = vector.shape_cast %broadcast_in_dim3A_2440 : vector<16xi32> to vector<16x1xi32>
    %gather3A_2445 = vector.shape_cast %broadcast_in_dim3A_2444 : vector<16x1xi32> to vector<16xi32>
    %gather3A_2446 = tpu.dynamic_gather %div3A_2438[%gather3A_2445] in [0] : vector<16xf32>, vector<16xi32> -> vector<16xf32>
    %eq3A_2447 = arith.cmpi eq, %add3A_1304, %gather3A_2443 : vector<16xi32>
    %select_n3A_2448 = arith.select %eq3A_2447, %gather3A_2446, %broadcast_in_dim3A_1 : vector<16xi1>, vector<16xf32>
    %eq3A_2449 = arith.cmpi eq, %add3A_1307, %gather3A_2443 : vector<16xi32>
    %select_n3A_2450 = arith.select %eq3A_2449, %gather3A_2446, %broadcast_in_dim3A_1 : vector<16xi1>, vector<16xf32>
    %eq3A_2451 = arith.cmpi eq, %add3A_1310, %gather3A_2443 : vector<16xi32>
    %select_n3A_2452 = arith.select %eq3A_2451, %gather3A_2446, %broadcast_in_dim3A_1 : vector<16xi1>, vector<16xf32>
    %eq3A_2453 = arith.cmpi eq, %add3A_1313, %gather3A_2443 : vector<16xi32>
    %select_n3A_2454 = arith.select %eq3A_2453, %gather3A_2446, %broadcast_in_dim3A_1 : vector<16xi1>, vector<16xf32>
    %broadcast_in_dim3A_2455 = arith.constant 1 : i32
    %broadcast_in_dim3A_2456 = vector.broadcast %broadcast_in_dim3A_2455 : i32 to vector<16xi32>
    %broadcast_in_dim3A_2457 = vector.shape_cast %broadcast_in_dim3A_2456 : vector<16xi32> to vector<16x1xi32>
    %gather3A_2458 = vector.shape_cast %broadcast_in_dim3A_2457 : vector<16x1xi32> to vector<16xi32>
    %gather3A_2459 = tpu.dynamic_gather %select_n3A_2333[%gather3A_2458] in [0] : vector<16xi32>, vector<16xi32> -> vector<16xi32>
    %broadcast_in_dim3A_2460 = vector.shape_cast %broadcast_in_dim3A_2456 : vector<16xi32> to vector<16x1xi32>
    %gather3A_2461 = vector.shape_cast %broadcast_in_dim3A_2460 : vector<16x1xi32> to vector<16xi32>
    %gather3A_2462 = tpu.dynamic_gather %div3A_2438[%gather3A_2461] in [0] : vector<16xf32>, vector<16xi32> -> vector<16xf32>
    %eq3A_2463 = arith.cmpi eq, %add3A_1304, %gather3A_2459 : vector<16xi32>
    %select_n3A_2464 = arith.select %eq3A_2463, %gather3A_2462, %select_n3A_2448 : vector<16xi1>, vector<16xf32>
    %eq3A_2465 = arith.cmpi eq, %add3A_1307, %gather3A_2459 : vector<16xi32>
    %select_n3A_2466 = arith.select %eq3A_2465, %gather3A_2462, %select_n3A_2450 : vector<16xi1>, vector<16xf32>
    %eq3A_2467 = arith.cmpi eq, %add3A_1310, %gather3A_2459 : vector<16xi32>
    %select_n3A_2468 = arith.select %eq3A_2467, %gather3A_2462, %select_n3A_2452 : vector<16xi1>, vector<16xf32>
    %eq3A_2469 = arith.cmpi eq, %add3A_1313, %gather3A_2459 : vector<16xi32>
    %select_n3A_2470 = arith.select %eq3A_2469, %gather3A_2462, %select_n3A_2454 : vector<16xi1>, vector<16xf32>
    %broadcast_in_dim3A_2471 = arith.constant 2 : i32
    %broadcast_in_dim3A_2472 = vector.broadcast %broadcast_in_dim3A_2471 : i32 to vector<16xi32>
    %broadcast_in_dim3A_2473 = vector.shape_cast %broadcast_in_dim3A_2472 : vector<16xi32> to vector<16x1xi32>
    %gather3A_2474 = vector.shape_cast %broadcast_in_dim3A_2473 : vector<16x1xi32> to vector<16xi32>
    %gather3A_2475 = tpu.dynamic_gather %select_n3A_2333[%gather3A_2474] in [0] : vector<16xi32>, vector<16xi32> -> vector<16xi32>
    %broadcast_in_dim3A_2476 = vector.shape_cast %broadcast_in_dim3A_2472 : vector<16xi32> to vector<16x1xi32>
    %gather3A_2477 = vector.shape_cast %broadcast_in_dim3A_2476 : vector<16x1xi32> to vector<16xi32>
    %gather3A_2478 = tpu.dynamic_gather %div3A_2438[%gather3A_2477] in [0] : vector<16xf32>, vector<16xi32> -> vector<16xf32>
    %eq3A_2479 = arith.cmpi eq, %add3A_1304, %gather3A_2475 : vector<16xi32>
    %select_n3A_2480 = arith.select %eq3A_2479, %gather3A_2478, %select_n3A_2464 : vector<16xi1>, vector<16xf32>
    %eq3A_2481 = arith.cmpi eq, %add3A_1307, %gather3A_2475 : vector<16xi32>
    %select_n3A_2482 = arith.select %eq3A_2481, %gather3A_2478, %select_n3A_2466 : vector<16xi1>, vector<16xf32>
    %eq3A_2483 = arith.cmpi eq, %add3A_1310, %gather3A_2475 : vector<16xi32>
    %select_n3A_2484 = arith.select %eq3A_2483, %gather3A_2478, %select_n3A_2468 : vector<16xi1>, vector<16xf32>
    %eq3A_2485 = arith.cmpi eq, %add3A_1313, %gather3A_2475 : vector<16xi32>
    %select_n3A_2486 = arith.select %eq3A_2485, %gather3A_2478, %select_n3A_2470 : vector<16xi1>, vector<16xf32>
    %broadcast_in_dim3A_2487 = arith.constant 3 : i32
    %broadcast_in_dim3A_2488 = vector.broadcast %broadcast_in_dim3A_2487 : i32 to vector<16xi32>
    %broadcast_in_dim3A_2489 = vector.shape_cast %broadcast_in_dim3A_2488 : vector<16xi32> to vector<16x1xi32>
    %gather3A_2490 = vector.shape_cast %broadcast_in_dim3A_2489 : vector<16x1xi32> to vector<16xi32>
    %gather3A_2491 = tpu.dynamic_gather %select_n3A_2333[%gather3A_2490] in [0] : vector<16xi32>, vector<16xi32> -> vector<16xi32>
    %broadcast_in_dim3A_2492 = vector.shape_cast %broadcast_in_dim3A_2488 : vector<16xi32> to vector<16x1xi32>
    %gather3A_2493 = vector.shape_cast %broadcast_in_dim3A_2492 : vector<16x1xi32> to vector<16xi32>
    %gather3A_2494 = tpu.dynamic_gather %div3A_2438[%gather3A_2493] in [0] : vector<16xf32>, vector<16xi32> -> vector<16xf32>
    %eq3A_2495 = arith.cmpi eq, %add3A_1304, %gather3A_2491 : vector<16xi32>
    %select_n3A_2496 = arith.select %eq3A_2495, %gather3A_2494, %select_n3A_2480 : vector<16xi1>, vector<16xf32>
    %eq3A_2497 = arith.cmpi eq, %add3A_1307, %gather3A_2491 : vector<16xi32>
    %select_n3A_2498 = arith.select %eq3A_2497, %gather3A_2494, %select_n3A_2482 : vector<16xi1>, vector<16xf32>
    %eq3A_2499 = arith.cmpi eq, %add3A_1310, %gather3A_2491 : vector<16xi32>
    %select_n3A_2500 = arith.select %eq3A_2499, %gather3A_2494, %select_n3A_2484 : vector<16xi1>, vector<16xf32>
    %eq3A_2501 = arith.cmpi eq, %add3A_1313, %gather3A_2491 : vector<16xi32>
    %select_n3A_2502 = arith.select %eq3A_2501, %gather3A_2494, %select_n3A_2486 : vector<16xi1>, vector<16xf32>
    %broadcast_in_dim3A_2503 = arith.constant 4 : i32
    %broadcast_in_dim3A_2504 = vector.broadcast %broadcast_in_dim3A_2503 : i32 to vector<16xi32>
    %broadcast_in_dim3A_2505 = vector.shape_cast %broadcast_in_dim3A_2504 : vector<16xi32> to vector<16x1xi32>
    %gather3A_2506 = vector.shape_cast %broadcast_in_dim3A_2505 : vector<16x1xi32> to vector<16xi32>
    %gather3A_2507 = tpu.dynamic_gather %select_n3A_2333[%gather3A_2506] in [0] : vector<16xi32>, vector<16xi32> -> vector<16xi32>
    %broadcast_in_dim3A_2508 = vector.shape_cast %broadcast_in_dim3A_2504 : vector<16xi32> to vector<16x1xi32>
    %gather3A_2509 = vector.shape_cast %broadcast_in_dim3A_2508 : vector<16x1xi32> to vector<16xi32>
    %gather3A_2510 = tpu.dynamic_gather %div3A_2438[%gather3A_2509] in [0] : vector<16xf32>, vector<16xi32> -> vector<16xf32>
    %eq3A_2511 = arith.cmpi eq, %add3A_1304, %gather3A_2507 : vector<16xi32>
    %select_n3A_2512 = arith.select %eq3A_2511, %gather3A_2510, %select_n3A_2496 : vector<16xi1>, vector<16xf32>
    %eq3A_2513 = arith.cmpi eq, %add3A_1307, %gather3A_2507 : vector<16xi32>
    %select_n3A_2514 = arith.select %eq3A_2513, %gather3A_2510, %select_n3A_2498 : vector<16xi1>, vector<16xf32>
    %eq3A_2515 = arith.cmpi eq, %add3A_1310, %gather3A_2507 : vector<16xi32>
    %select_n3A_2516 = arith.select %eq3A_2515, %gather3A_2510, %select_n3A_2500 : vector<16xi1>, vector<16xf32>
    %eq3A_2517 = arith.cmpi eq, %add3A_1313, %gather3A_2507 : vector<16xi32>
    %select_n3A_2518 = arith.select %eq3A_2517, %gather3A_2510, %select_n3A_2502 : vector<16xi1>, vector<16xf32>
    %broadcast_in_dim3A_2519 = arith.constant 5 : i32
    %broadcast_in_dim3A_2520 = vector.broadcast %broadcast_in_dim3A_2519 : i32 to vector<16xi32>
    %broadcast_in_dim3A_2521 = vector.shape_cast %broadcast_in_dim3A_2520 : vector<16xi32> to vector<16x1xi32>
    %gather3A_2522 = vector.shape_cast %broadcast_in_dim3A_2521 : vector<16x1xi32> to vector<16xi32>
    %gather3A_2523 = tpu.dynamic_gather %select_n3A_2333[%gather3A_2522] in [0] : vector<16xi32>, vector<16xi32> -> vector<16xi32>
    %broadcast_in_dim3A_2524 = vector.shape_cast %broadcast_in_dim3A_2520 : vector<16xi32> to vector<16x1xi32>
    %gather3A_2525 = vector.shape_cast %broadcast_in_dim3A_2524 : vector<16x1xi32> to vector<16xi32>
    %gather3A_2526 = tpu.dynamic_gather %div3A_2438[%gather3A_2525] in [0] : vector<16xf32>, vector<16xi32> -> vector<16xf32>
    %eq3A_2527 = arith.cmpi eq, %add3A_1304, %gather3A_2523 : vector<16xi32>
    %select_n3A_2528 = arith.select %eq3A_2527, %gather3A_2526, %select_n3A_2512 : vector<16xi1>, vector<16xf32>
    %eq3A_2529 = arith.cmpi eq, %add3A_1307, %gather3A_2523 : vector<16xi32>
    %select_n3A_2530 = arith.select %eq3A_2529, %gather3A_2526, %select_n3A_2514 : vector<16xi1>, vector<16xf32>
    %eq3A_2531 = arith.cmpi eq, %add3A_1310, %gather3A_2523 : vector<16xi32>
    %select_n3A_2532 = arith.select %eq3A_2531, %gather3A_2526, %select_n3A_2516 : vector<16xi1>, vector<16xf32>
    %eq3A_2533 = arith.cmpi eq, %add3A_1313, %gather3A_2523 : vector<16xi32>
    %select_n3A_2534 = arith.select %eq3A_2533, %gather3A_2526, %select_n3A_2518 : vector<16xi1>, vector<16xf32>
    %broadcast_in_dim3A_2535 = arith.constant 6 : i32
    %broadcast_in_dim3A_2536 = vector.broadcast %broadcast_in_dim3A_2535 : i32 to vector<16xi32>
    %broadcast_in_dim3A_2537 = vector.shape_cast %broadcast_in_dim3A_2536 : vector<16xi32> to vector<16x1xi32>
    %gather3A_2538 = vector.shape_cast %broadcast_in_dim3A_2537 : vector<16x1xi32> to vector<16xi32>
    %gather3A_2539 = tpu.dynamic_gather %select_n3A_2333[%gather3A_2538] in [0] : vector<16xi32>, vector<16xi32> -> vector<16xi32>
    %broadcast_in_dim3A_2540 = vector.shape_cast %broadcast_in_dim3A_2536 : vector<16xi32> to vector<16x1xi32>
    %gather3A_2541 = vector.shape_cast %broadcast_in_dim3A_2540 : vector<16x1xi32> to vector<16xi32>
    %gather3A_2542 = tpu.dynamic_gather %div3A_2438[%gather3A_2541] in [0] : vector<16xf32>, vector<16xi32> -> vector<16xf32>
    %eq3A_2543 = arith.cmpi eq, %add3A_1304, %gather3A_2539 : vector<16xi32>
    %select_n3A_2544 = arith.select %eq3A_2543, %gather3A_2542, %select_n3A_2528 : vector<16xi1>, vector<16xf32>
    %eq3A_2545 = arith.cmpi eq, %add3A_1307, %gather3A_2539 : vector<16xi32>
    %select_n3A_2546 = arith.select %eq3A_2545, %gather3A_2542, %select_n3A_2530 : vector<16xi1>, vector<16xf32>
    %eq3A_2547 = arith.cmpi eq, %add3A_1310, %gather3A_2539 : vector<16xi32>
    %select_n3A_2548 = arith.select %eq3A_2547, %gather3A_2542, %select_n3A_2532 : vector<16xi1>, vector<16xf32>
    %eq3A_2549 = arith.cmpi eq, %add3A_1313, %gather3A_2539 : vector<16xi32>
    %select_n3A_2550 = arith.select %eq3A_2549, %gather3A_2542, %select_n3A_2534 : vector<16xi1>, vector<16xf32>
    %broadcast_in_dim3A_2551 = arith.constant 7 : i32
    %broadcast_in_dim3A_2552 = vector.broadcast %broadcast_in_dim3A_2551 : i32 to vector<16xi32>
    %broadcast_in_dim3A_2553 = vector.shape_cast %broadcast_in_dim3A_2552 : vector<16xi32> to vector<16x1xi32>
    %gather3A_2554 = vector.shape_cast %broadcast_in_dim3A_2553 : vector<16x1xi32> to vector<16xi32>
    %gather3A_2555 = tpu.dynamic_gather %select_n3A_2333[%gather3A_2554] in [0] : vector<16xi32>, vector<16xi32> -> vector<16xi32>
    %broadcast_in_dim3A_2556 = vector.shape_cast %broadcast_in_dim3A_2552 : vector<16xi32> to vector<16x1xi32>
    %gather3A_2557 = vector.shape_cast %broadcast_in_dim3A_2556 : vector<16x1xi32> to vector<16xi32>
    %gather3A_2558 = tpu.dynamic_gather %div3A_2438[%gather3A_2557] in [0] : vector<16xf32>, vector<16xi32> -> vector<16xf32>
    %eq3A_2559 = arith.cmpi eq, %add3A_1304, %gather3A_2555 : vector<16xi32>
    %select_n3A_2560 = arith.select %eq3A_2559, %gather3A_2558, %select_n3A_2544 : vector<16xi1>, vector<16xf32>
    %eq3A_2561 = arith.cmpi eq, %add3A_1307, %gather3A_2555 : vector<16xi32>
    %select_n3A_2562 = arith.select %eq3A_2561, %gather3A_2558, %select_n3A_2546 : vector<16xi1>, vector<16xf32>
    %eq3A_2563 = arith.cmpi eq, %add3A_1310, %gather3A_2555 : vector<16xi32>
    %select_n3A_2564 = arith.select %eq3A_2563, %gather3A_2558, %select_n3A_2548 : vector<16xi1>, vector<16xf32>
    %eq3A_2565 = arith.cmpi eq, %add3A_1313, %gather3A_2555 : vector<16xi32>
    %select_n3A_2566 = arith.select %eq3A_2565, %gather3A_2558, %select_n3A_2550 : vector<16xi1>, vector<16xf32>
    %swap3A_2567 = arith.constant 0 : index
    %swap3A_2568 = tpu.vector_load %arg5[%swap3A_2567] {strides = array<i32>} : memref<64xf32, #tpu.memory_space<vmem>>, vector<16xf32>,
    %swap3A_2569 = vector.shape_cast %swap3A_2568 : vector<16xf32> to vector<16xf32>
    %swap3A_2570 = vector.shape_cast %select_n3A_2560 : vector<16xf32> to vector<16xf32>
    tpu.vector_store %arg5[%swap3A_2567], %swap3A_2570 {strides = array<i32>} : memref<64xf32, #tpu.memory_space<vmem>>, vector<16xf32>,
    %swap3A_2571 = arith.constant 16 : index
    %swap3A_2572 = tpu.vector_load %arg5[%swap3A_2571] {strides = array<i32>} : memref<64xf32, #tpu.memory_space<vmem>>, vector<16xf32>,
    %swap3A_2573 = vector.shape_cast %swap3A_2572 : vector<16xf32> to vector<16xf32>
    %swap3A_2574 = vector.shape_cast %select_n3A_2562 : vector<16xf32> to vector<16xf32>
    tpu.vector_store %arg5[%swap3A_2571], %swap3A_2574 {strides = array<i32>} : memref<64xf32, #tpu.memory_space<vmem>>, vector<16xf32>,
    %swap3A_2575 = arith.constant 32 : index
    %swap3A_2576 = tpu.vector_load %arg5[%swap3A_2575] {strides = array<i32>} : memref<64xf32, #tpu.memory_space<vmem>>, vector<16xf32>,
    %swap3A_2577 = vector.shape_cast %swap3A_2576 : vector<16xf32> to vector<16xf32>
    %swap3A_2578 = vector.shape_cast %select_n3A_2564 : vector<16xf32> to vector<16xf32>
    tpu.vector_store %arg5[%swap3A_2575], %swap3A_2578 {strides = array<i32>} : memref<64xf32, #tpu.memory_space<vmem>>, vector<16xf32>,
    %swap3A_2579 = arith.constant 48 : index
    %swap3A_2580 = tpu.vector_load %arg5[%swap3A_2579] {strides = array<i32>} : memref<64xf32, #tpu.memory_space<vmem>>, vector<16xf32>,
    %swap3A_2581 = vector.shape_cast %swap3A_2580 : vector<16xf32> to vector<16xf32>
    %swap3A_2582 = vector.shape_cast %select_n3A_2566 : vector<16xf32> to vector<16xf32>
    tpu.vector_store %arg5[%swap3A_2579], %swap3A_2582 {strides = array<i32>} : memref<64xf32, #tpu.memory_space<vmem>>, vector<16xf32>,
    "tpu.region"() ({
      %run_scoped3A = tpu.sem_alloc : memref<!tpu.dma_semaphore, #tpu.memory_space<semaphore_mem>>
      %dma_start3A = arith.constant 0 : i32
      %dma_start3A_2583 = tpu.memref_slice %arg3[%add3A_1289, %dma_start3A] : memref<64x64xf32, #tpu.memory_space<hbm>> -> memref<1x64xf32, #tpu.memory_space<hbm>>
      %dma_start3A_2584 = tpu.memref_squeeze %dma_start3A_2583 : memref<1x64xf32, #tpu.memory_space<hbm>> -> memref<64xf32, #tpu.memory_space<hbm>>
      %dma_start3A_2585 = arith.constant 0 : i32
      %dma_start3A_2586 = tpu.memref_slice %arg3[%add3A_1289, %dma_start3A_2585] : memref<64x64xf32, #tpu.memory_space<hbm>> -> memref<1x64xf32, #tpu.memory_space<hbm>>
      %dma_start3A_2587 = tpu.memref_squeeze %dma_start3A_2586 : memref<1x64xf32, #tpu.memory_space<hbm>> -> memref<64xf32, #tpu.memory_space<hbm>>
      tpu.enqueue_dma source(%arg5 : memref<64xf32, #tpu.memory_space<vmem>>) target(%dma_start3A_2587 : memref<64xf32, #tpu.memory_space<hbm>>) target_semaphore(%run_scoped3A : memref<!tpu.dma_semaphore, #tpu.memory_space<semaphore_mem>>)
      %dma_wait3A = arith.constant 0 : i32
      %dma_wait3A_2588 = tpu.memref_slice %arg3[%add3A_1289, %dma_wait3A] : memref<64x64xf32, #tpu.memory_space<hbm>> -> memref<1x64xf32, #tpu.memory_space<hbm>>
      %dma_wait3A_2589 = tpu.memref_squeeze %dma_wait3A_2588 : memref<1x64xf32, #tpu.memory_space<hbm>> -> memref<64xf32, #tpu.memory_space<hbm>>
      %dma_wait3A_2590 = arith.constant 0 : i32
      %dma_wait3A_2591 = tpu.memref_slice %arg3[%add3A_1289, %dma_wait3A_2590] : memref<64x64xf32, #tpu.memory_space<hbm>> -> memref<1x64xf32, #tpu.memory_space<hbm>>
      %dma_wait3A_2592 = tpu.memref_squeeze %dma_wait3A_2591 : memref<1x64xf32, #tpu.memory_space<hbm>> -> memref<64xf32, #tpu.memory_space<hbm>>
      tpu.wait_dma2 semaphore(%run_scoped3A : memref<!tpu.dma_semaphore, #tpu.memory_space<semaphore_mem>>) src(%arg5 : memref<64xf32, #tpu.memory_space<vmem>>) dst(%dma_wait3A_2592 : memref<64xf32, #tpu.memory_space<hbm>>)
      tpu.yield
    }) : () -> ()
    return
  }
}

module attributes {stable_mosaic.version = 14 : i64} {
  func.func @_qk_body(%arg0: i32, %arg1: memref<1x32x512xf32, #tpu.memory_space<vmem>>, %arg2: memref<1x512x64xf32, #tpu.memory_space<vmem>>, %arg3: memref<512x512xf32, #tpu.memory_space<vmem>>, %arg4: memref<512x512xf32, #tpu.memory_space<vmem>>, %arg5: memref<512x512xf32, #tpu.memory_space<vmem>>, %arg6: memref<1x512xf32, #tpu.memory_space<vmem>>, %arg7: memref<8x512xf32, #tpu.memory_space<vmem>>, %arg8: memref<64x512xf32, #tpu.memory_space<vmem>>, %arg9: memref<512x512xf32, #tpu.memory_space<vmem>>, %arg10: memref<512x512xf32, #tpu.memory_space<vmem>>, %arg11: memref<1x512xf32, #tpu.memory_space<vmem>>, %arg12: memref<1x512xf32, #tpu.memory_space<vmem>>, %arg13: memref<1x32x64xf32, #tpu.memory_space<vmem>>, %arg14: memref<1x512x256xf32, #tpu.memory_space<vmem>>, %arg15: memref<64x512xf32, #tpu.memory_space<vmem>>, %arg16: memref<64x512xf32, #tpu.memory_space<vmem>>) attributes {dimension_semantics = [#tpu.dimension_semantics<arbitrary>], iteration_bounds = array<i64: 2>, scalar_prefetch = 0 : i64, scratch_operands = 0 : i64, tpu.core_type = #tpu.core_type<tc>, window_params = [{transform_indices = @transform_0, window_bounds = array<i64: 1, 32, 512>}, {transform_indices = @transform_1, window_bounds = array<i64: 1, 512, 64>}, {pipeline_mode = #tpu.pipeline_mode<synchronous>, transform_indices = @transform_2, window_bounds = array<i64: 512, 512>}, {pipeline_mode = #tpu.pipeline_mode<synchronous>, transform_indices = @transform_3, window_bounds = array<i64: 512, 512>}, {pipeline_mode = #tpu.pipeline_mode<synchronous>, transform_indices = @transform_4, window_bounds = array<i64: 512, 512>}, {pipeline_mode = #tpu.pipeline_mode<synchronous>, transform_indices = @transform_5, window_bounds = array<i64: 1, 512>}, {pipeline_mode = #tpu.pipeline_mode<synchronous>, transform_indices = @transform_6, window_bounds = array<i64: 8, 512>}, {pipeline_mode = #tpu.pipeline_mode<synchronous>, transform_indices = @transform_7, window_bounds = array<i64: 64, 512>}, {pipeline_mode = #tpu.pipeline_mode<synchronous>, transform_indices = @transform_8, window_bounds = array<i64: 512, 512>}, {pipeline_mode = #tpu.pipeline_mode<synchronous>, transform_indices = @transform_9, window_bounds = array<i64: 512, 512>}, {pipeline_mode = #tpu.pipeline_mode<synchronous>, transform_indices = @transform_10, window_bounds = array<i64: 1, 512>}, {pipeline_mode = #tpu.pipeline_mode<synchronous>, transform_indices = @transform_11, window_bounds = array<i64: 1, 512>}, {transform_indices = @transform_12, window_bounds = array<i64: 1, 32, 64>}, {transform_indices = @transform_13, window_bounds = array<i64: 1, 512, 256>}, {pipeline_mode = #tpu.pipeline_mode<synchronous>, transform_indices = @transform_14, window_bounds = array<i64: 64, 512>}, {pipeline_mode = #tpu.pipeline_mode<synchronous>, transform_indices = @transform_15, window_bounds = array<i64: 64, 512>}]} {
    %get3A = arith.constant 0 : index
    %get3A_0 = arith.constant 0 : index
    %get3A_1 = arith.constant 0 : index
    %get3A_2 = vector.load %arg1[%get3A, %get3A_0, %get3A_1] : memref<1x32x512xf32, #tpu.memory_space<vmem>>, vector<1x32x512xf32>
    %get3A_3 = vector.shape_cast %get3A_2 : vector<1x32x512xf32> to vector<32x512xf32>
    %get3A_4 = arith.constant 0 : index
    %get3A_5 = arith.constant 0 : index
    %get3A_6 = vector.load %arg3[%get3A_4, %get3A_5] : memref<512x512xf32, #tpu.memory_space<vmem>>, vector<512x512xf32>
    %dot_general3A = arith.constant dense<0.000000e+00> : vector<32x512xf32>
    %dot_general3A_7 = tpu.matmul %get3A_3, %get3A_6, %dot_general3A {dimension_numbers = #tpu.dot_dimension_numbers<[1], [0], [0], [1], [0, 0, 1, 1], [], []>, transpose_lhs_hint = false} : vector<32x512xf32>, vector<512x512xf32>, vector<32x512xf32> -> vector<32x512xf32>
    %get3A_8 = arith.constant 0 : index
    %get3A_9 = arith.constant 0 : index
    %get3A_10 = vector.load %arg4[%get3A_8, %get3A_9] : memref<512x512xf32, #tpu.memory_space<vmem>>, vector<512x512xf32>
    %get3A_11 = arith.constant 0 : index
    %get3A_12 = arith.constant 0 : index
    %get3A_13 = arith.constant 0 : index
    %get3A_14 = vector.load %arg2[%get3A_11, %get3A_12, %get3A_13] : memref<1x512x64xf32, #tpu.memory_space<vmem>>, vector<1x512x64xf32>
    %get3A_15 = vector.shape_cast %get3A_14 : vector<1x512x64xf32> to vector<512x64xf32>
    %dot_general3A_16 = arith.constant dense<0.000000e+00> : vector<512x64xf32>
    %dot_general3A_17 = tpu.matmul %get3A_10, %get3A_15, %dot_general3A_16 {dimension_numbers = #tpu.dot_dimension_numbers<[1], [0], [0], [1], [0, 0, 1, 1], [], []>, transpose_lhs_hint = false} : vector<512x512xf32>, vector<512x64xf32>, vector<512x64xf32> -> vector<512x64xf32>
    %dot_general3A_18 = arith.constant dense<0.000000e+00> : vector<32x64xf32>
    %dot_general3A_19 = tpu.matmul %dot_general3A_7, %dot_general3A_17, %dot_general3A_18 {dimension_numbers = #tpu.dot_dimension_numbers<[1], [0], [0], [1], [0, 0, 1, 1], [], []>, transpose_lhs_hint = false} : vector<32x512xf32>, vector<512x64xf32>, vector<32x64xf32> -> vector<32x64xf32>
    %mul3A = arith.constant 0.0441941731 : f32
    %mul3A_20 = vector.broadcast %mul3A : f32 to vector<32x64xf32>
    %mul3A_21 = arith.mulf %dot_general3A_19, %mul3A_20 : vector<32x64xf32>
    %swap3A = arith.constant 0 : index
    %swap3A_22 = arith.constant 0 : index
    %swap3A_23 = arith.constant 0 : index
    %swap3A_24 = vector.load %arg13[%swap3A, %swap3A_22, %swap3A_23] : memref<1x32x64xf32, #tpu.memory_space<vmem>>, vector<1x32x64xf32>
    %swap3A_25 = vector.shape_cast %swap3A_24 : vector<1x32x64xf32> to vector<32x64xf32>
    %swap3A_26 = vector.shape_cast %mul3A_21 : vector<32x64xf32> to vector<1x32x64xf32>
    tpu.vector_store %arg13[%swap3A, %swap3A_22, %swap3A_23], %swap3A_26 {strides = array<i32>} : memref<1x32x64xf32, #tpu.memory_space<vmem>>, vector<1x32x64xf32>,
    %get3A_27 = arith.constant 0 : index
    %get3A_28 = arith.constant 0 : index
    %get3A_29 = vector.load %arg5[%get3A_27, %get3A_28] : memref<512x512xf32, #tpu.memory_space<vmem>>, vector<512x512xf32>
    %dot_general3A_30 = arith.constant dense<0.000000e+00> : vector<32x512xf32>
    %dot_general3A_31 = tpu.matmul %dot_general3A_7, %get3A_29, %dot_general3A_30 {dimension_numbers = #tpu.dot_dimension_numbers<[1], [0], [0], [1], [0, 0, 1, 1], [], []>, transpose_lhs_hint = false} : vector<32x512xf32>, vector<512x512xf32>, vector<32x512xf32> -> vector<32x512xf32>
    %get3A_32 = arith.constant 0 : index
    %get3A_33 = arith.constant 0 : index
    %get3A_34 = vector.load %arg6[%get3A_32, %get3A_33] : memref<1x512xf32, #tpu.memory_space<vmem>>, vector<1x512xf32>
    %add3A = vector.broadcast %get3A_34 : vector<1x512xf32> to vector<32x512xf32>
    %add3A_35 = arith.addf %dot_general3A_31, %add3A : vector<32x512xf32>
    %get3A_36 = arith.constant 0 : index
    %get3A_37 = arith.constant 0 : index
    %get3A_38 = vector.load %arg7[%get3A_36, %get3A_37] : memref<8x512xf32, #tpu.memory_space<vmem>>, vector<8x512xf32>
    %broadcast_in_dim3A = vector.shape_cast %get3A_38 : vector<8x512xf32> to vector<8x1x512xf32>
    %mul3A_39 = arith.constant 1.250000e-01 : f32
    %mul3A_40 = vector.broadcast %mul3A_39 : f32 to vector<32x512xf32>
    %mul3A_41 = arith.mulf %add3A_35, %mul3A_40 : vector<32x512xf32>
    %broadcast_in_dim3A_42 = vector.shape_cast %mul3A_41 : vector<32x512xf32> to vector<1x32x512xf32>
    %mul3A_43 = vector.broadcast %broadcast_in_dim3A : vector<8x1x512xf32> to vector<8x32x512xf32>
    %mul3A_44 = vector.broadcast %broadcast_in_dim3A_42 : vector<1x32x512xf32> to vector<8x32x512xf32>
    %mul3A_45 = arith.mulf %mul3A_43, %mul3A_44 : vector<8x32x512xf32>
    %reshape3A = vector.shape_cast %mul3A_45 : vector<8x32x512xf32> to vector<256x512xf32>
    %transpose3A = tpu.transpose %reshape3A, [1, 0] : vector<256x512xf32> -> vector<512x256xf32>
    %swap3A_46 = arith.constant 0 : index
    %swap3A_47 = arith.constant 0 : index
    %swap3A_48 = arith.constant 0 : index
    %swap3A_49 = vector.load %arg14[%swap3A_46, %swap3A_47, %swap3A_48] : memref<1x512x256xf32, #tpu.memory_space<vmem>>, vector<1x512x256xf32>
    %swap3A_50 = vector.shape_cast %swap3A_49 : vector<1x512x256xf32> to vector<512x256xf32>
    %swap3A_51 = vector.shape_cast %transpose3A : vector<512x256xf32> to vector<1x512x256xf32>
    tpu.vector_store %arg14[%swap3A_46, %swap3A_47, %swap3A_48], %swap3A_51 {strides = array<i32>} : memref<1x512x256xf32, #tpu.memory_space<vmem>>, vector<1x512x256xf32>,
    %get3A_52 = arith.constant 0 : index
    %get3A_53 = arith.constant 0 : index
    %get3A_54 = vector.load %arg8[%get3A_52, %get3A_53] : memref<64x512xf32, #tpu.memory_space<vmem>>, vector<64x512xf32>
    %get3A_55 = arith.constant 0 : index
    %get3A_56 = arith.constant 0 : index
    %get3A_57 = vector.load %arg9[%get3A_55, %get3A_56] : memref<512x512xf32, #tpu.memory_space<vmem>>, vector<512x512xf32>
    %dot_general3A_58 = arith.constant dense<0.000000e+00> : vector<64x512xf32>
    %dot_general3A_59 = tpu.matmul %get3A_54, %get3A_57, %dot_general3A_58 {dimension_numbers = #tpu.dot_dimension_numbers<[1], [0], [0], [1], [0, 0, 1, 1], [], []>, transpose_lhs_hint = false} : vector<64x512xf32>, vector<512x512xf32>, vector<64x512xf32> -> vector<64x512xf32>
    %get3A_60 = arith.constant 0 : index
    %get3A_61 = arith.constant 0 : index
    %get3A_62 = vector.load %arg11[%get3A_60, %get3A_61] : memref<1x512xf32, #tpu.memory_space<vmem>>, vector<1x512xf32>
    %add3A_63 = vector.broadcast %get3A_62 : vector<1x512xf32> to vector<64x512xf32>
    %add3A_64 = arith.addf %dot_general3A_59, %add3A_63 : vector<64x512xf32>
    %swap3A_65 = arith.constant 0 : index
    %swap3A_66 = arith.constant 0 : index
    %swap3A_67 = vector.load %arg15[%swap3A_65, %swap3A_66] : memref<64x512xf32, #tpu.memory_space<vmem>>, vector<64x512xf32>
    tpu.vector_store %arg15[%swap3A_65, %swap3A_66], %add3A_64 {strides = array<i32>} : memref<64x512xf32, #tpu.memory_space<vmem>>, vector<64x512xf32>,
    %get3A_68 = arith.constant 0 : index
    %get3A_69 = arith.constant 0 : index
    %get3A_70 = vector.load %arg8[%get3A_68, %get3A_69] : memref<64x512xf32, #tpu.memory_space<vmem>>, vector<64x512xf32>
    %get3A_71 = arith.constant 0 : index
    %get3A_72 = arith.constant 0 : index
    %get3A_73 = vector.load %arg10[%get3A_71, %get3A_72] : memref<512x512xf32, #tpu.memory_space<vmem>>, vector<512x512xf32>
    %dot_general3A_74 = arith.constant dense<0.000000e+00> : vector<64x512xf32>
    %dot_general3A_75 = tpu.matmul %get3A_70, %get3A_73, %dot_general3A_74 {dimension_numbers = #tpu.dot_dimension_numbers<[1], [0], [0], [1], [0, 0, 1, 1], [], []>, transpose_lhs_hint = false} : vector<64x512xf32>, vector<512x512xf32>, vector<64x512xf32> -> vector<64x512xf32>
    %get3A_76 = arith.constant 0 : index
    %get3A_77 = arith.constant 0 : index
    %get3A_78 = vector.load %arg12[%get3A_76, %get3A_77] : memref<1x512xf32, #tpu.memory_space<vmem>>, vector<1x512xf32>
    %add3A_79 = vector.broadcast %get3A_78 : vector<1x512xf32> to vector<64x512xf32>
    %add3A_80 = arith.addf %dot_general3A_75, %add3A_79 : vector<64x512xf32>
    %swap3A_81 = arith.constant 0 : index
    %swap3A_82 = arith.constant 0 : index
    %swap3A_83 = vector.load %arg16[%swap3A_81, %swap3A_82] : memref<64x512xf32, #tpu.memory_space<vmem>>, vector<64x512xf32>
    tpu.vector_store %arg16[%swap3A_81, %swap3A_82], %add3A_80 {strides = array<i32>} : memref<64x512xf32, #tpu.memory_space<vmem>>, vector<64x512xf32>,
    return
  }
  func.func @transform_0(%arg0: i32) -> (i32, i32, i32) {
    %c0_i32 = arith.constant 0 : i32
    %c0_i32_0 = arith.constant 0 : i32
    %c0_i32_1 = arith.constant 0 : i32
    return %arg0, %c0_i32, %c0_i32_0 : i32, i32, i32
  }
  func.func @transform_1(%arg0: i32) -> (i32, i32, i32) {
    %c0_i32 = arith.constant 0 : i32
    %c0_i32_0 = arith.constant 0 : i32
    %c0_i32_1 = arith.constant 0 : i32
    return %arg0, %c0_i32, %c0_i32_0 : i32, i32, i32
  }
  func.func @transform_2(%arg0: i32) -> (i32, i32) {
    %c0_i32 = arith.constant 0 : i32
    %c0_i32_0 = arith.constant 0 : i32
    %c0_i32_1 = arith.constant 0 : i32
    return %c0_i32, %c0_i32_0 : i32, i32
  }
  func.func @transform_3(%arg0: i32) -> (i32, i32) {
    %c0_i32 = arith.constant 0 : i32
    %c0_i32_0 = arith.constant 0 : i32
    %c0_i32_1 = arith.constant 0 : i32
    return %c0_i32, %c0_i32_0 : i32, i32
  }
  func.func @transform_4(%arg0: i32) -> (i32, i32) {
    %c0_i32 = arith.constant 0 : i32
    %c0_i32_0 = arith.constant 0 : i32
    %c0_i32_1 = arith.constant 0 : i32
    return %c0_i32, %c0_i32_0 : i32, i32
  }
  func.func @transform_5(%arg0: i32) -> (i32, i32) {
    %c0_i32 = arith.constant 0 : i32
    %c0_i32_0 = arith.constant 0 : i32
    %c0_i32_1 = arith.constant 0 : i32
    return %c0_i32, %c0_i32_0 : i32, i32
  }
  func.func @transform_6(%arg0: i32) -> (i32, i32) {
    %c0_i32 = arith.constant 0 : i32
    %c0_i32_0 = arith.constant 0 : i32
    %c0_i32_1 = arith.constant 0 : i32
    return %c0_i32, %c0_i32_0 : i32, i32
  }
  func.func @transform_7(%arg0: i32) -> (i32, i32) {
    %c0_i32 = arith.constant 0 : i32
    %c0_i32_0 = arith.constant 0 : i32
    %c0_i32_1 = arith.constant 0 : i32
    return %c0_i32, %c0_i32_0 : i32, i32
  }
  func.func @transform_8(%arg0: i32) -> (i32, i32) {
    %c0_i32 = arith.constant 0 : i32
    %c0_i32_0 = arith.constant 0 : i32
    %c0_i32_1 = arith.constant 0 : i32
    return %c0_i32, %c0_i32_0 : i32, i32
  }
  func.func @transform_9(%arg0: i32) -> (i32, i32) {
    %c0_i32 = arith.constant 0 : i32
    %c0_i32_0 = arith.constant 0 : i32
    %c0_i32_1 = arith.constant 0 : i32
    return %c0_i32, %c0_i32_0 : i32, i32
  }
  func.func @transform_10(%arg0: i32) -> (i32, i32) {
    %c0_i32 = arith.constant 0 : i32
    %c0_i32_0 = arith.constant 0 : i32
    %c0_i32_1 = arith.constant 0 : i32
    return %c0_i32, %c0_i32_0 : i32, i32
  }
  func.func @transform_11(%arg0: i32) -> (i32, i32) {
    %c0_i32 = arith.constant 0 : i32
    %c0_i32_0 = arith.constant 0 : i32
    %c0_i32_1 = arith.constant 0 : i32
    return %c0_i32, %c0_i32_0 : i32, i32
  }
  func.func @transform_12(%arg0: i32) -> (i32, i32, i32) {
    %c0_i32 = arith.constant 0 : i32
    %c0_i32_0 = arith.constant 0 : i32
    %c0_i32_1 = arith.constant 0 : i32
    return %arg0, %c0_i32, %c0_i32_0 : i32, i32, i32
  }
  func.func @transform_13(%arg0: i32) -> (i32, i32, i32) {
    %c0_i32 = arith.constant 0 : i32
    %c0_i32_0 = arith.constant 0 : i32
    %c0_i32_1 = arith.constant 0 : i32
    return %arg0, %c0_i32, %c0_i32_0 : i32, i32, i32
  }
  func.func @transform_14(%arg0: i32) -> (i32, i32) {
    %c0_i32 = arith.constant 0 : i32
    %c0_i32_0 = arith.constant 0 : i32
    %c0_i32_1 = arith.constant 0 : i32
    return %c0_i32, %c0_i32_0 : i32, i32
  }
  func.func @transform_15(%arg0: i32) -> (i32, i32) {
    %c0_i32 = arith.constant 0 : i32
    %c0_i32_0 = arith.constant 0 : i32
    %c0_i32_1 = arith.constant 0 : i32
    return %c0_i32, %c0_i32_0 : i32, i32
  }
}

module attributes {stable_mosaic.version = 14 : i64} {
  func.func @_fused_body(%arg0: i32, %arg1: i32, %arg2: memref<1x64x64x512xf32, #tpu.memory_space<vmem>>, %arg3: memref<512x512xf32, #tpu.memory_space<vmem>>, %arg4: memref<512x512xf32, #tpu.memory_space<vmem>>, %arg5: memref<64x512xf32, #tpu.memory_space<vmem>>, %arg6: memref<64x512xf32, #tpu.memory_space<vmem>>, %arg7: memref<1x512x256xf32, #tpu.memory_space<vmem>>, %arg8: memref<1x64x32xf32, #tpu.memory_space<vmem>>, %arg9: memref<512x512xf32, #tpu.memory_space<vmem>>, %arg10: memref<1x512xf32, #tpu.memory_space<vmem>>, %arg11: memref<1x32x512xf32, #tpu.memory_space<vmem>>, %arg12: memref<256x512xf32, #tpu.memory_space<vmem>>) attributes {dimension_semantics = [#tpu.dimension_semantics<arbitrary>, #tpu.dimension_semantics<arbitrary>], iteration_bounds = array<i64: 2, 1>, scalar_prefetch = 0 : i64, scratch_operands = 1 : i64, tpu.core_type = #tpu.core_type<tc>, window_params = [{transform_indices = @transform_0, window_bounds = array<i64: 1, 64, 64, 512>}, {pipeline_mode = #tpu.pipeline_mode<synchronous>, transform_indices = @transform_1, window_bounds = array<i64: 512, 512>}, {pipeline_mode = #tpu.pipeline_mode<synchronous>, transform_indices = @transform_2, window_bounds = array<i64: 512, 512>}, {pipeline_mode = #tpu.pipeline_mode<synchronous>, transform_indices = @transform_3, window_bounds = array<i64: 64, 512>}, {pipeline_mode = #tpu.pipeline_mode<synchronous>, transform_indices = @transform_4, window_bounds = array<i64: 64, 512>}, {transform_indices = @transform_5, window_bounds = array<i64: 1, 512, 256>}, {transform_indices = @transform_6, window_bounds = array<i64: 1, 64, 32>}, {pipeline_mode = #tpu.pipeline_mode<synchronous>, transform_indices = @transform_7, window_bounds = array<i64: 512, 512>}, {pipeline_mode = #tpu.pipeline_mode<synchronous>, transform_indices = @transform_8, window_bounds = array<i64: 1, 512>}, {transform_indices = @transform_9, window_bounds = array<i64: 1, 32, 512>}]} {
    %get3A = arith.constant 0 : index
    %get3A_0 = arith.constant 0 : index
    %get3A_1 = arith.constant 0 : index
    %get3A_2 = arith.constant 0 : index
    %get3A_3 = vector.load %arg2[%get3A, %get3A_0, %get3A_1, %get3A_2] : memref<1x64x64x512xf32, #tpu.memory_space<vmem>>, vector<1x64x64x512xf32>
    %get3A_4 = vector.shape_cast %get3A_3 : vector<1x64x64x512xf32> to vector<64x64x512xf32>
    %reshape3A = vector.shape_cast %get3A_4 : vector<64x64x512xf32> to vector<4096x512xf32>
    %get3A_5 = arith.constant 0 : index
    %get3A_6 = arith.constant 0 : index
    %get3A_7 = vector.load %arg3[%get3A_5, %get3A_6] : memref<512x512xf32, #tpu.memory_space<vmem>>, vector<512x512xf32>
    %dot_general3A = arith.constant dense<0.000000e+00> : vector<4096x512xf32>
    %dot_general3A_8 = tpu.matmul %reshape3A, %get3A_7, %dot_general3A {dimension_numbers = #tpu.dot_dimension_numbers<[1], [0], [0], [1], [0, 0, 1, 1], [], []>, transpose_lhs_hint = false} : vector<4096x512xf32>, vector<512x512xf32>, vector<4096x512xf32> -> vector<4096x512xf32>
    %reshape3A_9 = vector.shape_cast %dot_general3A_8 : vector<4096x512xf32> to vector<64x64x512xf32>
    %get3A_10 = arith.constant 0 : index
    %get3A_11 = arith.constant 0 : index
    %get3A_12 = vector.load %arg5[%get3A_10, %get3A_11] : memref<64x512xf32, #tpu.memory_space<vmem>>, vector<64x512xf32>
    %broadcast_in_dim3A = vector.shape_cast %get3A_12 : vector<64x512xf32> to vector<1x64x512xf32>
    %add3A = vector.broadcast %broadcast_in_dim3A : vector<1x64x512xf32> to vector<64x64x512xf32>
    %add3A_13 = arith.addf %reshape3A_9, %add3A : vector<64x64x512xf32>
    %get3A_14 = arith.constant 0 : index
    %get3A_15 = arith.constant 0 : index
    %get3A_16 = vector.load %arg4[%get3A_14, %get3A_15] : memref<512x512xf32, #tpu.memory_space<vmem>>, vector<512x512xf32>
    %dot_general3A_17 = arith.constant dense<0.000000e+00> : vector<4096x512xf32>
    %dot_general3A_18 = tpu.matmul %reshape3A, %get3A_16, %dot_general3A_17 {dimension_numbers = #tpu.dot_dimension_numbers<[1], [0], [0], [1], [0, 0, 1, 1], [], []>, transpose_lhs_hint = false} : vector<4096x512xf32>, vector<512x512xf32>, vector<4096x512xf32> -> vector<4096x512xf32>
    %reshape3A_19 = vector.shape_cast %dot_general3A_18 : vector<4096x512xf32> to vector<64x64x512xf32>
    %get3A_20 = arith.constant 0 : index
    %get3A_21 = arith.constant 0 : index
    %get3A_22 = vector.load %arg6[%get3A_20, %get3A_21] : memref<64x512xf32, #tpu.memory_space<vmem>>, vector<64x512xf32>
    %broadcast_in_dim3A_23 = vector.shape_cast %get3A_22 : vector<64x512xf32> to vector<1x64x512xf32>
    %add3A_24 = vector.broadcast %broadcast_in_dim3A_23 : vector<1x64x512xf32> to vector<64x64x512xf32>
    %add3A_25 = arith.addf %reshape3A_19, %add3A_24 : vector<64x64x512xf32>
    %reshape3A_26 = vector.shape_cast %add3A_13 : vector<64x64x512xf32> to vector<4096x512xf32>
    %get3A_27 = arith.constant 0 : index
    %get3A_28 = arith.constant 0 : index
    %get3A_29 = arith.constant 0 : index
    %get3A_30 = vector.load %arg7[%get3A_27, %get3A_28, %get3A_29] : memref<1x512x256xf32, #tpu.memory_space<vmem>>, vector<1x512x256xf32>
    %get3A_31 = vector.shape_cast %get3A_30 : vector<1x512x256xf32> to vector<512x256xf32>
    %dot_general3A_32 = arith.constant dense<0.000000e+00> : vector<4096x256xf32>
    %dot_general3A_33 = tpu.matmul %reshape3A_26, %get3A_31, %dot_general3A_32 {dimension_numbers = #tpu.dot_dimension_numbers<[1], [0], [0], [1], [0, 0, 1, 1], [], []>, transpose_lhs_hint = false} : vector<4096x512xf32>, vector<512x256xf32>, vector<4096x256xf32> -> vector<4096x256xf32>
    %reshape3A_34 = vector.shape_cast %dot_general3A_33 : vector<4096x256xf32> to vector<64x64x256xf32>
    %reduce_max3A = arith.constant dense<0xFF800000> : vector<64x256xf32>
    %reduce_max3A_35 = vector.multi_reduction <maximumf>, %reshape3A_34, %reduce_max3A [1] : vector<64x64x256xf32> to vector<64x256xf32>
    %broadcast_in_dim3A_36 = vector.shape_cast %reduce_max3A_35 : vector<64x256xf32> to vector<64x1x256xf32>
    %sub3A = vector.broadcast %broadcast_in_dim3A_36 : vector<64x1x256xf32> to vector<64x64x256xf32>
    %sub3A_37 = arith.subf %reshape3A_34, %sub3A : vector<64x64x256xf32>
    %exp3A = math.exp %sub3A_37 : vector<64x64x256xf32>
    %reduce_sum3A = arith.constant dense<0.000000e+00> : vector<64x256xf32>
    %reduce_sum3A_38 = vector.multi_reduction <add>, %exp3A, %reduce_sum3A [1] : vector<64x64x256xf32> to vector<64x256xf32>
    %broadcast_in_dim3A_39 = vector.shape_cast %reduce_sum3A_38 : vector<64x256xf32> to vector<64x1x256xf32>
    %div3A = vector.broadcast %broadcast_in_dim3A_39 : vector<64x1x256xf32> to vector<64x64x256xf32>
    %div3A_40 = arith.divf %exp3A, %div3A : vector<64x64x256xf32>
    %get3A_41 = arith.constant 0 : index
    %get3A_42 = arith.constant 0 : index
    %get3A_43 = arith.constant 0 : index
    %get3A_44 = vector.load %arg8[%get3A_41, %get3A_42, %get3A_43] : memref<1x64x32xf32, #tpu.memory_space<vmem>>, vector<1x64x32xf32>
    %get3A_45 = vector.shape_cast %get3A_44 : vector<1x64x32xf32> to vector<64x32xf32>
    %tile3A = tpu.concatenate %get3A_45, %get3A_45, %get3A_45, %get3A_45, %get3A_45, %get3A_45, %get3A_45, %get3A_45 in 1 : vector<64x32xf32>, vector<64x32xf32>, vector<64x32xf32>, vector<64x32xf32>, vector<64x32xf32>, vector<64x32xf32>, vector<64x32xf32>, vector<64x32xf32> -> vector<64x256xf32>
    %broadcast_in_dim3A_46 = vector.shape_cast %tile3A : vector<64x256xf32> to vector<64x1x256xf32>
    %mul3A = vector.broadcast %broadcast_in_dim3A_46 : vector<64x1x256xf32> to vector<64x64x256xf32>
    %mul3A_47 = arith.mulf %div3A_40, %mul3A : vector<64x64x256xf32>
    %reshape3A_48 = vector.shape_cast %mul3A_47 : vector<64x64x256xf32> to vector<4096x256xf32>
    %reshape3A_49 = vector.shape_cast %add3A_25 : vector<64x64x512xf32> to vector<4096x512xf32>
    %dot_general3A_50 = arith.constant dense<0.000000e+00> : vector<256x512xf32>
    %dot_general3A_51 = tpu.matmul %reshape3A_48, %reshape3A_49, %dot_general3A_50 {dimension_numbers = #tpu.dot_dimension_numbers<[0], [0], [1], [1], [0, 1, 1, 1], [], []>, transpose_lhs_hint = false} : vector<4096x256xf32>, vector<4096x512xf32>, vector<256x512xf32> -> vector<256x512xf32>
    %eq3A = arith.constant 0 : i32
    %eq3A_52 = arith.cmpi eq, %arg1, %eq3A : i32
    %convert_element_type3A = arith.extui %eq3A_52 : i1 to i32
    %cond3A = arith.constant 0 : i32
    %cond3A_53 = arith.cmpi ne, %convert_element_type3A, %cond3A : i32
    scf.if %cond3A_53 {
      %broadcast_in_dim3A_65 = arith.constant 0.000000e+00 : f32
      %broadcast_in_dim3A_66 = vector.broadcast %broadcast_in_dim3A_65 : f32 to vector<256x512xf32>
      %swap3A_67 = arith.constant 0 : index
      %swap3A_68 = arith.constant 0 : index
      %swap3A_69 = vector.load %arg12[%swap3A_67, %swap3A_68] : memref<256x512xf32, #tpu.memory_space<vmem>>, vector<256x512xf32>
      tpu.vector_store %arg12[%swap3A_67, %swap3A_68], %broadcast_in_dim3A_66 {strides = array<i32>} : memref<256x512xf32, #tpu.memory_space<vmem>>, vector<256x512xf32>,
    } else {
    }
    %get3A_54 = arith.constant 0 : index
    %get3A_55 = arith.constant 0 : index
    %get3A_56 = vector.load %arg12[%get3A_54, %get3A_55] : memref<256x512xf32, #tpu.memory_space<vmem>>, vector<256x512xf32>
    %add3A_57 = arith.addf %get3A_56, %dot_general3A_51 : vector<256x512xf32>
    %swap3A = arith.constant 0 : index
    %swap3A_58 = arith.constant 0 : index
    %swap3A_59 = vector.load %arg12[%swap3A, %swap3A_58] : memref<256x512xf32, #tpu.memory_space<vmem>>, vector<256x512xf32>
    tpu.vector_store %arg12[%swap3A, %swap3A_58], %add3A_57 {strides = array<i32>} : memref<256x512xf32, #tpu.memory_space<vmem>>, vector<256x512xf32>,
    %eq3A_60 = arith.constant 0 : i32
    %eq3A_61 = arith.cmpi eq, %arg1, %eq3A_60 : i32
    %convert_element_type3A_62 = arith.extui %eq3A_61 : i1 to i32
    %cond3A_63 = arith.constant 0 : i32
    %cond3A_64 = arith.cmpi ne, %convert_element_type3A_62, %cond3A_63 : i32
    scf.if %cond3A_64 {
      %get3A_65 = arith.constant 0 : index
      %get3A_66 = arith.constant 0 : index
      %get3A_67 = vector.load %arg12[%get3A_65, %get3A_66] : memref<256x512xf32, #tpu.memory_space<vmem>>, vector<32x64xf32>
      %get3A_68 = arith.constant 32 : index
      %get3A_69 = arith.constant 64 : index
      %get3A_70 = vector.load %arg12[%get3A_68, %get3A_69] : memref<256x512xf32, #tpu.memory_space<vmem>>, vector<32x64xf32>
      %get3A_71 = arith.constant 64 : index
      %get3A_72 = arith.constant 128 : index
      %get3A_73 = vector.load %arg12[%get3A_71, %get3A_72] : memref<256x512xf32, #tpu.memory_space<vmem>>, vector<32x64xf32>
      %get3A_74 = arith.constant 96 : index
      %get3A_75 = arith.constant 192 : index
      %get3A_76 = vector.load %arg12[%get3A_74, %get3A_75] : memref<256x512xf32, #tpu.memory_space<vmem>>, vector<32x64xf32>
      %get3A_77 = arith.constant 128 : index
      %get3A_78 = arith.constant 256 : index
      %get3A_79 = vector.load %arg12[%get3A_77, %get3A_78] : memref<256x512xf32, #tpu.memory_space<vmem>>, vector<32x64xf32>
      %get3A_80 = arith.constant 160 : index
      %get3A_81 = arith.constant 320 : index
      %get3A_82 = vector.load %arg12[%get3A_80, %get3A_81] : memref<256x512xf32, #tpu.memory_space<vmem>>, vector<32x64xf32>
      %get3A_83 = arith.constant 192 : index
      %get3A_84 = arith.constant 384 : index
      %get3A_85 = vector.load %arg12[%get3A_83, %get3A_84] : memref<256x512xf32, #tpu.memory_space<vmem>>, vector<32x64xf32>
      %get3A_86 = arith.constant 224 : index
      %get3A_87 = arith.constant 448 : index
      %get3A_88 = vector.load %arg12[%get3A_86, %get3A_87] : memref<256x512xf32, #tpu.memory_space<vmem>>, vector<32x64xf32>
      %concatenate3A = tpu.concatenate %get3A_67, %get3A_70, %get3A_73, %get3A_76, %get3A_79, %get3A_82, %get3A_85, %get3A_88 in 1 : vector<32x64xf32>, vector<32x64xf32>, vector<32x64xf32>, vector<32x64xf32>, vector<32x64xf32>, vector<32x64xf32>, vector<32x64xf32>, vector<32x64xf32> -> vector<32x512xf32>
      %get3A_89 = arith.constant 0 : index
      %get3A_90 = arith.constant 0 : index
      %get3A_91 = vector.load %arg9[%get3A_89, %get3A_90] : memref<512x512xf32, #tpu.memory_space<vmem>>, vector<512x512xf32>
      %dot_general3A_92 = arith.constant dense<0.000000e+00> : vector<32x512xf32>
      %dot_general3A_93 = tpu.matmul %concatenate3A, %get3A_91, %dot_general3A_92 {dimension_numbers = #tpu.dot_dimension_numbers<[1], [0], [0], [1], [0, 0, 1, 1], [], []>, transpose_lhs_hint = false} : vector<32x512xf32>, vector<512x512xf32>, vector<32x512xf32> -> vector<32x512xf32>
      %get3A_94 = arith.constant 0 : index
      %get3A_95 = arith.constant 0 : index
      %get3A_96 = vector.load %arg10[%get3A_94, %get3A_95] : memref<1x512xf32, #tpu.memory_space<vmem>>, vector<1x512xf32>
      %add3A_97 = vector.broadcast %get3A_96 : vector<1x512xf32> to vector<32x512xf32>
      %add3A_98 = arith.addf %dot_general3A_93, %add3A_97 : vector<32x512xf32>
      %swap3A_99 = arith.constant 0 : index
      %swap3A_100 = arith.constant 0 : index
      %swap3A_101 = arith.constant 0 : index
      %swap3A_102 = vector.load %arg11[%swap3A_99, %swap3A_100, %swap3A_101] : memref<1x32x512xf32, #tpu.memory_space<vmem>>, vector<1x32x512xf32>
      %swap3A_103 = vector.shape_cast %swap3A_102 : vector<1x32x512xf32> to vector<32x512xf32>
      %swap3A_104 = vector.shape_cast %add3A_98 : vector<32x512xf32> to vector<1x32x512xf32>
      tpu.vector_store %arg11[%swap3A_99, %swap3A_100, %swap3A_101], %swap3A_104 {strides = array<i32>} : memref<1x32x512xf32, #tpu.memory_space<vmem>>, vector<1x32x512xf32>,
    } else {
    }
    return
  }
  func.func @transform_0(%arg0: i32, %arg1: i32) -> (i32, i32, i32, i32) {
    %c0_i32 = arith.constant 0 : i32
    %c0_i32_0 = arith.constant 0 : i32
    %c0_i32_1 = arith.constant 0 : i32
    return %arg0, %arg1, %c0_i32, %c0_i32_0 : i32, i32, i32, i32
  }
  func.func @transform_1(%arg0: i32, %arg1: i32) -> (i32, i32) {
    %c0_i32 = arith.constant 0 : i32
    %c0_i32_0 = arith.constant 0 : i32
    %c0_i32_1 = arith.constant 0 : i32
    return %c0_i32, %c0_i32_0 : i32, i32
  }
  func.func @transform_2(%arg0: i32, %arg1: i32) -> (i32, i32) {
    %c0_i32 = arith.constant 0 : i32
    %c0_i32_0 = arith.constant 0 : i32
    %c0_i32_1 = arith.constant 0 : i32
    return %c0_i32, %c0_i32_0 : i32, i32
  }
  func.func @transform_3(%arg0: i32, %arg1: i32) -> (i32, i32) {
    %c0_i32 = arith.constant 0 : i32
    %c0_i32_0 = arith.constant 0 : i32
    %c0_i32_1 = arith.constant 0 : i32
    return %c0_i32, %c0_i32_0 : i32, i32
  }
  func.func @transform_4(%arg0: i32, %arg1: i32) -> (i32, i32) {
    %c0_i32 = arith.constant 0 : i32
    %c0_i32_0 = arith.constant 0 : i32
    %c0_i32_1 = arith.constant 0 : i32
    return %c0_i32, %c0_i32_0 : i32, i32
  }
  func.func @transform_5(%arg0: i32, %arg1: i32) -> (i32, i32, i32) {
    %c0_i32 = arith.constant 0 : i32
    %c0_i32_0 = arith.constant 0 : i32
    %c0_i32_1 = arith.constant 0 : i32
    return %arg0, %c0_i32, %c0_i32_0 : i32, i32, i32
  }
  func.func @transform_6(%arg0: i32, %arg1: i32) -> (i32, i32, i32) {
    %c0_i32 = arith.constant 0 : i32
    %c0_i32_0 = arith.constant 0 : i32
    return %arg0, %arg1, %c0_i32 : i32, i32, i32
  }
  func.func @transform_7(%arg0: i32, %arg1: i32) -> (i32, i32) {
    %c0_i32 = arith.constant 0 : i32
    %c0_i32_0 = arith.constant 0 : i32
    %c0_i32_1 = arith.constant 0 : i32
    return %c0_i32, %c0_i32_0 : i32, i32
  }
  func.func @transform_8(%arg0: i32, %arg1: i32) -> (i32, i32) {
    %c0_i32 = arith.constant 0 : i32
    %c0_i32_0 = arith.constant 0 : i32
    %c0_i32_1 = arith.constant 0 : i32
    return %c0_i32, %c0_i32_0 : i32, i32
  }
  func.func @transform_9(%arg0: i32, %arg1: i32) -> (i32, i32, i32) {
    %c0_i32 = arith.constant 0 : i32
    %c0_i32_0 = arith.constant 0 : i32
    %c0_i32_1 = arith.constant 0 : i32
    return %arg0, %c0_i32, %c0_i32_0 : i32, i32, i32
  }
}

</mosaic_0001>

<sc_bundles>
// kernel: kernel.5.cloned.1.call-start
scs
__scs_entry_jumppad:
0x0: {  	(pc) =	sbr.rel $0x88, $3  }
0x1: {  	(tag) =	ssettag $0x0;
	lr =	simm.s32 $0x1  }
0x2: {  	[smem:$0x3F98] =	sst lr;
	_ =	strace $0xD0000000  }
0x3: {  	_ = 	snop  }
0x4: {  	_ = 	snop  }
0x5: {  	_ = 	snop  }
0x6: {  	_ = 	snop  }
0x7: {  	_ = 	snop  }
__scs_overlays_trampoline_lowered:
0x8: {  	[smem:$0x3FA7] =	sst s0  }
0x9: {  	[smem:$0x3FA8] =	sst s1  }
0xa: {  	[smem:$0x3FA9] =	sst s2  }
0xb: {  	[smem:$0x3FAA] =	sst s3  }
0xc: {  	[smem:$0x3FAB] =	sst s4  }
0xd: {  	[smem:$0x3FAC] =	sst s5  }
0xe: {  	[smem:$0x3FAD] =	sst s6  }
0xf: {  	[smem:$0x3FAE] =	sst s7  }
0x10: {  	[smem:$0x3FAF] =	sst s8  }
0x11: {  	[smem:$0x3FB0] =	sst s9;
	s0 =	simm.s32 @!p0 $0x0  }
0x12: {  	s1 =	sld [smem:$0x3F96];
	s0 =	simm.s32 @p0 $0x1  }
0x13: {  	[smem:$0x3FB1] =	sst s0;
	s0 =	simm.s32 @!p1 $0x0  }
0x14: {  	s2 =	sld [smem:$0x3F95];
	s0 =	simm.s32 @p1 $0x1  }
0x15: {  	[smem:$0x3FB2] =	sst s0;
	s0 =	simm.s32 @!p2 $0x0  }
0x16: {  	s3 =	sld [smem:$0x3FDB];
	s0 =	simm.s32 @p2 $0x1  }
0x17: {  	s4 =	simm.s32 $0x1BF5;
	[smem:$0x3FB4] =	sst s0  }
0x18: {  	s0 =	sld [smem:$0x3F97];
	_ =	swait.ge [sflag:s4], $0x0  }
0x19: {  	s7 =	sld [smem:$0x3F98]  }
0x1a: {  	s8 =	sadd.s32 $0xFFFFE003, lr  }
0x1b: {  	s9 =	sadd.s32 $0xFFFFFEF7, lr;
	s5 =	simm.s32 $0xFFFFFFFF;
	p2 =	slt.u32 s8, $0xFFFFF086  }
0x1c: {  	p1 =	slt.u32 s9, $0xF7A;
	s5 =	simm.s32 @!p2 $0x0  }
0x1d: {  	s5 =	simm.s32 @p1 $0x1;
	p0 =	seq.s32 s7, s2  }
0x1e: {  	s7 =	smul.u32 @!p0 $0xF7A, s2;
	p2 =	seq.s32 @!p0 s5, $0x0  }
0x1f: {  	s9 =	smul.u32 $0xF7A, s1;
	s8 =	simm.s32 @!p0 $0x1BF5;
	p2 =	por !p2, p0  }
0x20: {  	[sflag:s8] =	ssyncset.s32 @!p0 $0xFFFFF086;
	s6 =	sadd.s32 @!p0 s3, s7;
	s7 =	simm.s32 @!p0 $0x108  }
0x21: {  	s3 =	sadd.s32 s3, s9;
	s6 =	sadd.s32 @!p0 $0x88, s6;
	s7 =	simm.s32 @p2 $0x1082  }
0x22: {  	[simem:s7], [sflag:s8] =	dma.local @!p0 [hbm:s6], $0xF7A  }
0x23: {  	s9 =	sor.u32 $0xD0000000, s2;
	s6 =	simm.s32 $0x108;
	_ =	swait.ge @!p0 [sflag:s8], $0x0  }
0x24: {  	s3 =	sadd.s32 $0x88, s3;
	s6 =	simm.s32 @!p1 $0x1082;
	[sflag:s4] =	ssyncset.s32 $0xFFFFF086  }
0x25: {  	[simem:s6], [sflag:s4] =	dma.local [hbm:s3], $0xF7A  }
0x26: {  	[smem:$0x3F98] =	sst s1;
	(tag) =	ssettag s2;
	_ =	strace s9  }
0x27: {  	s1 =	sld [smem:$0x3FA8]  }
0x28: {  	s2 =	sld [smem:$0x3FA9]  }
0x29: {  	s4 =	sld [smem:$0x3FAB]  }
0x2a: {  	p0 =	seq.s32 s5, $0x0;
	s5 =	sld [smem:$0x3FAC]  }
0x2b: {  	s6 =	sld [smem:$0x3FAD]  }
0x2c: {  	s7 =	sld [smem:$0x3FAE]  }
0x2d: {  	s3 =	simm.s32 $0x108;
	s8 =	sld [smem:$0x3FAF]  }
0x2e: {  	s3 =	simm.s32 @!p0 $0x1082;
	s9 =	sld [smem:$0x3FB0]  }
0x2f: {  	lr =	sadd.s32 s0, s3;
	s0 =	sld [smem:$0x3FA7]  }
0x30: {  	s3 =	sld [smem:$0x3FAA]  }
0x31: {  	[smem:$0x3FB3] =	sst s10  }
0x32: {  	s10 =	sld [smem:$0x3FB1];
	_ =	sdelay $0x3  }
0x33: {  	p0 =	seq.s32 s10, $0x1;
	s10 =	sld [smem:$0x3FB3];
	_ =	sdelay $0x3  }
0x34: {  	[smem:$0x3FB3] =	sst s10  }
0x35: {  	s10 =	sld [smem:$0x3FB2];
	_ =	sdelay $0x3  }
0x36: {  	p1 =	seq.s32 s10, $0x1;
	s10 =	sld [smem:$0x3FB3];
	_ =	sdelay $0x3  }
0x37: {  	[smem:$0x3FB3] =	sst s10  }
0x38: {  	s10 =	sld [smem:$0x3FB4]  }
0x39: {  	_ = 	snop;
	(pc) =	sbr.ind lr, $3  }
0x3a: {  	_ = 	snop  }
0x3b: {  	_ = 	snop  }
0x3c: {  	p2 =	seq.s32 s10, $0x1;
	s10 =	sld [smem:$0x3FB3]  }
0x3d: {  	_ =	shalt  }
0x3e: {  	_ =	shalt  }
0x3f: {  	_ =	shalt  }
0x40: {  	_ =	shalt  }
0x41: {  	_ =	shalt  }
0x42: {  	_ =	shalt  }
0x43: {  	_ =	shalt  }
0x44: {  	_ =	shalt  }
0x45: {  	_ =	shalt  }
0x46: {  	_ =	shalt  }
0x47: {  	_ =	shalt  }
0x48: {  	_ =	shalt  }
0x49: {  	_ =	shalt  }
0x4a: {  	_ =	shalt  }
0x4b: {  	_ =	shalt  }
0x4c: {  	_ =	shalt  }
0x4d: {  	_ =	shalt  }
0x4e: {  	_ =	shalt  }
0x4f: {  	_ =	shalt  }
0x50: {  	_ =	shalt  }
0x51: {  	_ =	shalt  }
0x52: {  	_ =	shalt  }
0x53: {  	_ =	shalt  }
0x54: {  	_ =	shalt  }
0x55: {  	_ =	shalt  }
0x56: {  	_ =	shalt  }
0x57: {  	_ =	shalt  }
0x58: {  	_ =	shalt  }
0x59: {  	_ =	shalt  }
0x5a: {  	_ =	shalt  }
0x5b: {  	_ =	shalt  }
0x5c: {  	_ =	shalt  }
0x5d: {  	_ =	shalt  }
0x5e: {  	_ =	shalt  }
0x5f: {  	_ =	shalt  }
0x60: {  	_ =	shalt  }
0x61: {  	_ =	shalt  }
0x62: {  	_ =	shalt  }
0x63: {  	_ =	shalt  }
0x64: {  	_ =	shalt  }
0x65: {  	_ =	shalt  }
0x66: {  	_ =	shalt  }
0x67: {  	_ =	shalt  }
0x68: {  	_ =	shalt  }
0x69: {  	_ =	shalt  }
0x6a: {  	_ =	shalt  }
0x6b: {  	_ =	shalt  }
0x6c: {  	_ =	shalt  }
0x6d: {  	_ =	shalt  }
0x6e: {  	_ =	shalt  }
0x6f: {  	_ =	shalt  }
0x70: {  	_ =	shalt  }
0x71: {  	_ =	shalt  }
0x72: {  	_ =	shalt  }
0x73: {  	_ =	shalt  }
0x74: {  	_ =	shalt  }
0x75: {  	_ =	shalt  }
0x76: {  	_ =	shalt  }
0x77: {  	_ =	shalt  }
0x78: {  	_ =	shalt  }
0x79: {  	_ =	shalt  }
0x7a: {  	_ =	shalt  }
0x7b: {  	_ =	shalt  }
0x7c: {  	_ =	shalt  }
0x7d: {  	_ =	shalt  }
0x7e: {  	_ =	shalt  }
0x7f: {  	_ =	shalt  }
0x80: {  	_ =	shalt  }
0x81: {  	_ =	shalt  }
0x82: {  	_ =	shalt  }
0x83: {  	_ =	shalt  }
0x84: {  	_ =	shalt  }
0x85: {  	_ =	shalt  }
0x86: {  	_ =	shalt  }
0x87: {  	_ =	shalt  }
.Lfunc_end0:
.L_simem_size_0:
called_computation_lowered:
.L_overlay_start_0:
0x88: {  	s2 =	sld [smem:$0x3FD9]  }
0x89: {  	s3 =	sld [smem:$0x3FFE];
	_ =	sdelay $0x1  }
0x8a: {  	s1 =	srdreg.scid  }
0x8b: {  	s0 =	sand.u32 $0x1, s1  }
0x8c: {  	s17 =	sshll.u32 s0, $0xA;
	s2 =	sadd.s32 s3, s2  }
0x8d: {  	s2 =	sadd.s32 s2, s17  }
0x8e: {  	[smem:$0x3FBF] =	sst s2  }
0x8f: {  	_ = 	snop  }
0x90: {  	s2 =	sld [smem:$0x3FD0];
	(tm) =	ssettm $0x1  }
0x91: {  	s18 =	sld [smem:$0x3FFB];
	_ =	sdelay $0x3  }
0x92: {  	_ =	strace s18  }
0x93: {  	s3 =	sld [smem:$0x3FFC];
	_ =	sdelay $0x3  }
0x94: {  	_ =	strace s3  }
0x95: {  	s3 =	sld [smem:$0x3FFD];
	_ =	sdelay $0x3  }
0x96: {  	_ =	strace s3  }
0x97: {  	_ =	strace $0x8FFFFFFF  }
0x98: {  	s19 =	sld [smem:$0x3FDB];
	_ =	sdelay $0x1  }
0x99: {  	s4 =	simm.s32 $_scs_section_size  }
0x9a: {  	s5 =	simm.s32 $_size__tile_overlayer_lowered;
	s6 =	simm.s32 $_tile_overlayer_lowered  }
0x9b: {  	s22 =	simm.s32 $0x1BFF;
	s21 =	sshll.u32 s6, $0x1;
	s3 =	sadd.s32 s4, s19  }
0x9c: {  	s7 =	simm.s32 $0x0;
	s20 =	sshll.u32 s5, $0x1;
	s5 =	sadd.s32 s21, s3  }
0x9d: {  	[timem:s7], [sflag:s22] =	dma.local [hbm:s5], s20  }
0x9e: {  	_ =	swait.ge [sflag:s22], s20  }
0x9f: {  	s4 =	ssub.s32 $0x0, s20;
	[sflag:s22] =	ssyncset.done $0x0  }
0xa0: {  	[sflag:s22] =	ssyncadd.s32 s4;
	_ =	sdelay $0x1  }
0xa1: {  	s23 =	simm.s32 $0x1B8B  }
0xa2: {  	_ =	swait.ge [sflag:s23], $0x1  }
0xa3: {  	[sflag:s23] =	ssyncset.done $0x0  }
0xa4: {  	s25 =	simm.s32 $0x1B8E;
	s24 =	sld [smem:$0x3FFE];
	[sflag:s23] =	ssyncadd.s32 $0xFFFFFFFF  }
0xa5: {  	s26 =	simm.s32 $execute0_lowered;
	[smem:$0x3FD2] =	sst s25  }
0xa6: {  	s5 =	sshll.u32 s26, $0x1;
	_ =	strace $0x80000046;
	[dreg:$0x1] =	wrdreg $0xFFFFFFFF  }
0xa7: {  	s28 =	simm.s32 $_size_execute0_lowered;
	s3 =	sadd.s32 s3, s5;
	[dreg:$0x0] =	wrdreg $0x0  }
0xa8: {  	s5 =	sshll.u32 s28, $0x1;
	[dreg:$0x2] =	wrdreg s3  }
0xa9: {  	[dreg:$0x3] =	wrdreg s5  }
0xaa: {  	[dreg:$0x4] =	wrdreg $0xC0  }
0xab: {  	_ =	task [dreg:s7], $0x5FFFF  }
0xac: {  	[dreg:$0x1] =	wrdreg $0xFFFFFFFF  }
0xad: {  	[dreg:$0x0] =	wrdreg $0x60  }
0xae: {  	[dreg:$0x2] =	wrdreg s2  }
0xaf: {  	[dreg:$0x3] =	wrdreg s24  }
0xb0: {  	[dreg:$0x4] =	wrdreg $0x9  }
0xb1: {  	_ =	task.clear_ibuf [dreg:s7], $0x5FFFF;
	_ =	strace $0x90000046  }
0xb2: {  	s29 =	simm.s32 $0x9;
	_ =	strace $0x80000048  }
0xb3: {  	_ =	swait.ge [sflag:s29], $0x1  }
0xb4: {  	[sflag:s29] =	ssyncadd.s32 $0xFFFFFFFF  }
0xb5: {  	_ =	strace $0x90000048  }
0xb6: {  	_ =	sfence  }
0xb7: {  	s30 =	sld [smem:$0x0];
	_ =	sdelay $0x2  }
0xb8: {  	s31 =	sshll.u32 s1, $0xD;
	s1 =	sshrl.u32 s1, $0x2  }
0xb9: {  	s3 =	sand.u32 $0x4000, s31;
	s1 =	sadd.s32 s1, s30  }
0xba: {  	s0 =	sor.u32 s3, s0;
	s1 =	sshll.u32 s1, $0x11  }
0xbb: {  	s0 =	sor.u32 s1, s0  }
0xbc: {  	s0 =	sadd.s32 $0x8F2B, s0  }
0xbd: {  	[sflag:s0] =	ssyncadd.remote.s32 $0x1  }
0xbe: {  	_ =	sfence.sel $0xFFFF  }
0xbf: {  	[dreg:$0x0] =	wrdreg $0xFFFFFFFF;
	(pc) =	sbr.abs _section_cstart, $3  }
0xc0: {  	[dreg:$0x1] =	wrdreg $0xFFFFFFFF  }
0xc1: {  	_ =	task.clear_ibuf [dreg:s7], $0x2FFFF;
	_ =	strace $0x9FFFFFFF  }
0xc2: {  	(tm) =	ssettm $0x7FFFFFFF  }
0xc3: {  	_ =	shalt  }
tec
execute0_lowered:
.L_overlay_start_1:
0x0: {  	(tag) =	ssettag $0x1  }
0x1: {  	v0 =	vimm.s32 $0xFEDCBA9;
	v1 =	vimm.s32 $0x87654321  }
0x2: {  	v2 =	vimm.s32 $0x10FEDCBA;
	v3 =	vimm.s32 $0x98765432;
	v4 =	vimm.s32 $0x3210FEDC  }
0x3: {  	v5 =	vimm.s32 $0xBA987654;
	v6 =	vimm.s32 $0xFEDCBA98;
	v7 =	vimm.s32 $0x76543210  }
0x4: {  	vm0 =	vmmov $0x1;
	vm1 =	vcmask $0x320;
	vm2 =	vcmask $0x720  }
0x5: {  	vm3 =	vcmask $0xB20;
	vm4 =	vcmask $0xF20;
	vm5 =	vcmask $0x1320  }
0x6: {  	vm6 =	vcmask $0x1720;
	vm7 =	vcmask $0x1B20;
	vm8 =	vmmov $0xff  }
0x7: {  	v8 =	vimm.s32 $0x0;
	v9 =	vimm.s32 $0x1;
	v10 =	vimm.s32 $0x2  }
0x8: {  	v11 =	vimm.s32 $0x3;
	v12 =	vimm.s32 $0x4;
	v13 =	vimm.s32 $0x5  }
0x9: {  	s5 =	rddreg [dreg:$0x0];
	v0 =	vunpack.c.l.s4.s8 v0;
	v1 =	vunpack.c.l.s4.s8 v1;
	v2 =	vunpack.c.l.s4.s8 v2  }
0xa: {  	s3 =	rddreg [dreg:$0x1];
	v3 =	vunpack.c.l.s4.s8 v3;
	v4 =	vunpack.c.l.s4.s8 v4;
	v5 =	vunpack.c.l.s4.s8 v5  }
0xb: {  	s0 =	rddreg [dreg:$0x2];
	v0 =	vunpack.c.0.s8.s32 v0;
	v1 =	vunpack.c.0.s8.s32 v1;
	v2 =	vunpack.c.0.s8.s32 v2  }
0xc: {  	s1 =	simm.s32 $0x0;
	s4 =	srdreg.scid;
	s2 =	stileid.u32;
	v3 =	vunpack.c.0.s8.s32 v3;
	v4 =	vunpack.c.0.s8.s32 v4;
	v5 =	vunpack.c.0.s8.s32 v5  }
0xd: {  	v14 =	vimm.s32 $0x6;
	s9 =	simm.s32 $0x80;
	v6 =	vunpack.c.l.s4.s8 v6;
	[smem:$0x7FF] =	sst s1;
	s4 =	sand.u32 $0x1, s4;
	v0 =	vcombine.low v1, v0  }
0xe: {  	s7 =	sshll.u32 s2, $0x6;
	s6 =	ssub.s32 $0x2, s4;
	s4 =	sshll.u32 s4, $0x5;
	v1 =	vcombine.low v3, v2;
	v2 =	vunpack.c.l.s4.s8 v7;
	v3 =	vcombine.low v5, v4  }
0xf: {  	v15 =	vimm.s32 $0x7;
	s8 =	sadd.s32 $0x1E00, s3;
	s29 =	sshrl.u32 s6, $0x1;
	s4 =	sor.u32 s4, s7;
	v4 =	vunpack.c.0.s8.s32 v6;
	v0 =	vand.u32 $0xF, v0  }
0x10: {  	_ =	strace $0x80000047;
	s30 =	ssub.s32 s6, s29;
	s31 =	sor.u32 $0x10, s4;
	v5 =	vunpack.c.0.s8.s32 v2;
	v2 =	vand.u32 $0xF, v3;
	v3 =	vlaneseq.u32  }
0x11: {  	s3 =	sadd.s32 s5, s4;
	s4 =	sadd.s32 s8, s4;
	s5 =	sadd.s32 s5, s31;
	v1 =	vand.u32 $0xF, v1;
	v4 =	vand.u32 $0xF, v4;
	v6 =	vor.u32 $0x20, v3  }
0x12: {  	s6 =	sadd.s32 s8, s31;
	s7 =	smax.u32 s30, $0x1;
	s8 =	simm.s32 $0x1;
	v7 =	vor.u32 $0x10, v3;
	v4 =	vcombine.low v4, v5;
	v5 =	vor.u32 $0x30, v3  }
.LBB2_1:
0x13: {  	[tilespmem:s1], [sflag:$0x1] =	stream.linear.gather [hbm4b:s3+s1], $0x80, $0x38;
	[tilespmem:$0x100] =	vst v63  }
0x14: {  	_ =	swait.ge [sflag:s8], $0x80  }
0x15: {  	[sflag:s8] =	ssyncset.done $0x0  }
0x16: {  	[sflag:s8] =	ssyncadd.s32 $0xFFFFFF80  }
0x17: {  	v18 =	vld [tilespmem:$0x0]  }
0x18: {  	v19 =	vld [tilespmem:$0x10]  }
0x19: {  	v20 =	vld [tilespmem:$0x20]  }
0x1a: {  	v21 =	vld [tilespmem:$0x30];
	_ =	sdelay $0x2  }
0x1b: {  	v16 =	vmax.f32 v18, v19  }
0x1c: {  	v16 =	vmax.f32 v16, v20  }
0x1d: {  	v16 =	vmax.f32 v16, v21  }
0x1e: {  	v17 =	vperm.xlane v16, v0;
	_ =	sdelay $0x1  }
0x1f: {  	v16 =	vmax.f32 v16, v17  }
0x20: {  	v17 =	vperm.xlane v16, v1;
	_ =	sdelay $0x1  }
0x21: {  	v16 =	vmax.f32 v16, v17  }
0x22: {  	v17 =	vperm.xlane v16, v2;
	_ =	sdelay $0x1  }
0x23: {  	v16 =	vmax.f32 v16, v17  }
0x24: {  	v17 =	vperm.xlane v16, v4;
	_ =	sdelay $0x1  }
0x25: {  	v17 =	vmax.f32 v16, v17  }
0x26: {  	vm9 =	veq.f32 v21, v17  }
0x27: {  	vm10 =	veq.f32 v20, v17;
	v16 =	vnsel vm9, $0x80, v5  }
0x28: {  	vm9 =	veq.f32 v19, v17;
	v16 =	vsel vm10, v6, v16  }
0x29: {  	vm10 =	veq.f32 v18, v17;
	v16 =	vsel vm9, v7, v16  }
0x2a: {  	v16 =	vsel vm10, v3, v16  }
0x2b: {  	v22 =	vperm.xlane v16, v0;
	_ =	sdelay $0x1  }
0x2c: {  	vm9 =	vlt.s32 v16, v22  }
0x2d: {  	v16 =	vsel vm9, v16, v22  }
0x2e: {  	v22 =	vperm.xlane v16, v1;
	_ =	sdelay $0x1  }
0x2f: {  	vm9 =	vlt.s32 v16, v22  }
0x30: {  	v16 =	vsel vm9, v16, v22  }
0x31: {  	v22 =	vperm.xlane v16, v2;
	_ =	sdelay $0x1  }
0x32: {  	vm9 =	vlt.s32 v16, v22  }
0x33: {  	v16 =	vsel vm9, v16, v22  }
0x34: {  	v22 =	vperm.xlane v16, v4;
	_ =	sdelay $0x1  }
0x35: {  	vm9 =	vlt.s32 v16, v22  }
0x36: {  	v16 =	vsel vm9, v16, v22  }
0x37: {  	vm9 =	veq.s32 v16, v3;
	vm10 =	veq.s32 v16, v7  }
0x38: {  	v45 =	vsel vm9, $0xFF61B1E6, v18;
	v23 =	vsel vm10, $0xFF61B1E6, v19;
	vm9 =	veq.s32 v16, v6  }
0x39: {  	v20 =	vsel vm9, $0xFF61B1E6, v20;
	vm9 =	veq.s32 v16, v5;
	v18 =	vmax.f32 v45, v23  }
0x3a: {  	v21 =	vsel vm9, $0xFF61B1E6, v21;
	v18 =	vmax.f32 v18, v20  }
0x3b: {  	v18 =	vmax.f32 v18, v21  }
0x3c: {  	v46 =	vperm.xlane v18, v0;
	_ =	sdelay $0x1  }
0x3d: {  	v18 =	vmax.f32 v18, v46  }
0x3e: {  	v19 =	vperm.xlane v18, v1;
	_ =	sdelay $0x1  }
0x3f: {  	v18 =	vmax.f32 v18, v19  }
0x40: {  	v19 =	vperm.xlane v18, v2;
	_ =	sdelay $0x1  }
0x41: {  	v18 =	vmax.f32 v18, v19  }
0x42: {  	v19 =	vperm.xlane v18, v4;
	_ =	sdelay $0x1  }
0x43: {  	v19 =	vmax.f32 v18, v19  }
0x44: {  	vm9 =	veq.f32 v21, v19  }
0x45: {  	vm10 =	veq.f32 v20, v19;
	v47 =	vnsel vm9, $0x80, v5  }
0x46: {  	vm9 =	veq.f32 v23, v19;
	v18 =	vsel vm10, v6, v47  }
0x47: {  	vm10 =	veq.f32 v45, v19;
	v18 =	vsel vm9, v7, v18  }
0x48: {  	v18 =	vsel vm10, v3, v18  }
0x49: {  	v24 =	vperm.xlane v18, v0;
	_ =	sdelay $0x1  }
0x4a: {  	vm9 =	vlt.s32 v18, v24  }
0x4b: {  	v18 =	vsel vm9, v18, v24  }
0x4c: {  	v24 =	vperm.xlane v18, v1;
	_ =	sdelay $0x1  }
0x4d: {  	vm9 =	vlt.s32 v18, v24  }
0x4e: {  	v18 =	vsel vm9, v18, v24  }
0x4f: {  	v24 =	vperm.xlane v18, v2;
	_ =	sdelay $0x1  }
0x50: {  	vm9 =	vlt.s32 v18, v24  }
0x51: {  	v18 =	vsel vm9, v18, v24  }
0x52: {  	v24 =	vperm.xlane v18, v4;
	_ =	sdelay $0x1  }
0x53: {  	vm9 =	vlt.s32 v18, v24  }
0x54: {  	v18 =	vsel vm9, v18, v24  }
0x55: {  	vm9 =	veq.s32 v18, v3;
	vm10 =	veq.s32 v18, v7  }
0x56: {  	v22 =	vsel vm9, $0xFF61B1E6, v45;
	v23 =	vsel vm10, $0xFF61B1E6, v23;
	vm9 =	veq.s32 v18, v6  }
0x57: {  	v48 =	vsel vm9, $0xFF61B1E6, v20;
	vm9 =	veq.s32 v18, v5;
	v49 =	vmax.f32 v22, v23  }
0x58: {  	v25 =	vsel vm9, $0xFF61B1E6, v21;
	v20 =	vmax.f32 v49, v48  }
0x59: {  	v20 =	vmax.f32 v20, v25  }
0x5a: {  	v50 =	vperm.xlane v20, v0;
	_ =	sdelay $0x1  }
0x5b: {  	v20 =	vmax.f32 v20, v50  }
0x5c: {  	v21 =	vperm.xlane v20, v1;
	_ =	sdelay $0x1  }
0x5d: {  	v20 =	vmax.f32 v20, v21  }
0x5e: {  	v21 =	vperm.xlane v20, v2;
	_ =	sdelay $0x1  }
0x5f: {  	v20 =	vmax.f32 v20, v21  }
0x60: {  	v21 =	vperm.xlane v20, v4;
	_ =	sdelay $0x1  }
0x61: {  	v21 =	vmax.f32 v20, v21  }
0x62: {  	vm9 =	veq.f32 v25, v21  }
0x63: {  	vm10 =	veq.f32 v48, v21;
	v51 =	vnsel vm9, $0x80, v5  }
0x64: {  	vm9 =	veq.f32 v23, v21;
	v20 =	vsel vm10, v6, v51  }
0x65: {  	vm10 =	veq.f32 v22, v21;
	v20 =	vsel vm9, v7, v20  }
0x66: {  	v20 =	vsel vm10, v3, v20  }
0x67: {  	v26 =	vperm.xlane v20, v0;
	_ =	sdelay $0x1  }
0x68: {  	vm9 =	vlt.s32 v20, v26  }
0x69: {  	v20 =	vsel vm9, v20, v26  }
0x6a: {  	v26 =	vperm.xlane v20, v1;
	_ =	sdelay $0x1  }
0x6b: {  	vm9 =	vlt.s32 v20, v26  }
0x6c: {  	v20 =	vsel vm9, v20, v26  }
0x6d: {  	v26 =	vperm.xlane v20, v2;
	_ =	sdelay $0x1  }
0x6e: {  	vm9 =	vlt.s32 v20, v26  }
0x6f: {  	v20 =	vsel vm9, v20, v26  }
0x70: {  	v26 =	vperm.xlane v20, v4;
	_ =	sdelay $0x1  }
0x71: {  	vm9 =	vlt.s32 v20, v26  }
0x72: {  	v20 =	vsel vm9, v20, v26  }
0x73: {  	vm9 =	veq.s32 v20, v3;
	vm10 =	veq.s32 v20, v7  }
0x74: {  	v52 =	vsel vm9, $0xFF61B1E6, v22;
	v27 =	vsel vm10, $0xFF61B1E6, v23;
	vm9 =	veq.s32 v20, v6  }
0x75: {  	v24 =	vsel vm9, $0xFF61B1E6, v48;
	vm9 =	veq.s32 v20, v5;
	v22 =	vmax.f32 v52, v27  }
0x76: {  	v25 =	vsel vm9, $0xFF61B1E6, v25;
	v22 =	vmax.f32 v22, v24  }
0x77: {  	v22 =	vmax.f32 v22, v25  }
0x78: {  	v53 =	vperm.xlane v22, v0;
	_ =	sdelay $0x1  }
0x79: {  	v22 =	vmax.f32 v22, v53  }
0x7a: {  	v23 =	vperm.xlane v22, v1;
	_ =	sdelay $0x1  }
0x7b: {  	v22 =	vmax.f32 v22, v23  }
0x7c: {  	v23 =	vperm.xlane v22, v2;
	_ =	sdelay $0x1  }
0x7d: {  	v22 =	vmax.f32 v22, v23  }
0x7e: {  	v23 =	vperm.xlane v22, v4;
	_ =	sdelay $0x1  }
0x7f: {  	v23 =	vmax.f32 v22, v23  }
0x80: {  	vm9 =	veq.f32 v25, v23  }
0x81: {  	vm10 =	veq.f32 v24, v23;
	v54 =	vnsel vm9, $0x80, v5  }
0x82: {  	vm9 =	veq.f32 v27, v23;
	v22 =	vsel vm10, v6, v54  }
0x83: {  	vm10 =	veq.f32 v52, v23;
	v22 =	vsel vm9, v7, v22  }
0x84: {  	v22 =	vsel vm10, v3, v22  }
0x85: {  	v28 =	vperm.xlane v22, v0;
	_ =	sdelay $0x1  }
0x86: {  	vm9 =	vlt.s32 v22, v28  }
0x87: {  	v22 =	vsel vm9, v22, v28  }
0x88: {  	v28 =	vperm.xlane v22, v1;
	_ =	sdelay $0x1  }
0x89: {  	vm9 =	vlt.s32 v22, v28  }
0x8a: {  	v22 =	vsel vm9, v22, v28  }
0x8b: {  	v28 =	vperm.xlane v22, v2;
	_ =	sdelay $0x1  }
0x8c: {  	vm9 =	vlt.s32 v22, v28  }
0x8d: {  	v22 =	vsel vm9, v22, v28  }
0x8e: {  	v28 =	vperm.xlane v22, v4;
	_ =	sdelay $0x1  }
0x8f: {  	vm9 =	vlt.s32 v22, v28  }
0x90: {  	v22 =	vsel vm9, v22, v28  }
0x91: {  	vm9 =	veq.s32 v22, v3;
	vm10 =	veq.s32 v22, v7  }
0x92: {  	v26 =	vsel vm9, $0xFF61B1E6, v52;
	v27 =	vsel vm10, $0xFF61B1E6, v27;
	vm9 =	veq.s32 v22, v6  }
0x93: {  	v55 =	vsel vm9, $0xFF61B1E6, v24;
	vm9 =	veq.s32 v22, v5;
	v56 =	vmax.f32 v26, v27  }
0x94: {  	v25 =	vsel vm9, $0xFF61B1E6, v25;
	v24 =	vmax.f32 v56, v55  }
0x95: {  	v24 =	vmax.f32 v24, v25  }
0x96: {  	v29 =	vperm.xlane v24, v0;
	_ =	sdelay $0x1  }
0x97: {  	v24 =	vmax.f32 v24, v29  }
0x98: {  	v29 =	vperm.xlane v24, v1;
	_ =	sdelay $0x1  }
0x99: {  	v24 =	vmax.f32 v24, v29  }
0x9a: {  	v29 =	vperm.xlane v24, v2;
	_ =	sdelay $0x1  }
0x9b: {  	v24 =	vmax.f32 v24, v29  }
0x9c: {  	v29 =	vperm.xlane v24, v4;
	_ =	sdelay $0x1  }
0x9d: {  	v29 =	vmax.f32 v24, v29  }
0x9e: {  	vm9 =	veq.f32 v25, v29  }
0x9f: {  	vm10 =	veq.f32 v55, v29;
	v57 =	vnsel vm9, $0x80, v5  }
0xa0: {  	vm9 =	veq.f32 v27, v29;
	v24 =	vsel vm10, v6, v57  }
0xa1: {  	vm10 =	veq.f32 v26, v29;
	v24 =	vsel vm9, v7, v24  }
0xa2: {  	v24 =	vsel vm10, v3, v24  }
0xa3: {  	v30 =	vperm.xlane v24, v0;
	_ =	sdelay $0x1  }
0xa4: {  	vm9 =	vlt.s32 v24, v30  }
0xa5: {  	v24 =	vsel vm9, v24, v30  }
0xa6: {  	v30 =	vperm.xlane v24, v1;
	_ =	sdelay $0x1  }
0xa7: {  	vm9 =	vlt.s32 v24, v30  }
0xa8: {  	v24 =	vsel vm9, v24, v30  }
0xa9: {  	v30 =	vperm.xlane v24, v2;
	_ =	sdelay $0x1  }
0xaa: {  	vm9 =	vlt.s32 v24, v30  }
0xab: {  	v24 =	vsel vm9, v24, v30  }
0xac: {  	v30 =	vperm.xlane v24, v4;
	_ =	sdelay $0x1  }
0xad: {  	vm9 =	vlt.s32 v24, v30  }
0xae: {  	v24 =	vsel vm9, v24, v30  }
0xaf: {  	vm9 =	veq.s32 v24, v3;
	vm10 =	veq.s32 v24, v7  }
0xb0: {  	v26 =	vsel vm9, $0xFF61B1E6, v26;
	v27 =	vsel vm10, $0xFF61B1E6, v27;
	vm9 =	veq.s32 v24, v6  }
0xb1: {  	v28 =	vsel vm9, $0xFF61B1E6, v55;
	vm9 =	veq.s32 v24, v5;
	v58 =	vmax.f32 v26, v27  }
0xb2: {  	v25 =	vsel vm9, $0xFF61B1E6, v25;
	v30 =	vmax.f32 v58, v28  }
0xb3: {  	v30 =	vmax.f32 v30, v25  }
0xb4: {  	v31 =	vperm.xlane v30, v0;
	_ =	sdelay $0x1  }
0xb5: {  	v30 =	vmax.f32 v30, v31  }
0xb6: {  	v31 =	vperm.xlane v30, v1;
	_ =	sdelay $0x1  }
0xb7: {  	v30 =	vmax.f32 v30, v31  }
0xb8: {  	v31 =	vperm.xlane v30, v2;
	_ =	sdelay $0x1  }
0xb9: {  	v30 =	vmax.f32 v30, v31  }
0xba: {  	v31 =	vperm.xlane v30, v4;
	_ =	sdelay $0x1  }
0xbb: {  	v30 =	vmax.f32 v30, v31  }
0xbc: {  	vm9 =	veq.f32 v25, v30  }
0xbd: {  	vm10 =	veq.f32 v28, v30;
	v59 =	vnsel vm9, $0x80, v5  }
0xbe: {  	vm9 =	veq.f32 v27, v30;
	v31 =	vsel vm10, v6, v59  }
0xbf: {  	vm10 =	veq.f32 v26, v30;
	v31 =	vsel vm9, v7, v31  }
0xc0: {  	v31 =	vsel vm10, v3, v31  }
0xc1: {  	v32 =	vperm.xlane v31, v0;
	_ =	sdelay $0x1  }
0xc2: {  	vm9 =	vlt.s32 v31, v32  }
0xc3: {  	v31 =	vsel vm9, v31, v32  }
0xc4: {  	v32 =	vperm.xlane v31, v1;
	_ =	sdelay $0x1  }
0xc5: {  	vm9 =	vlt.s32 v31, v32  }
0xc6: {  	v31 =	vsel vm9, v31, v32  }
0xc7: {  	v32 =	vperm.xlane v31, v2;
	_ =	sdelay $0x1  }
0xc8: {  	vm9 =	vlt.s32 v31, v32  }
0xc9: {  	v31 =	vsel vm9, v31, v32  }
0xca: {  	v32 =	vperm.xlane v31, v4;
	_ =	sdelay $0x1  }
0xcb: {  	vm9 =	vlt.s32 v31, v32  }
0xcc: {  	v31 =	vsel vm9, v31, v32  }
0xcd: {  	vm9 =	veq.s32 v31, v3;
	vm10 =	veq.s32 v31, v7  }
0xce: {  	v26 =	vsel vm9, $0xFF61B1E6, v26;
	v27 =	vsel vm10, $0xFF61B1E6, v27;
	vm9 =	veq.s32 v31, v6  }
0xcf: {  	v28 =	vsel vm9, $0xFF61B1E6, v28;
	vm9 =	veq.s32 v31, v5;
	v60 =	vmax.f32 v26, v27  }
0xd0: {  	v25 =	vsel vm9, $0xFF61B1E6, v25;
	v32 =	vmax.f32 v60, v28  }
0xd1: {  	v32 =	vmax.f32 v32, v25  }
0xd2: {  	v33 =	vperm.xlane v32, v0;
	_ =	sdelay $0x1  }
0xd3: {  	v32 =	vmax.f32 v32, v33  }
0xd4: {  	v33 =	vperm.xlane v32, v1;
	_ =	sdelay $0x1  }
0xd5: {  	v32 =	vmax.f32 v32, v33  }
0xd6: {  	v33 =	vperm.xlane v32, v2;
	_ =	sdelay $0x1  }
0xd7: {  	v32 =	vmax.f32 v32, v33  }
0xd8: {  	v33 =	vperm.xlane v32, v4;
	_ =	sdelay $0x1  }
0xd9: {  	v32 =	vmax.f32 v32, v33  }
0xda: {  	vm9 =	veq.f32 v25, v32  }
0xdb: {  	vm10 =	veq.f32 v28, v32;
	v61 =	vnsel vm9, $0x80, v5  }
0xdc: {  	vm9 =	veq.f32 v27, v32;
	v33 =	vsel vm10, v6, v61  }
0xdd: {  	vm10 =	veq.f32 v26, v32;
	v33 =	vsel vm9, v7, v33  }
0xde: {  	v33 =	vsel vm10, v3, v33  }
0xdf: {  	v34 =	vperm.xlane v33, v0;
	_ =	sdelay $0x1  }
0xe0: {  	vm9 =	vlt.s32 v33, v34  }
0xe1: {  	v33 =	vsel vm9, v33, v34  }
0xe2: {  	v34 =	vperm.xlane v33, v1;
	_ =	sdelay $0x1  }
0xe3: {  	vm9 =	vlt.s32 v33, v34  }
0xe4: {  	v33 =	vsel vm9, v33, v34  }
0xe5: {  	v34 =	vperm.xlane v33, v2;
	_ =	sdelay $0x1  }
0xe6: {  	vm9 =	vlt.s32 v33, v34  }
0xe7: {  	v33 =	vsel vm9, v33, v34  }
0xe8: {  	v34 =	vperm.xlane v33, v4;
	_ =	sdelay $0x1  }
0xe9: {  	vm9 =	vlt.s32 v33, v34  }
0xea: {  	v33 =	vsel vm9, v33, v34  }
0xeb: {  	vm9 =	veq.s32 v33, v3;
	vm10 =	veq.s32 v33, v7  }
0xec: {  	v26 =	vsel vm9, $0xFF61B1E6, v26;
	v27 =	vsel vm10, $0xFF61B1E6, v27;
	vm9 =	veq.s32 v33, v6  }
0xed: {  	v28 =	vsel vm9, $0xFF61B1E6, v28;
	vm9 =	veq.s32 v33, v5;
	v62 =	vmax.f32 v26, v27  }
0xee: {  	v25 =	vsel vm9, $0xFF61B1E6, v25;
	v34 =	vmax.f32 v62, v28  }
0xef: {  	v34 =	vmax.f32 v34, v25  }
0xf0: {  	v35 =	vperm.xlane v34, v0;
	_ =	sdelay $0x1  }
0xf1: {  	v34 =	vmax.f32 v34, v35  }
0xf2: {  	v35 =	vperm.xlane v34, v1;
	_ =	sdelay $0x1  }
0xf3: {  	v17 =	vnsel vm0, $0xFF61B1E6, v17;
	v34 =	vmax.f32 v34, v35  }
0xf4: {  	v17 =	vsel vm1, v17, v19;
	v63 =	vperm.xlane v34, v2  }
0xf5: {  	v17 =	vsel vm2, v17, v21  }
0xf6: {  	v17 =	vsel vm3, v17, v23;
	v19 =	vmax.f32 v34, v63  }
0xf7: {  	v17 =	vsel vm4, v17, v29;
	v35 =	vperm.xlane v19, v4  }
0xf8: {  	v17 =	vsel vm5, v17, v30  }
0xf9: {  	v17 =	vsel vm6, v17, v32;
	v19 =	vmax.f32 v19, v35  }
0xfa: {  	v17 =	vsel vm7, v17, v19  }
0xfb: {  	v36 =	vperm.xlane v17, v0;
	_ =	sdelay $0x1  }
0xfc: {  	v21 =	vmax.f32 v17, v36  }
0xfd: {  	v37 =	vperm.xlane v21, v1;
	_ =	sdelay $0x1  }
0xfe: {  	v21 =	vmax.f32 v21, v37  }
0xff: {  	v23 =	vperm.xlane v21, v2;
	_ =	sdelay $0x1  }
0x100: {  	v21 =	vmax.f32 v21, v23  }
0x101: {  	v23 =	vperm.xlane v21, v4;
	_ =	sdelay $0x1  }
0x102: {  	v21 =	vmax.f32 v21, v23  }
0x103: {  	v17 =	vsub.f32 v17, v21;
	_ =	sdelay $0x1  }
0x104: {  	v17 =	vmul.f32 $1.442695020e+00, v17;
	_ =	sdelay $0x1  }
0x105: {  	(erf) = vpow2.f32 v17;
	_ =	sdelay $0x8  }
0x106: {  	v17 =	vpop (erf)  }
0x107: {  	v17 =	vnsel vm8, $0x0, v17  }
0x108: {  	v38 =	vperm.xlane v17, v0;
	_ =	sdelay $0x1  }
0x109: {  	v21 =	vadd.f32 v17, v38  }
0x10a: {  	vm9 =	veq.f32 v25, v19  }
0x10b: {  	vm10 =	veq.f32 v28, v19;
	v25 =	vnsel vm9, $0x80, v5;
	v39 =	vperm.xlane v21, v1  }
0x10c: {  	vm9 =	veq.f32 v27, v19;
	v40 =	vsel vm10, v6, v25  }
0x10d: {  	vm10 =	veq.f32 v26, v19;
	v41 =	vsel vm9, v7, v40;
	v21 =	vadd.f32 v21, v39  }
0x10e: {  	v19 =	vsel vm10, v3, v41  }
0x10f: {  	v43 =	vperm.xlane v19, v0;
	v42 =	vperm.xlane v21, v2;
	_ =	sdelay $0x1  }
0x110: {  	vm9 =	vlt.s32 v19, v43;
	v21 =	vadd.f32 v21, v42  }
0x111: {  	v19 =	vsel vm9, v19, v43  }
0x112: {  	v25 =	vperm.xlane v19, v1;
	v23 =	vperm.xlane v21, v4;
	_ =	sdelay $0x1  }
0x113: {  	vm9 =	vlt.s32 v19, v25;
	v21 =	vadd.f32 v21, v23  }
0x114: {  	v19 =	vsel vm9, v19, v25  }
0x115: {  	v44 =	vperm.xlane v19, v2;
	(erf) = vrcp.f32 v21  }
0x116: {  	v16 =	vnsel vm0, $0x0, v16  }
0x117: {  	v16 =	vsel vm1, v16, v18;
	vm9 =	vlt.s32 v19, v44  }
0x118: {  	v16 =	vsel vm2, v16, v20;
	v45 =	vsel vm9, v19, v44  }
0x119: {  	v16 =	vsel vm3, v16, v22;
	v19 =	vperm.xlane v45, v4  }
0x11a: {  	v16 =	vsel vm4, v16, v24  }
0x11b: {  	v16 =	vsel vm5, v16, v31;
	vm9 =	vlt.s32 v45, v19  }
0x11c: {  	v16 =	vsel vm6, v16, v33;
	v18 =	vsel vm9, v45, v19  }
0x11d: {  	v16 =	vsel vm7, v16, v18  }
0x11e: {  	v18 =	vperm.xlane v16, v8;
	v49 =	vperm.xlane v16, v9;
	v46 =	vpop (erf)  }
0x11f: {  	v52 =	vperm.xlane v16, v10;
	v17 =	vmul.f32 v46, v17  }
0x120: {  	v56 =	vperm.xlane v16, v11;
	v59 =	vperm.xlane v16, v12  }
0x121: {  	v61 =	vperm.xlane v16, v13;
	v19 =	vperm.xlane v17, v8  }
0x122: {  	v63 =	vperm.xlane v16, v14;
	vm9 =	veq.s32 v18, v3;
	vm10 =	veq.s32 v18, v7  }
0x123: {  	v50 =	vperm.xlane v17, v9;
	v47 =	vnsel vm9, $0x0, v19;
	vm9 =	veq.s32 v18, v6  }
0x124: {  	v53 =	vperm.xlane v17, v10;
	v51 =	vnsel vm9, $0x0, v19;
	vm9 =	veq.s32 v49, v3  }
0x125: {  	v48 =	vnsel vm10, $0x0, v19;
	v20 =	vsel vm9, v50, v47;
	vm9 =	veq.s32 v49, v7  }
0x126: {  	vm10 =	veq.s32 v18, v5;
	v21 =	vsel vm9, v50, v48;
	vm9 =	veq.s32 v49, v6  }
0x127: {  	v19 =	vnsel vm10, $0x0, v19;
	v23 =	vsel vm9, v50, v51;
	vm9 =	veq.s32 v49, v5  }
0x128: {  	v58 =	vperm.xlane v17, v11;
	v18 =	vsel vm9, v50, v19;
	vm9 =	veq.s32 v52, v7  }
0x129: {  	v60 =	vperm.xlane v17, v12;
	v55 =	vsel vm9, v53, v21;
	vm9 =	veq.s32 v52, v6  }
0x12a: {  	vm10 =	veq.s32 v52, v3;
	v57 =	vsel vm9, v53, v23;
	vm9 =	veq.s32 v52, v5  }
0x12b: {  	v54 =	vsel vm10, v53, v20;
	v18 =	vsel vm9, v53, v18;
	vm9 =	veq.s32 v56, v3  }
0x12c: {  	v62 =	vperm.xlane v17, v13;
	v19 =	vsel vm9, v58, v54;
	vm9 =	veq.s32 v56, v6  }
0x12d: {  	vm10 =	veq.s32 v56, v7;
	v22 =	vsel vm9, v58, v57;
	vm9 =	veq.s32 v59, v3  }
0x12e: {  	v20 =	vsel vm10, v58, v55;
	v19 =	vsel vm9, v60, v19;
	vm9 =	veq.s32 v59, v7  }
0x12f: {  	vm10 =	veq.s32 v56, v5;
	v20 =	vsel vm9, v60, v20;
	vm9 =	veq.s32 v59, v6  }
0x130: {  	v18 =	vsel vm10, v58, v18;
	v22 =	vsel vm9, v60, v22;
	vm9 =	veq.s32 v59, v5  }
0x131: {  	v16 =	vperm.xlane v16, v15;
	v18 =	vsel vm9, v60, v18;
	vm9 =	veq.s32 v61, v7  }
0x132: {  	v24 =	vperm.xlane v17, v14;
	v20 =	vsel vm9, v62, v20;
	vm9 =	veq.s32 v61, v6  }
0x133: {  	vm10 =	veq.s32 v61, v3;
	v22 =	vsel vm9, v62, v22;
	vm9 =	veq.s32 v61, v5  }
0x134: {  	v19 =	vsel vm10, v62, v19;
	v18 =	vsel vm9, v62, v18;
	vm9 =	veq.s32 v63, v3  }
0x135: {  	v17 =	vperm.xlane v17, v15;
	v19 =	vsel vm9, v24, v19;
	vm9 =	veq.s32 v63, v7  }
0x136: {  	vm10 =	veq.s32 v16, v3;
	v20 =	vsel vm9, v24, v20;
	vm9 =	veq.s32 v63, v6  }
0x137: {  	v19 =	vsel vm10, v17, v19;
	v22 =	vsel vm9, v24, v22;
	vm9 =	veq.s32 v16, v7  }
0x138: {  	vm10 =	veq.s32 v63, v5;
	[tilespmem:$0x80] =	vst v19;
	v20 =	vsel vm9, v17, v20;
	vm9 =	veq.s32 v16, v6  }
0x139: {  	v18 =	vsel vm10, v24, v18;
	v26 =	vsel vm9, v17, v22;
	vm9 =	veq.s32 v16, v5;
	[tilespmem:$0x90] =	vst v20  }
0x13a: {  	v16 =	vsel vm9, v17, v18;
	[tilespmem:$0xA0] =	vst v26  }
0x13b: {  	[tilespmem:$0xB0] =	vst v16  }
0x13c: {  	[hbm4b:s4+s1] =	stream.linear.scatter [tilespmem:s9], [sflag:$0x1], $0x80, $0x38;
	[tilespmem:$0x100] =	vst v63  }
0x13d: {  	_ =	swait.ge [sflag:s8], $0x80  }
0x13e: {  	[sflag:s8] =	ssyncset.done $0x0  }
0x13f: {  	[sflag:s8] =	ssyncadd.s32 $0xFFFFFF80  }
0x140: {  	[tilespmem:s1], [sflag:$0x1] =	stream.linear.gather [hbm4b:s5+s1], $0x80, $0x38;
	[tilespmem:$0x100] =	vst v63  }
0x141: {  	_ =	swait.ge [sflag:s8], $0x80  }
0x142: {  	[sflag:s8] =	ssyncset.done $0x0  }
0x143: {  	[sflag:s8] =	ssyncadd.s32 $0xFFFFFF80  }
0x144: {  	v27 =	vld [tilespmem:$0x0]  }
0x145: {  	v28 =	vld [tilespmem:$0x10]  }
0x146: {  	v29 =	vld [tilespmem:$0x20]  }
0x147: {  	v30 =	vld [tilespmem:$0x30];
	_ =	sdelay $0x2  }
0x148: {  	v16 =	vmax.f32 v27, v28  }
0x149: {  	v16 =	vmax.f32 v16, v29  }
0x14a: {  	v16 =	vmax.f32 v16, v30  }
0x14b: {  	v17 =	vperm.xlane v16, v0;
	_ =	sdelay $0x1  }
0x14c: {  	v16 =	vmax.f32 v16, v17  }
0x14d: {  	v17 =	vperm.xlane v16, v1;
	_ =	sdelay $0x1  }
0x14e: {  	v16 =	vmax.f32 v16, v17  }
0x14f: {  	v17 =	vperm.xlane v16, v2;
	_ =	sdelay $0x1  }
0x150: {  	v16 =	vmax.f32 v16, v17  }
0x151: {  	v17 =	vperm.xlane v16, v4;
	_ =	sdelay $0x1  }
0x152: {  	v17 =	vmax.f32 v16, v17  }
0x153: {  	vm9 =	veq.f32 v30, v17  }
0x154: {  	vm10 =	veq.f32 v29, v17;
	v16 =	vnsel vm9, $0x80, v5  }
0x155: {  	vm9 =	veq.f32 v28, v17;
	v16 =	vsel vm10, v6, v16  }
0x156: {  	vm10 =	veq.f32 v27, v17;
	v16 =	vsel vm9, v7, v16  }
0x157: {  	v16 =	vsel vm10, v3, v16  }
0x158: {  	v31 =	vperm.xlane v16, v0;
	_ =	sdelay $0x1  }
0x159: {  	vm9 =	vlt.s32 v16, v31  }
0x15a: {  	v16 =	vsel vm9, v16, v31  }
0x15b: {  	v22 =	vperm.xlane v16, v1;
	_ =	sdelay $0x1  }
0x15c: {  	vm9 =	vlt.s32 v16, v22  }
0x15d: {  	v16 =	vsel vm9, v16, v22  }
0x15e: {  	v22 =	vperm.xlane v16, v2;
	_ =	sdelay $0x1  }
0x15f: {  	vm9 =	vlt.s32 v16, v22  }
0x160: {  	v16 =	vsel vm9, v16, v22  }
0x161: {  	v22 =	vperm.xlane v16, v4;
	_ =	sdelay $0x1  }
0x162: {  	vm9 =	vlt.s32 v16, v22  }
0x163: {  	v16 =	vsel vm9, v16, v22  }
0x164: {  	vm9 =	veq.s32 v16, v3;
	vm10 =	veq.s32 v16, v7  }
0x165: {  	v32 =	vsel vm9, $0xFF61B1E6, v27;
	v33 =	vsel vm10, $0xFF61B1E6, v28;
	vm9 =	veq.s32 v16, v6  }
0x166: {  	v20 =	vsel vm9, $0xFF61B1E6, v29;
	vm9 =	veq.s32 v16, v5;
	v18 =	vmax.f32 v32, v33  }
0x167: {  	v21 =	vsel vm9, $0xFF61B1E6, v30;
	v18 =	vmax.f32 v18, v20  }
0x168: {  	v18 =	vmax.f32 v18, v21  }
0x169: {  	v34 =	vperm.xlane v18, v0;
	_ =	sdelay $0x1  }
0x16a: {  	v18 =	vmax.f32 v18, v34  }
0x16b: {  	v19 =	vperm.xlane v18, v1;
	_ =	sdelay $0x1  }
0x16c: {  	v18 =	vmax.f32 v18, v19  }
0x16d: {  	v19 =	vperm.xlane v18, v2;
	_ =	sdelay $0x1  }
0x16e: {  	v18 =	vmax.f32 v18, v19  }
0x16f: {  	v19 =	vperm.xlane v18, v4;
	_ =	sdelay $0x1  }
0x170: {  	v19 =	vmax.f32 v18, v19  }
0x171: {  	vm9 =	veq.f32 v21, v19  }
0x172: {  	vm10 =	veq.f32 v20, v19;
	v35 =	vnsel vm9, $0x80, v5  }
0x173: {  	vm9 =	veq.f32 v33, v19;
	v18 =	vsel vm10, v6, v35  }
0x174: {  	vm10 =	veq.f32 v32, v19;
	v18 =	vsel vm9, v7, v18  }
0x175: {  	v18 =	vsel vm10, v3, v18  }
0x176: {  	v36 =	vperm.xlane v18, v0;
	_ =	sdelay $0x1  }
0x177: {  	vm9 =	vlt.s32 v18, v36  }
0x178: {  	v18 =	vsel vm9, v18, v36  }
0x179: {  	v24 =	vperm.xlane v18, v1;
	_ =	sdelay $0x1  }
0x17a: {  	vm9 =	vlt.s32 v18, v24  }
0x17b: {  	v18 =	vsel vm9, v18, v24  }
0x17c: {  	v24 =	vperm.xlane v18, v2;
	_ =	sdelay $0x1  }
0x17d: {  	vm9 =	vlt.s32 v18, v24  }
0x17e: {  	v18 =	vsel vm9, v18, v24  }
0x17f: {  	v24 =	vperm.xlane v18, v4;
	_ =	sdelay $0x1  }
0x180: {  	vm9 =	vlt.s32 v18, v24  }
0x181: {  	v18 =	vsel vm9, v18, v24  }
0x182: {  	vm9 =	veq.s32 v18, v3;
	vm10 =	veq.s32 v18, v7  }
0x183: {  	v22 =	vsel vm9, $0xFF61B1E6, v32;
	v23 =	vsel vm10, $0xFF61B1E6, v33;
	vm9 =	veq.s32 v18, v6  }
0x184: {  	v37 =	vsel vm9, $0xFF61B1E6, v20;
	vm9 =	veq.s32 v18, v5;
	v38 =	vmax.f32 v22, v23  }
0x185: {  	v39 =	vsel vm9, $0xFF61B1E6, v21;
	v20 =	vmax.f32 v38, v37  }
0x186: {  	v20 =	vmax.f32 v20, v39  }
0x187: {  	v40 =	vperm.xlane v20, v0;
	_ =	sdelay $0x1  }
0x188: {  	v20 =	vmax.f32 v20, v40  }
0x189: {  	v21 =	vperm.xlane v20, v1;
	_ =	sdelay $0x1  }
0x18a: {  	v20 =	vmax.f32 v20, v21  }
0x18b: {  	v21 =	vperm.xlane v20, v2;
	_ =	sdelay $0x1  }
0x18c: {  	v20 =	vmax.f32 v20, v21  }
0x18d: {  	v21 =	vperm.xlane v20, v4;
	_ =	sdelay $0x1  }
0x18e: {  	v21 =	vmax.f32 v20, v21  }
0x18f: {  	vm9 =	veq.f32 v39, v21  }
0x190: {  	vm10 =	veq.f32 v37, v21;
	v41 =	vnsel vm9, $0x80, v5  }
0x191: {  	vm9 =	veq.f32 v23, v21;
	v20 =	vsel vm10, v6, v41  }
0x192: {  	vm10 =	veq.f32 v22, v21;
	v20 =	vsel vm9, v7, v20  }
0x193: {  	v20 =	vsel vm10, v3, v20  }
0x194: {  	v42 =	vperm.xlane v20, v0;
	_ =	sdelay $0x1  }
0x195: {  	vm9 =	vlt.s32 v20, v42  }
0x196: {  	v20 =	vsel vm9, v20, v42  }
0x197: {  	v26 =	vperm.xlane v20, v1;
	_ =	sdelay $0x1  }
0x198: {  	vm9 =	vlt.s32 v20, v26  }
0x199: {  	v20 =	vsel vm9, v20, v26  }
0x19a: {  	v26 =	vperm.xlane v20, v2;
	_ =	sdelay $0x1  }
0x19b: {  	vm9 =	vlt.s32 v20, v26  }
0x19c: {  	v20 =	vsel vm9, v20, v26  }
0x19d: {  	v26 =	vperm.xlane v20, v4;
	_ =	sdelay $0x1  }
0x19e: {  	vm9 =	vlt.s32 v20, v26  }
0x19f: {  	v20 =	vsel vm9, v20, v26  }
0x1a0: {  	vm9 =	veq.s32 v20, v3;
	vm10 =	veq.s32 v20, v7  }
0x1a1: {  	v43 =	vsel vm9, $0xFF61B1E6, v22;
	v44 =	vsel vm10, $0xFF61B1E6, v23;
	vm9 =	veq.s32 v20, v6  }
0x1a2: {  	v24 =	vsel vm9, $0xFF61B1E6, v37;
	vm9 =	veq.s32 v20, v5;
	v22 =	vmax.f32 v43, v44  }
0x1a3: {  	v25 =	vsel vm9, $0xFF61B1E6, v39;
	v22 =	vmax.f32 v22, v24  }
0x1a4: {  	v22 =	vmax.f32 v22, v25  }
0x1a5: {  	v45 =	vperm.xlane v22, v0;
	_ =	sdelay $0x1  }
0x1a6: {  	v22 =	vmax.f32 v22, v45  }
0x1a7: {  	v23 =	vperm.xlane v22, v1;
	_ =	sdelay $0x1  }
0x1a8: {  	v22 =	vmax.f32 v22, v23  }
0x1a9: {  	v23 =	vperm.xlane v22, v2;
	_ =	sdelay $0x1  }
0x1aa: {  	v22 =	vmax.f32 v22, v23  }
0x1ab: {  	v23 =	vperm.xlane v22, v4;
	_ =	sdelay $0x1  }
0x1ac: {  	v23 =	vmax.f32 v22, v23  }
0x1ad: {  	vm9 =	veq.f32 v25, v23  }
0x1ae: {  	vm10 =	veq.f32 v24, v23;
	v46 =	vnsel vm9, $0x80, v5  }
0x1af: {  	vm9 =	veq.f32 v44, v23;
	v22 =	vsel vm10, v6, v46  }
0x1b0: {  	vm10 =	veq.f32 v43, v23;
	v22 =	vsel vm9, v7, v22  }
0x1b1: {  	v22 =	vsel vm10, v3, v22  }
0x1b2: {  	v47 =	vperm.xlane v22, v0;
	_ =	sdelay $0x1  }
0x1b3: {  	vm9 =	vlt.s32 v22, v47  }
0x1b4: {  	v22 =	vsel vm9, v22, v47  }
0x1b5: {  	v28 =	vperm.xlane v22, v1;
	_ =	sdelay $0x1  }
0x1b6: {  	vm9 =	vlt.s32 v22, v28  }
0x1b7: {  	v22 =	vsel vm9, v22, v28  }
0x1b8: {  	v28 =	vperm.xlane v22, v2;
	_ =	sdelay $0x1  }
0x1b9: {  	vm9 =	vlt.s32 v22, v28  }
0x1ba: {  	v22 =	vsel vm9, v22, v28  }
0x1bb: {  	v28 =	vperm.xlane v22, v4;
	_ =	sdelay $0x1  }
0x1bc: {  	vm9 =	vlt.s32 v22, v28  }
0x1bd: {  	v22 =	vsel vm9, v22, v28  }
0x1be: {  	vm9 =	veq.s32 v22, v3;
	vm10 =	veq.s32 v22, v7  }
0x1bf: {  	v26 =	vsel vm9, $0xFF61B1E6, v43;
	v27 =	vsel vm10, $0xFF61B1E6, v44;
	vm9 =	veq.s32 v22, v6  }
0x1c0: {  	v48 =	vsel vm9, $0xFF61B1E6, v24;
	vm9 =	veq.s32 v22, v5;
	v49 =	vmax.f32 v26, v27  }
0x1c1: {  	v25 =	vsel vm9, $0xFF61B1E6, v25;
	v24 =	vmax.f32 v49, v48  }
0x1c2: {  	v24 =	vmax.f32 v24, v25  }
0x1c3: {  	v50 =	vperm.xlane v24, v0;
	_ =	sdelay $0x1  }
0x1c4: {  	v24 =	vmax.f32 v24, v50  }
0x1c5: {  	v29 =	vperm.xlane v24, v1;
	_ =	sdelay $0x1  }
0x1c6: {  	v24 =	vmax.f32 v24, v29  }
0x1c7: {  	v29 =	vperm.xlane v24, v2;
	_ =	sdelay $0x1  }
0x1c8: {  	v24 =	vmax.f32 v24, v29  }
0x1c9: {  	v29 =	vperm.xlane v24, v4;
	_ =	sdelay $0x1  }
0x1ca: {  	v29 =	vmax.f32 v24, v29  }
0x1cb: {  	vm9 =	veq.f32 v25, v29  }
0x1cc: {  	vm10 =	veq.f32 v48, v29;
	v51 =	vnsel vm9, $0x80, v5  }
0x1cd: {  	vm9 =	veq.f32 v27, v29;
	v24 =	vsel vm10, v6, v51  }
0x1ce: {  	vm10 =	veq.f32 v26, v29;
	v24 =	vsel vm9, v7, v24  }
0x1cf: {  	v24 =	vsel vm10, v3, v24  }
0x1d0: {  	v52 =	vperm.xlane v24, v0;
	_ =	sdelay $0x1  }
0x1d1: {  	vm9 =	vlt.s32 v24, v52  }
0x1d2: {  	v24 =	vsel vm9, v24, v52  }
0x1d3: {  	v30 =	vperm.xlane v24, v1;
	_ =	sdelay $0x1  }
0x1d4: {  	vm9 =	vlt.s32 v24, v30  }
0x1d5: {  	v24 =	vsel vm9, v24, v30  }
0x1d6: {  	v30 =	vperm.xlane v24, v2;
	_ =	sdelay $0x1  }
0x1d7: {  	vm9 =	vlt.s32 v24, v30  }
0x1d8: {  	v24 =	vsel vm9, v24, v30  }
0x1d9: {  	v30 =	vperm.xlane v24, v4;
	_ =	sdelay $0x1  }
0x1da: {  	vm9 =	vlt.s32 v24, v30  }
0x1db: {  	v24 =	vsel vm9, v24, v30  }
0x1dc: {  	vm9 =	veq.s32 v24, v3;
	vm10 =	veq.s32 v24, v7  }
0x1dd: {  	v26 =	vsel vm9, $0xFF61B1E6, v26;
	v27 =	vsel vm10, $0xFF61B1E6, v27;
	vm9 =	veq.s32 v24, v6  }
0x1de: {  	v28 =	vsel vm9, $0xFF61B1E6, v48;
	vm9 =	veq.s32 v24, v5;
	v53 =	vmax.f32 v26, v27  }
0x1df: {  	v25 =	vsel vm9, $0xFF61B1E6, v25;
	v30 =	vmax.f32 v53, v28  }
0x1e0: {  	v30 =	vmax.f32 v30, v25  }
0x1e1: {  	v54 =	vperm.xlane v30, v0;
	_ =	sdelay $0x1  }
0x1e2: {  	v30 =	vmax.f32 v30, v54  }
0x1e3: {  	v31 =	vperm.xlane v30, v1;
	_ =	sdelay $0x1  }
0x1e4: {  	v30 =	vmax.f32 v30, v31  }
0x1e5: {  	v31 =	vperm.xlane v30, v2;
	_ =	sdelay $0x1  }
0x1e6: {  	v30 =	vmax.f32 v30, v31  }
0x1e7: {  	v31 =	vperm.xlane v30, v4;
	_ =	sdelay $0x1  }
0x1e8: {  	v30 =	vmax.f32 v30, v31  }
0x1e9: {  	vm9 =	veq.f32 v25, v30  }
0x1ea: {  	vm10 =	veq.f32 v28, v30;
	v55 =	vnsel vm9, $0x80, v5  }
0x1eb: {  	vm9 =	veq.f32 v27, v30;
	v31 =	vsel vm10, v6, v55  }
0x1ec: {  	vm10 =	veq.f32 v26, v30;
	v31 =	vsel vm9, v7, v31  }
0x1ed: {  	v31 =	vsel vm10, v3, v31  }
0x1ee: {  	v56 =	vperm.xlane v31, v0;
	_ =	sdelay $0x1  }
0x1ef: {  	vm9 =	vlt.s32 v31, v56  }
0x1f0: {  	v31 =	vsel vm9, v31, v56  }
0x1f1: {  	v32 =	vperm.xlane v31, v1;
	_ =	sdelay $0x1  }
0x1f2: {  	vm9 =	vlt.s32 v31, v32  }
0x1f3: {  	v31 =	vsel vm9, v31, v32  }
0x1f4: {  	v32 =	vperm.xlane v31, v2;
	_ =	sdelay $0x1  }
0x1f5: {  	vm9 =	vlt.s32 v31, v32  }
0x1f6: {  	v31 =	vsel vm9, v31, v32  }
0x1f7: {  	v32 =	vperm.xlane v31, v4;
	_ =	sdelay $0x1  }
0x1f8: {  	vm9 =	vlt.s32 v31, v32  }
0x1f9: {  	v31 =	vsel vm9, v31, v32  }
0x1fa: {  	vm9 =	veq.s32 v31, v3;
	vm10 =	veq.s32 v31, v7  }
0x1fb: {  	v26 =	vsel vm9, $0xFF61B1E6, v26;
	v27 =	vsel vm10, $0xFF61B1E6, v27;
	vm9 =	veq.s32 v31, v6  }
0x1fc: {  	v28 =	vsel vm9, $0xFF61B1E6, v28;
	vm9 =	veq.s32 v31, v5;
	v57 =	vmax.f32 v26, v27  }
0x1fd: {  	v25 =	vsel vm9, $0xFF61B1E6, v25;
	v32 =	vmax.f32 v57, v28  }
0x1fe: {  	v32 =	vmax.f32 v32, v25  }
0x1ff: {  	v58 =	vperm.xlane v32, v0;
	_ =	sdelay $0x1  }
0x200: {  	v32 =	vmax.f32 v32, v58  }
0x201: {  	v33 =	vperm.xlane v32, v1;
	_ =	sdelay $0x1  }
0x202: {  	v32 =	vmax.f32 v32, v33  }
0x203: {  	v33 =	vperm.xlane v32, v2;
	_ =	sdelay $0x1  }
0x204: {  	v32 =	vmax.f32 v32, v33  }
0x205: {  	v33 =	vperm.xlane v32, v4;
	_ =	sdelay $0x1  }
0x206: {  	v32 =	vmax.f32 v32, v33  }
0x207: {  	vm9 =	veq.f32 v25, v32  }
0x208: {  	vm10 =	veq.f32 v28, v32;
	v59 =	vnsel vm9, $0x80, v5  }
0x209: {  	vm9 =	veq.f32 v27, v32;
	v33 =	vsel vm10, v6, v59  }
0x20a: {  	vm10 =	veq.f32 v26, v32;
	v33 =	vsel vm9, v7, v33  }
0x20b: {  	v33 =	vsel vm10, v3, v33  }
0x20c: {  	v60 =	vperm.xlane v33, v0;
	_ =	sdelay $0x1  }
0x20d: {  	vm9 =	vlt.s32 v33, v60  }
0x20e: {  	v33 =	vsel vm9, v33, v60  }
0x20f: {  	v34 =	vperm.xlane v33, v1;
	_ =	sdelay $0x1  }
0x210: {  	vm9 =	vlt.s32 v33, v34  }
0x211: {  	v33 =	vsel vm9, v33, v34  }
0x212: {  	v34 =	vperm.xlane v33, v2;
	_ =	sdelay $0x1  }
0x213: {  	vm9 =	vlt.s32 v33, v34  }
0x214: {  	v33 =	vsel vm9, v33, v34  }
0x215: {  	v34 =	vperm.xlane v33, v4;
	_ =	sdelay $0x1  }
0x216: {  	vm9 =	vlt.s32 v33, v34  }
0x217: {  	v33 =	vsel vm9, v33, v34  }
0x218: {  	vm9 =	veq.s32 v33, v3;
	vm10 =	veq.s32 v33, v7  }
0x219: {  	v26 =	vsel vm9, $0xFF61B1E6, v26;
	v27 =	vsel vm10, $0xFF61B1E6, v27;
	vm9 =	veq.s32 v33, v6  }
0x21a: {  	v28 =	vsel vm9, $0xFF61B1E6, v28;
	vm9 =	veq.s32 v33, v5;
	v61 =	vmax.f32 v26, v27  }
0x21b: {  	v25 =	vsel vm9, $0xFF61B1E6, v25;
	v34 =	vmax.f32 v61, v28  }
0x21c: {  	v34 =	vmax.f32 v34, v25  }
0x21d: {  	v62 =	vperm.xlane v34, v0;
	_ =	sdelay $0x1  }
0x21e: {  	v34 =	vmax.f32 v34, v62  }
0x21f: {  	v35 =	vperm.xlane v34, v1;
	_ =	sdelay $0x1  }
0x220: {  	v17 =	vnsel vm0, $0xFF61B1E6, v17;
	v34 =	vmax.f32 v34, v35  }
0x221: {  	v17 =	vsel vm1, v17, v19;
	v63 =	vperm.xlane v34, v2  }
0x222: {  	v17 =	vsel vm2, v17, v21  }
0x223: {  	v17 =	vsel vm3, v17, v23;
	v19 =	vmax.f32 v34, v63  }
0x224: {  	v17 =	vsel vm4, v17, v29;
	v29 =	vperm.xlane v19, v4  }
0x225: {  	v17 =	vsel vm5, v17, v30  }
0x226: {  	v17 =	vsel vm6, v17, v32;
	v19 =	vmax.f32 v19, v29  }
0x227: {  	v17 =	vsel vm7, v17, v19  }
0x228: {  	v32 =	vperm.xlane v17, v0;
	_ =	sdelay $0x1  }
0x229: {  	v21 =	vmax.f32 v17, v32  }
0x22a: {  	v34 =	vperm.xlane v21, v1;
	_ =	sdelay $0x1  }
0x22b: {  	v21 =	vmax.f32 v21, v34  }
0x22c: {  	v23 =	vperm.xlane v21, v2;
	_ =	sdelay $0x1  }
0x22d: {  	v21 =	vmax.f32 v21, v23  }
0x22e: {  	v23 =	vperm.xlane v21, v4;
	_ =	sdelay $0x1  }
0x22f: {  	v21 =	vmax.f32 v21, v23  }
0x230: {  	v17 =	vsub.f32 v17, v21;
	_ =	sdelay $0x1  }
0x231: {  	v17 =	vmul.f32 $1.442695020e+00, v17;
	_ =	sdelay $0x1  }
0x232: {  	(erf) = vpow2.f32 v17;
	_ =	sdelay $0x8  }
0x233: {  	v17 =	vpop (erf)  }
0x234: {  	v17 =	vnsel vm8, $0x0, v17  }
0x235: {  	v35 =	vperm.xlane v17, v0;
	_ =	sdelay $0x1  }
0x236: {  	vm9 =	veq.f32 v25, v19;
	v21 =	vadd.f32 v17, v35  }
0x237: {  	vm10 =	veq.f32 v28, v19;
	v37 =	vnsel vm9, $0x80, v5  }
0x238: {  	vm9 =	veq.f32 v27, v19;
	v23 =	vsel vm10, v6, v37;
	v36 =	vperm.xlane v21, v1  }
0x239: {  	vm10 =	veq.f32 v26, v19;
	v38 =	vsel vm9, v7, v23  }
0x23a: {  	v19 =	vsel vm10, v3, v38;
	v21 =	vadd.f32 v21, v36  }
0x23b: {  	v40 =	vperm.xlane v19, v0  }
0x23c: {  	v39 =	vperm.xlane v21, v2  }
0x23d: {  	vm9 =	vlt.s32 v19, v40  }
0x23e: {  	v19 =	vsel vm9, v19, v40;
	v21 =	vadd.f32 v21, v39  }
0x23f: {  	v41 =	vperm.xlane v19, v1  }
0x240: {  	v23 =	vperm.xlane v21, v4  }
0x241: {  	vm9 =	vlt.s32 v19, v41  }
0x242: {  	v19 =	vsel vm9, v19, v41;
	v21 =	vadd.f32 v21, v23  }
0x243: {  	v42 =	vperm.xlane v19, v2  }
0x244: {  	v16 =	vnsel vm0, $0x0, v16;
	(erf) = vrcp.f32 v21  }
0x245: {  	v16 =	vsel vm1, v16, v18;
	vm9 =	vlt.s32 v19, v42  }
0x246: {  	v16 =	vsel vm2, v16, v20;
	v43 =	vsel vm9, v19, v42  }
0x247: {  	v16 =	vsel vm3, v16, v22;
	v19 =	vperm.xlane v43, v4  }
0x248: {  	v16 =	vsel vm4, v16, v24  }
0x249: {  	v16 =	vsel vm5, v16, v31;
	vm9 =	vlt.s32 v43, v19  }
0x24a: {  	v16 =	vsel vm6, v16, v33;
	v18 =	vsel vm9, v43, v19  }
0x24b: {  	v16 =	vsel vm7, v16, v18  }
0x24c: {  	v18 =	vperm.xlane v16, v8;
	v47 =	vperm.xlane v16, v9  }
0x24d: {  	v50 =	vperm.xlane v16, v10;
	v54 =	vperm.xlane v16, v11;
	v44 =	vpop (erf)  }
0x24e: {  	v56 =	vperm.xlane v16, v12;
	v17 =	vmul.f32 v44, v17  }
0x24f: {  	v58 =	vperm.xlane v16, v13;
	v60 =	vperm.xlane v16, v14  }
0x250: {  	vm9 =	veq.s32 v18, v3;
	v19 =	vperm.xlane v17, v8;
	v48 =	vperm.xlane v17, v9  }
0x251: {  	vm10 =	veq.s32 v18, v7;
	v51 =	vperm.xlane v17, v10;
	v55 =	vperm.xlane v17, v11  }
0x252: {  	vm11 =	veq.s32 v47, v5;
	v57 =	vperm.xlane v17, v12;
	v59 =	vperm.xlane v17, v13  }
0x253: {  	v61 =	vperm.xlane v17, v14;
	v45 =	vnsel vm9, $0x0, v19;
	vm9 =	veq.s32 v18, v6  }
0x254: {  	v46 =	vnsel vm10, $0x0, v19;
	v49 =	vnsel vm9, $0x0, v19;
	vm9 =	veq.s32 v47, v3  }
0x255: {  	vm10 =	veq.s32 v18, v5;
	v20 =	vsel vm9, v48, v45;
	vm9 =	veq.s32 v47, v7  }
0x256: {  	v19 =	vnsel vm10, $0x0, v19;
	v21 =	vsel vm9, v48, v46;
	vm9 =	veq.s32 v50, v3  }
0x257: {  	vm10 =	veq.s32 v47, v6;
	v52 =	vsel vm9, v51, v20;
	vm9 =	veq.s32 v50, v7  }
0x258: {  	v23 =	vsel vm10, v48, v49;
	v53 =	vsel vm9, v51, v21;
	vm9 =	veq.s32 v50, v6  }
0x259: {  	v18 =	vsel vm11, v48, v19;
	v23 =	vsel vm9, v51, v23;
	vm9 =	veq.s32 v50, v5  }
0x25a: {  	vm10 =	veq.s32 v54, v7;
	v18 =	vsel vm9, v51, v18;
	vm9 =	veq.s32 v54, v3  }
0x25b: {  	vm11 =	veq.s32 v56, v5;
	v19 =	vsel vm9, v55, v52;
	vm9 =	veq.s32 v54, v6  }
0x25c: {  	v20 =	vsel vm10, v55, v53;
	v23 =	vsel vm9, v55, v23;
	vm9 =	veq.s32 v56, v3  }
0x25d: {  	vm10 =	veq.s32 v54, v5;
	v19 =	vsel vm9, v57, v19;
	vm9 =	veq.s32 v56, v7  }
0x25e: {  	v18 =	vsel vm10, v55, v18;
	v20 =	vsel vm9, v57, v20;
	vm9 =	veq.s32 v58, v3  }
0x25f: {  	vm10 =	veq.s32 v56, v6;
	v19 =	vsel vm9, v59, v19;
	vm9 =	veq.s32 v58, v7  }
0x260: {  	v23 =	vsel vm10, v57, v23;
	v20 =	vsel vm9, v59, v20;
	vm9 =	veq.s32 v58, v6  }
0x261: {  	v18 =	vsel vm11, v57, v18;
	v23 =	vsel vm9, v59, v23;
	vm9 =	veq.s32 v58, v5  }
0x262: {  	v16 =	vperm.xlane v16, v15;
	v18 =	vsel vm9, v59, v18;
	vm9 =	veq.s32 v60, v3  }
0x263: {  	v17 =	vperm.xlane v17, v15;
	v19 =	vsel vm9, v61, v19;
	vm9 =	veq.s32 v60, v7  }
0x264: {  	vm10 =	veq.s32 v16, v3;
	v20 =	vsel vm9, v61, v20;
	vm9 =	veq.s32 v60, v6  }
0x265: {  	v19 =	vsel vm10, v17, v19;
	v62 =	vsel vm9, v61, v23;
	vm9 =	veq.s32 v16, v7  }
0x266: {  	vm10 =	veq.s32 v60, v5;
	[tilespmem:$0x80] =	vst v19;
	v20 =	vsel vm9, v17, v20;
	vm9 =	veq.s32 v16, v6  }
0x267: {  	v18 =	vsel vm10, v61, v18;
	v63 =	vsel vm9, v17, v62;
	vm9 =	veq.s32 v16, v5;
	[tilespmem:$0x90] =	vst v20  }
0x268: {  	p0 =	sne.s32 s7, $0x1;
	v16 =	vsel vm9, v17, v18;
	[tilespmem:$0xA0] =	vst v63  }
.Ltmp0:
0x269: {  	[tilespmem:$0xB0] =	vst v16;
	(pc) =	sbr.rel @p0 .LBB2_1-.Ltmp0, $4  }
0x26a: {  	[hbm4b:s6+s1] =	stream.linear.scatter [tilespmem:s9], [sflag:$0x1], $0x80, $0x38;
	[tilespmem:$0x100] =	vst v63  }
0x26b: {  	_ =	swait.ge [sflag:s8], $0x80  }
0x26c: {  	[sflag:s8] =	ssyncset.done $0x0  }
0x26d: {  	s7 =	sadd.s32 $0xFFFFFFFF, s7;
	[sflag:s8] =	ssyncadd.s32 $0xFFFFFF80  }
0x26e: {  	_ =	sfence.sel $0x180000  }
0x26f: {  	[bflag:$0x0] =	sbarrier.arrive $0xFFFF  }
0x270: {  	p0 =	sne.s32 s2, $0x0;
	_ =	strace $0x90000047  }
0x271: {  	s0 =	sadd.s32 @!p0 $0x100000, s0;
	[bflag:$0x2] =	sbarrier.arrive $0xFFFF  }
0x272: {  	[sflag:s0] =	ssyncadd.tile.s32 @!p0 $0x1;
	_ =	shalt  }
.Lfunc_end2:
_tile_overlayer_lowered:
.L_overlay_start_2:
0x273: {  	(tag) =	ssettag $0x2  }
0x274: {  	s0 =	rddreg [dreg:$0x0];
	s2 =	stileid.u32  }
0x275: {  	s1 =	rddreg [dreg:$0x1];
	p0 =	sne.s32 s2, $0x0  }
0x276: {  	s3 =	rddreg [dreg:$0x2];
	[bflag:$0x3] =	sbarrier.arrive $0xFFFF;
	s2 =	simm.s32 @!p0 $0x1C01  }
0x277: {  	[timem:s3], [sflag:s2] =	dma.local @!p0 [hbm:s0], s1  }
0x278: {  	s0 =	simm.s32 @!p0 $0x1  }
0x279: {  	_ =	swait.ge @!p0 [sflag:s0], s1  }
0x27a: {  	s1 =	ssub.s32 @!p0 $0x0, s1;
	[sflag:s0] =	ssyncset.done @!p0 $0x0  }
0x27b: {  	[sflag:s0] =	ssyncadd.s32 @!p0 s1  }
0x27c: {  	[bflag:$0x3] =	sbarrier.arrive $0xFFFF  }
0x27d: {  	_ =	shalt  }

</sc_bundles>
